<compile_context>
chip_gen: v7x
topology: tpu7x:2x2x1
jax: 0.10.2.dev20260603
libtpu: 0.0.44.dev20260713+nightly
codegen_flags: <defaults>
</compile_context>

<pallas_src>
import functools

import jax
import jax.numpy as jnp
from jax import lax
from jax.experimental import pallas as pl
from jax.experimental.pallas import tpu as pltpu
from jax.experimental.pallas import tpu_sc as plsc

_L = 16
_NC = 2
_NS = 16
_NW = _NC * _NS
_BLK = 512


def _pick_chunk(ew, maxc=128):
  for c in range(maxc, 7, -8):
    if ew % c == 0:
      return c
  raise ValueError(f"no valid chunk for per-worker edge count {ew}")


def _make_deg(N_pad, E):
  ew = E // _NW
  sub = next(d for d in range(2048, 7, -8) if ew % d == 0)
  nsub = ew // sub
  nvec = sub // _L
  mesh = plsc.VectorSubcoreMesh(core_axis_name="c", subcore_axis_name="s")

  @functools.partial(
      pl.kernel,
      out_type=jax.ShapeDtypeStruct((_NW, 1, N_pad), jnp.float32),
      mesh=mesh,
      scratch_types=[
          pltpu.VMEM((sub,), jnp.int32),
          pltpu.VMEM((N_pad,), jnp.float32),
      ],
      compiler_params=pltpu.CompilerParams(needs_layout_passes=False),
  )
  def deg_kernel(dst_hbm, deg_hbm, idx_v, hist_v):
    c = lax.axis_index("c")
    s = lax.axis_index("s")
    u = c * _NS + s

    one16 = jnp.ones((_L,), jnp.float32)
    zero16 = jnp.zeros((_L,), jnp.float32)

    def fill_zero(i, _):
      hist_v[pl.ds(i * _L, _L)] = zero16
      return 0

    lax.fori_loop(0, N_pad // _L, fill_zero, 0)

    def subblk(b2, _):
      pltpu.sync_copy(dst_hbm.at[pl.ds(u * ew + b2 * sub, sub)], idx_v)

      def step(j, _):
        idx16 = idx_v[pl.ds(j * _L, _L)]
        plsc.addupdate_scatter(hist_v, [idx16], one16)
        return 0

      lax.fori_loop(0, nvec, step, 0)
      return 0

    lax.fori_loop(0, nsub, subblk, 0)

    pltpu.sync_copy(hist_v, deg_hbm.at[u, 0])

  return deg_kernel


def _pick_block(steps):
  for b in range(50, 0, -1):
    if steps % b == 0:
      return b
  return 1


def _make_agg(N_pad, D, E):
  ew = E // _NW
  chunk = _pick_chunk(ew)
  steps = ew // chunk
  bs = _pick_block(steps)
  nblk = steps // bs
  rows = N_pad // _NS
  nbuf = 3
  dist = 2
  mesh = plsc.VectorSubcoreMesh(core_axis_name="c", subcore_axis_name="s")

  @functools.partial(
      pl.kernel,
      out_type=jax.ShapeDtypeStruct((_NC, N_pad, D), jnp.float32),
      mesh=mesh,
      scratch_types=[
          pltpu.VMEM((bs, chunk), jnp.int32),
          pltpu.VMEM((bs, chunk), jnp.int32),
          [pltpu.VMEM((chunk, D), jnp.float32)] * nbuf,
          [pltpu.SemaphoreType.DMA] * nbuf,
          [pltpu.SemaphoreType.DMA] * nbuf,
          pltpu.VMEM_SHARED((N_pad, D), jnp.float32),
      ],
  )
  def agg_kernel(hp_hbm, zeros_hbm, src_hbm, dst_hbm, out_hbm,
                 src_v, dst_v, bufs, gsems, ssems, acc_sh):
    c = lax.axis_index("c")
    s = lax.axis_index("s")
    u = c * _NS + s
    r0 = s * rows

    @pl.when(c == 0)
    def _():
      pltpu.sync_copy(hp_hbm.at[pl.ds(r0, rows)], acc_sh.at[pl.ds(r0, rows)])

    @pl.when(c != 0)
    def _():
      pltpu.sync_copy(zeros_hbm.at[pl.ds(r0, rows)],
                      acc_sh.at[pl.ds(r0, rows)])

    plsc.subcore_barrier()

    def gather(j, k):
      pltpu.async_copy(hp_hbm.at[src_v.at[j]], bufs[k], gsems[k])

    def gather_wait(j, k):
      pltpu.make_async_copy(hp_hbm.at[src_v.at[j]], bufs[k], gsems[k]).wait()

    def scatter(j, k):
      return pltpu.async_copy(bufs[k], acc_sh.at[dst_v.at[j]], ssems[k],
                              add=True)

    def block(b, _):
      pltpu.sync_copy(src_hbm.at[u, b], src_v)
      pltpu.sync_copy(dst_hbm.at[u, b], dst_v)
      for j in range(min(dist, bs)):
        gather(j, j % nbuf)
      pending = {}
      for j in range(bs):
        k = j % nbuf
        gather_wait(j, k)
        pending[j] = scatter(j, k)
        jn = j + dist
        if jn < bs:
          kn = jn % nbuf
          if jn >= nbuf:
            pending.pop(jn - nbuf).wait()
          gather(jn, kn)
      for j in sorted(pending):
        pending.pop(j).wait()
      return 0

    lax.fori_loop(0, nblk, block, 0)
    plsc.subcore_barrier()
    pltpu.sync_copy(acc_sh.at[pl.ds(r0, rows)],
                    out_hbm.at[c, pl.ds(r0, rows)])

  return agg_kernel


def _scale_body(x_ref, w_ref, d_ref, hp_ref, dis_ref):
  deg = jnp.sum(d_ref[:, 0, :], axis=0) + 1.0
  dis = lax.rsqrt(deg)
  dis_ref[...] = dis
  h = jnp.dot(x_ref[...], w_ref[...], preferred_element_type=jnp.float32)
  hp_ref[...] = h * dis[:, None]


def _finish_body(p0_ref, p1_ref, dis_ref, b_ref, out_ref):
  acc = (p0_ref[0] + p1_ref[0]) * dis_ref[...][:, None] + b_ref[...][None, :]
  m = jnp.max(acc, axis=1, keepdims=True)
  lse = jnp.log(jnp.sum(jnp.exp(acc - m), axis=1, keepdims=True)) + m
  out_ref[...] = acc - lse


def kernel(x, edge_index, W, b):
  N, D_in = x.shape
  D = W.shape[1]
  E = edge_index.shape[1]
  unit = 2560
  N_pad = ((N + unit - 1) // unit) * unit
  grid = N_pad // _BLK

  src = edge_index[0].astype(jnp.int32)
  dst = edge_index[1].astype(jnp.int32)
  x_pad = jnp.pad(x, ((0, N_pad - N), (0, 0)))
  zeros2d = jnp.zeros((N_pad, D), jnp.float32)

  deg_parts3 = _make_deg(N_pad, E)(dst)

  hp, dis = pl.pallas_call(
      _scale_body,
      grid=(grid,),
      in_specs=[
          pl.BlockSpec((_BLK, D_in), lambda i: (i, 0)),
          pl.BlockSpec((D_in, D), lambda i: (0, 0)),
          pl.BlockSpec((_NW, 1, _BLK), lambda i: (0, 0, i)),
      ],
      out_specs=[
          pl.BlockSpec((_BLK, D), lambda i: (i, 0)),
          pl.BlockSpec((_BLK,), lambda i: (i,)),
      ],
      out_shape=[
          jax.ShapeDtypeStruct((N_pad, D), jnp.float32),
          jax.ShapeDtypeStruct((N_pad,), jnp.float32),
      ],
  )(x_pad, W, deg_parts3)

  agg_chunk = _pick_chunk(E // _NW)
  agg_steps = E // _NW // agg_chunk
  agg_bs = _pick_block(agg_steps)
  src4d = src.reshape(_NW, agg_steps // agg_bs, agg_bs, agg_chunk)
  dst4d = dst.reshape(_NW, agg_steps // agg_bs, agg_bs, agg_chunk)
  parts = _make_agg(N_pad, D, E)(hp, zeros2d, src4d, dst4d)

  out = pl.pallas_call(
      _finish_body,
      grid=(grid,),
      in_specs=[
          pl.BlockSpec((1, _BLK, D), lambda i: (0, i, 0)),
          pl.BlockSpec((1, _BLK, D), lambda i: (1, i, 0)),
          pl.BlockSpec((_BLK,), lambda i: (i,)),
          pl.BlockSpec((D,), lambda i: (0,)),
      ],
      out_specs=pl.BlockSpec((_BLK, D), lambda i: (i, 0)),
      out_shape=jax.ShapeDtypeStruct((N_pad, D), jnp.float32),
  )(parts, parts, dis, b)

  return out[:N]

# --- scband reference (transcript-rebuilt; emitter-appended) ---
"""Pipeline reference for scband-cls-30288109371814 (READ-ONLY COPY).

The authoritative reference and input builder live on the scoring server;
editing this copy changes nothing except your own understanding.
"""

import jax, jax.numpy as jnp
import numpy as np

N = 10000
E = 320000
D_IN = 128
D_OUT = 128


def setup_inputs(seed: int = 0) -> dict:
    key = jax.random.key(seed)
    k1, k2, k3 = jax.random.split(key, 3)
    x = jax.random.normal(k1, (N, D_IN), dtype=jnp.float32)
    edge_index = jax.random.randint(k2, (2, E), 0, N)
    # GCNConv parameters: glorot-initialized weight, zero bias
    scale = jnp.sqrt(6.0 / (D_IN + D_OUT))
    W = jax.random.uniform(k3, (D_IN, D_OUT), minval=-scale, maxval=scale, dtype=jnp.float32)
    b = jnp.zeros((D_OUT,), dtype=jnp.float32)
    return {"x": x, "edge_index": edge_index, "W": W, "b": b}


def reference(x, edge_index, W, b):
    n = x.shape[0]
    src = edge_index[0]
    dst = edge_index[1]
    # gcn_norm with add_self_loops=True (PyG GCNConv default, normalize=True)
    loop = jnp.arange(n, dtype=src.dtype)
    src = jnp.concatenate([src, loop], axis=0)
    dst = jnp.concatenate([dst, loop], axis=0)
    ones = jnp.ones(src.shape[0], dtype=x.dtype)
    deg = jnp.zeros((n,), dtype=x.dtype).at[dst].add(ones)
    deg_inv_sqrt = jnp.where(deg > 0, deg ** -0.5, 0.0)
    norm = deg_inv_sqrt[src] * deg_inv_sqrt[dst]
    # linear transform, then normalized scatter-add aggregation
    h = x @ W
    msg = h[src] * norm[:, None]
    out = jnp.zeros((n, W.shape[1]), dtype=x.dtype).at[dst].add(msg)
    out = out + b
    return jax.nn.log_softmax(out, axis=1)

if __name__ == "__main__":
    import jax
    _d = setup_inputs()
    print(jax.jit(kernel)(*tuple(_d.values())))

</pallas_src>

<mosaic_0001>
#map = affine_map<(d0, d1) -> (0)>
#map1 = affine_map<(d0, d1) -> (0, 0, 0)>
module attributes {stable_mosaic.version = 14 : i64} {
  func.func @deg_kernel(%arg0: i32, %arg1: i32, %arg2: memref<320000xi32, #tpu.memory_space<hbm>>, %arg3: memref<32x1x10240xf32, #tpu.memory_space<hbm>>, %arg4: memref<2000xi32, #tpu.memory_space<vmem>>, %arg5: memref<10240xf32, #tpu.memory_space<vmem>>) attributes {dimension_semantics = [#tpu.dimension_semantics<core_parallel>, #tpu.dimension_semantics<subcore_parallel>], iteration_bounds = array<i64: 2, 16>, scalar_prefetch = 0 : i64, scratch_operands = 2 : i64, tpu.core_type = #tpu.core_type<sc_vector_subcore>, window_params = [{transform_indices = #map}, {transform_indices = #map1}]} {
    %mul3A = arith.constant 16 : i32
    %mul3A_0 = arith.muli %arg0, %mul3A : i32
    %add3A = arith.addi %mul3A_0, %arg1 : i32
    %broadcast_in_dim3A = arith.constant 1.000000e+00 : f32
    %broadcast_in_dim3A_1 = vector.broadcast %broadcast_in_dim3A : f32 to vector<16xf32>
    %broadcast_in_dim3A_2 = arith.constant 0.000000e+00 : f32
    %broadcast_in_dim3A_3 = vector.broadcast %broadcast_in_dim3A_2 : f32 to vector<16xf32>
    %scan3A = arith.constant 0 : i32
    %scan3A_4 = arith.constant 0 : i32
    %scan3A_5 = arith.constant 640 : i32
    %scan3A_6 = arith.addi %scan3A_4, %scan3A_5 : i32
    %scan3A_7 = arith.constant 1 : i32
    %scan3A_8 = scf.for %scan3A_17 = %scan3A_4 to %scan3A_6 step %scan3A_7 iter_args(%scan3A_18 = %scan3A) -> (i32)  : i32 {
      %mul3A_19 = arith.constant 16 : i32
      %mul3A_20 = arith.muli %scan3A_17, %mul3A_19 : i32
      %swap3A = arith.index_cast %mul3A_20 : i32 to index
      %swap3A_21 = tpu.vector_load %arg5[%swap3A] {strides = array<i32>} : memref<10240xf32, #tpu.memory_space<vmem>>, vector<16xf32>,
      tpu.vector_store %arg5[%swap3A], %broadcast_in_dim3A_3 {strides = array<i32>} : memref<10240xf32, #tpu.memory_space<vmem>>, vector<16xf32>,
      %scan3A_22 = arith.constant 0 : i32
      scf.yield %scan3A_22 : i32
    }
    %scan3A_9 = arith.constant 640 : i32
    %scan3A_10 = arith.constant 0 : i32
    %scan3A_11 = arith.constant 0 : i32
    %scan3A_12 = arith.constant 5 : i32
    %scan3A_13 = arith.addi %scan3A_11, %scan3A_12 : i32
    %scan3A_14 = arith.constant 1 : i32
    %scan3A_15 = scf.for %scan3A_17 = %scan3A_11 to %scan3A_13 step %scan3A_14 iter_args(%scan3A_18 = %scan3A_10) -> (i32)  : i32 {
      %mul3A_19 = arith.constant 10000 : i32
      %mul3A_20 = arith.muli %add3A, %mul3A_19 : i32
      %mul3A_21 = arith.constant 2000 : i32
      %mul3A_22 = arith.muli %scan3A_17, %mul3A_21 : i32
      %add3A_23 = arith.addi %mul3A_20, %mul3A_22 : i32
      "tpu.region"() ({
        %run_scoped3A_32 = tpu.sem_alloc : memref<!tpu.dma_semaphore, #tpu.memory_space<semaphore_mem>>
        %dma_start3A = tpu.memref_slice %arg2[%add3A_23] : memref<320000xi32, #tpu.memory_space<hbm>> -> memref<2000xi32, #tpu.memory_space<hbm>>
        %dma_start3A_33 = tpu.memref_slice %arg2[%add3A_23] : memref<320000xi32, #tpu.memory_space<hbm>> -> memref<2000xi32, #tpu.memory_space<hbm>>
        tpu.enqueue_dma source(%dma_start3A_33 : memref<2000xi32, #tpu.memory_space<hbm>>) target(%arg4 : memref<2000xi32, #tpu.memory_space<vmem>>) target_semaphore(%run_scoped3A_32 : memref<!tpu.dma_semaphore, #tpu.memory_space<semaphore_mem>>)
        %dma_wait3A = tpu.memref_slice %arg2[%add3A_23] : memref<320000xi32, #tpu.memory_space<hbm>> -> memref<2000xi32, #tpu.memory_space<hbm>>
        %dma_wait3A_34 = tpu.memref_slice %arg2[%add3A_23] : memref<320000xi32, #tpu.memory_space<hbm>> -> memref<2000xi32, #tpu.memory_space<hbm>>
        tpu.wait_dma2 semaphore(%run_scoped3A_32 : memref<!tpu.dma_semaphore, #tpu.memory_space<semaphore_mem>>) src(%dma_wait3A_34 : memref<2000xi32, #tpu.memory_space<hbm>>) dst(%arg4 : memref<2000xi32, #tpu.memory_space<vmem>>)
        tpu.yield
      }) : () -> ()
      %scan3A_24 = arith.constant 0 : i32
      %scan3A_25 = arith.constant 0 : i32
      %scan3A_26 = arith.constant 125 : i32
      %scan3A_27 = arith.addi %scan3A_25, %scan3A_26 : i32
      %scan3A_28 = arith.constant 1 : i32
      %scan3A_29 = scf.for %scan3A_32 = %scan3A_25 to %scan3A_27 step %scan3A_28 iter_args(%scan3A_33 = %scan3A_24) -> (i32)  : i32 {
        %mul3A_34 = arith.constant 16 : i32
        %mul3A_35 = arith.muli %scan3A_32, %mul3A_34 : i32
        %get3A = arith.index_cast %mul3A_35 : i32 to index
        %get3A_36 = tpu.vector_load %arg4[%get3A] {strides = array<i32>} : memref<2000xi32, #tpu.memory_space<vmem>>, vector<16xi32>,
        tpu.vector_store_idx %arg5[%get3A_36], %broadcast_in_dim3A_1 {add = true} : memref<10240xf32, #tpu.memory_space<vmem>>[vector<16xi32>], vector<16xf32>,
        %scan3A_37 = arith.constant 0 : i32
        scf.yield %scan3A_37 : i32
      }
      %scan3A_30 = arith.constant 125 : i32
      %scan3A_31 = arith.constant 0 : i32
      scf.yield %scan3A_31 : i32
    }
    %scan3A_16 = arith.constant 5 : i32
    %run_scoped3A = arith.constant 0 : i32
    "tpu.region"() ({
      %run_scoped3A_17 = tpu.sem_alloc : memref<!tpu.dma_semaphore, #tpu.memory_space<semaphore_mem>>
      %dma_start3A = arith.constant 0 : i32
      %dma_start3A_18 = tpu.memref_slice %arg3[%add3A, %run_scoped3A, %dma_start3A] : memref<32x1x10240xf32, #tpu.memory_space<hbm>> -> memref<1x1x10240xf32, #tpu.memory_space<hbm>>
      %dma_start3A_19 = tpu.memref_squeeze %dma_start3A_18 : memref<1x1x10240xf32, #tpu.memory_space<hbm>> -> memref<10240xf32, #tpu.memory_space<hbm>>
      %dma_start3A_20 = arith.constant 0 : i32
      %dma_start3A_21 = tpu.memref_slice %arg3[%add3A, %run_scoped3A, %dma_start3A_20] : memref<32x1x10240xf32, #tpu.memory_space<hbm>> -> memref<1x1x10240xf32, #tpu.memory_space<hbm>>
      %dma_start3A_22 = tpu.memref_squeeze %dma_start3A_21 : memref<1x1x10240xf32, #tpu.memory_space<hbm>> -> memref<10240xf32, #tpu.memory_space<hbm>>
      tpu.enqueue_dma source(%arg5 : memref<10240xf32, #tpu.memory_space<vmem>>) target(%dma_start3A_22 : memref<10240xf32, #tpu.memory_space<hbm>>) target_semaphore(%run_scoped3A_17 : memref<!tpu.dma_semaphore, #tpu.memory_space<semaphore_mem>>)
      %dma_wait3A = arith.constant 0 : i32
      %dma_wait3A_23 = tpu.memref_slice %arg3[%add3A, %run_scoped3A, %dma_wait3A] : memref<32x1x10240xf32, #tpu.memory_space<hbm>> -> memref<1x1x10240xf32, #tpu.memory_space<hbm>>
      %dma_wait3A_24 = tpu.memref_squeeze %dma_wait3A_23 : memref<1x1x10240xf32, #tpu.memory_space<hbm>> -> memref<10240xf32, #tpu.memory_space<hbm>>
      %dma_wait3A_25 = arith.constant 0 : i32
      %dma_wait3A_26 = tpu.memref_slice %arg3[%add3A, %run_scoped3A, %dma_wait3A_25] : memref<32x1x10240xf32, #tpu.memory_space<hbm>> -> memref<1x1x10240xf32, #tpu.memory_space<hbm>>
      %dma_wait3A_27 = tpu.memref_squeeze %dma_wait3A_26 : memref<1x1x10240xf32, #tpu.memory_space<hbm>> -> memref<10240xf32, #tpu.memory_space<hbm>>
      tpu.wait_dma2 semaphore(%run_scoped3A_17 : memref<!tpu.dma_semaphore, #tpu.memory_space<semaphore_mem>>) src(%arg5 : memref<10240xf32, #tpu.memory_space<vmem>>) dst(%dma_wait3A_27 : memref<10240xf32, #tpu.memory_space<hbm>>)
      tpu.yield
    }) : () -> ()
    return
  }
}

#map = affine_map<(d0, d1) -> (0, 0)>
#map1 = affine_map<(d0, d1) -> (0, 0, 0, 0)>
#map2 = affine_map<(d0, d1) -> (0, 0, 0)>
module attributes {stable_mosaic.version = 14 : i64} {
  func.func @agg_kernel(%arg0: i32, %arg1: i32, %arg2: memref<10240x128xf32, #tpu.memory_space<hbm>>, %arg3: memref<10240x128xf32, #tpu.memory_space<hbm>>, %arg4: memref<32x5x25x80xi32, #tpu.memory_space<hbm>>, %arg5: memref<32x5x25x80xi32, #tpu.memory_space<hbm>>, %arg6: memref<2x10240x128xf32, #tpu.memory_space<hbm>>, %arg7: memref<25x80xi32, #tpu.memory_space<vmem>>, %arg8: memref<25x80xi32, #tpu.memory_space<vmem>>, %arg9: memref<80x128xf32, #tpu.memory_space<vmem>>, %arg10: memref<80x128xf32, #tpu.memory_space<vmem>>, %arg11: memref<80x128xf32, #tpu.memory_space<vmem>>, %arg12: memref<!tpu.dma_semaphore, #tpu.memory_space<semaphore_mem>>, %arg13: memref<!tpu.dma_semaphore, #tpu.memory_space<semaphore_mem>>, %arg14: memref<!tpu.dma_semaphore, #tpu.memory_space<semaphore_mem>>, %arg15: memref<!tpu.dma_semaphore, #tpu.memory_space<semaphore_mem>>, %arg16: memref<!tpu.dma_semaphore, #tpu.memory_space<semaphore_mem>>, %arg17: memref<!tpu.dma_semaphore, #tpu.memory_space<semaphore_mem>>, %arg18: memref<10240x128xf32, #tpu.memory_space<vmem_shared>>) attributes {dimension_semantics = [#tpu.dimension_semantics<core_parallel>, #tpu.dimension_semantics<subcore_parallel>], iteration_bounds = array<i64: 2, 16>, scalar_prefetch = 0 : i64, scratch_operands = 12 : i64, tpu.core_type = #tpu.core_type<sc_vector_subcore>, window_params = [{transform_indices = #map}, {transform_indices = #map}, {transform_indices = #map1}, {transform_indices = #map1}, {transform_indices = #map2}]} {
    %mul3A = arith.constant 16 : i32
    %mul3A_0 = arith.muli %arg0, %mul3A : i32
    %add3A = arith.addi %mul3A_0, %arg1 : i32
    %mul3A_1 = arith.constant 640 : i32
    %mul3A_2 = arith.muli %arg1, %mul3A_1 : i32
    %eq3A = arith.constant 0 : i32
    %eq3A_3 = arith.cmpi eq, %arg0, %eq3A : i32
    %convert_element_type3A = arith.extui %eq3A_3 : i1 to i32
    %cond3A = arith.constant 0 : i32
    %cond3A_4 = arith.cmpi ne, %convert_element_type3A, %cond3A : i32
    scf.if %cond3A_4 {
      "tpu.region"() ({
        %run_scoped3A = tpu.sem_alloc : memref<!tpu.dma_semaphore, #tpu.memory_space<semaphore_mem>>
        %dma_start3A = arith.constant 0 : i32
        %dma_start3A_16 = tpu.memref_slice %arg18[%mul3A_2, %dma_start3A] : memref<10240x128xf32, #tpu.memory_space<vmem_shared>> -> memref<640x128xf32, #tpu.memory_space<vmem_shared>>
        %dma_start3A_17 = arith.constant 0 : i32
        %dma_start3A_18 = tpu.memref_slice %arg2[%mul3A_2, %dma_start3A_17] : memref<10240x128xf32, #tpu.memory_space<hbm>> -> memref<640x128xf32, #tpu.memory_space<hbm>>
        tpu.enqueue_dma source(%dma_start3A_18 : memref<640x128xf32, #tpu.memory_space<hbm>>) target(%dma_start3A_16 : memref<640x128xf32, #tpu.memory_space<vmem_shared>>) target_semaphore(%run_scoped3A : memref<!tpu.dma_semaphore, #tpu.memory_space<semaphore_mem>>)
        %dma_wait3A = arith.constant 0 : i32
        %dma_wait3A_19 = tpu.memref_slice %arg18[%mul3A_2, %dma_wait3A] : memref<10240x128xf32, #tpu.memory_space<vmem_shared>> -> memref<640x128xf32, #tpu.memory_space<vmem_shared>>
        %dma_wait3A_20 = arith.constant 0 : i32
        %dma_wait3A_21 = tpu.memref_slice %arg2[%mul3A_2, %dma_wait3A_20] : memref<10240x128xf32, #tpu.memory_space<hbm>> -> memref<640x128xf32, #tpu.memory_space<hbm>>
        tpu.wait_dma2 semaphore(%run_scoped3A : memref<!tpu.dma_semaphore, #tpu.memory_space<semaphore_mem>>) src(%dma_wait3A_21 : memref<640x128xf32, #tpu.memory_space<hbm>>) dst(%dma_wait3A_19 : memref<640x128xf32, #tpu.memory_space<vmem_shared>>)
        tpu.yield
      }) : () -> ()
    } else {
    }
    %ne3A = arith.constant 0 : i32
    %ne3A_5 = arith.cmpi ne, %arg0, %ne3A : i32
    %convert_element_type3A_6 = arith.extui %ne3A_5 : i1 to i32
    %cond3A_7 = arith.constant 0 : i32
    %cond3A_8 = arith.cmpi ne, %convert_element_type3A_6, %cond3A_7 : i32
    scf.if %cond3A_8 {
      "tpu.region"() ({
        %run_scoped3A = tpu.sem_alloc : memref<!tpu.dma_semaphore, #tpu.memory_space<semaphore_mem>>
        %dma_start3A = arith.constant 0 : i32
        %dma_start3A_16 = tpu.memref_slice %arg18[%mul3A_2, %dma_start3A] : memref<10240x128xf32, #tpu.memory_space<vmem_shared>> -> memref<640x128xf32, #tpu.memory_space<vmem_shared>>
        %dma_start3A_17 = arith.constant 0 : i32
        %dma_start3A_18 = tpu.memref_slice %arg3[%mul3A_2, %dma_start3A_17] : memref<10240x128xf32, #tpu.memory_space<hbm>> -> memref<640x128xf32, #tpu.memory_space<hbm>>
        tpu.enqueue_dma source(%dma_start3A_18 : memref<640x128xf32, #tpu.memory_space<hbm>>) target(%dma_start3A_16 : memref<640x128xf32, #tpu.memory_space<vmem_shared>>) target_semaphore(%run_scoped3A : memref<!tpu.dma_semaphore, #tpu.memory_space<semaphore_mem>>)
        %dma_wait3A = arith.constant 0 : i32
        %dma_wait3A_19 = tpu.memref_slice %arg18[%mul3A_2, %dma_wait3A] : memref<10240x128xf32, #tpu.memory_space<vmem_shared>> -> memref<640x128xf32, #tpu.memory_space<vmem_shared>>
        %dma_wait3A_20 = arith.constant 0 : i32
        %dma_wait3A_21 = tpu.memref_slice %arg3[%mul3A_2, %dma_wait3A_20] : memref<10240x128xf32, #tpu.memory_space<hbm>> -> memref<640x128xf32, #tpu.memory_space<hbm>>
        tpu.wait_dma2 semaphore(%run_scoped3A : memref<!tpu.dma_semaphore, #tpu.memory_space<semaphore_mem>>) src(%dma_wait3A_21 : memref<640x128xf32, #tpu.memory_space<hbm>>) dst(%dma_wait3A_19 : memref<640x128xf32, #tpu.memory_space<vmem_shared>>)
        tpu.yield
      }) : () -> ()
    } else {
    }
    %barrier3A = arith.constant 0 : index
    tpu.barrier barrier_id(%barrier3A)
    %scan3A = arith.constant 0 : i32
    %scan3A_9 = arith.constant 0 : i32
    %scan3A_10 = arith.constant 5 : i32
    %scan3A_11 = arith.addi %scan3A_9, %scan3A_10 : i32
    %scan3A_12 = arith.constant 1 : i32
    %scan3A_13 = scf.for %scan3A_16 = %scan3A_9 to %scan3A_11 step %scan3A_12 iter_args(%scan3A_17 = %scan3A) -> (i32)  : i32 {
      "tpu.region"() ({
        %run_scoped3A = tpu.sem_alloc : memref<!tpu.dma_semaphore, #tpu.memory_space<semaphore_mem>>
        %dma_start3A_717 = arith.constant 0 : i32
        %dma_start3A_718 = arith.constant 0 : i32
        %dma_start3A_719 = tpu.memref_slice %arg4[%add3A, %scan3A_16, %dma_start3A_717, %dma_start3A_718] : memref<32x5x25x80xi32, #tpu.memory_space<hbm>> -> memref<1x1x25x80xi32, #tpu.memory_space<hbm>>
        %dma_start3A_720 = tpu.memref_squeeze %dma_start3A_719 : memref<1x1x25x80xi32, #tpu.memory_space<hbm>> -> memref<25x80xi32, #tpu.memory_space<hbm>>
        %dma_start3A_721 = arith.constant 0 : i32
        %dma_start3A_722 = arith.constant 0 : i32
        %dma_start3A_723 = tpu.memref_slice %arg4[%add3A, %scan3A_16, %dma_start3A_721, %dma_start3A_722] : memref<32x5x25x80xi32, #tpu.memory_space<hbm>> -> memref<1x1x25x80xi32, #tpu.memory_space<hbm>>
        %dma_start3A_724 = tpu.memref_squeeze %dma_start3A_723 : memref<1x1x25x80xi32, #tpu.memory_space<hbm>> -> memref<25x80xi32, #tpu.memory_space<hbm>>
        tpu.enqueue_dma source(%dma_start3A_724 : memref<25x80xi32, #tpu.memory_space<hbm>>) target(%arg7 : memref<25x80xi32, #tpu.memory_space<vmem>>) target_semaphore(%run_scoped3A : memref<!tpu.dma_semaphore, #tpu.memory_space<semaphore_mem>>)
        %dma_wait3A_725 = arith.constant 0 : i32
        %dma_wait3A_726 = arith.constant 0 : i32
        %dma_wait3A_727 = tpu.memref_slice %arg4[%add3A, %scan3A_16, %dma_wait3A_725, %dma_wait3A_726] : memref<32x5x25x80xi32, #tpu.memory_space<hbm>> -> memref<1x1x25x80xi32, #tpu.memory_space<hbm>>
        %dma_wait3A_728 = tpu.memref_squeeze %dma_wait3A_727 : memref<1x1x25x80xi32, #tpu.memory_space<hbm>> -> memref<25x80xi32, #tpu.memory_space<hbm>>
        %dma_wait3A_729 = arith.constant 0 : i32
        %dma_wait3A_730 = arith.constant 0 : i32
        %dma_wait3A_731 = tpu.memref_slice %arg4[%add3A, %scan3A_16, %dma_wait3A_729, %dma_wait3A_730] : memref<32x5x25x80xi32, #tpu.memory_space<hbm>> -> memref<1x1x25x80xi32, #tpu.memory_space<hbm>>
        %dma_wait3A_732 = tpu.memref_squeeze %dma_wait3A_731 : memref<1x1x25x80xi32, #tpu.memory_space<hbm>> -> memref<25x80xi32, #tpu.memory_space<hbm>>
        tpu.wait_dma2 semaphore(%run_scoped3A : memref<!tpu.dma_semaphore, #tpu.memory_space<semaphore_mem>>) src(%dma_wait3A_732 : memref<25x80xi32, #tpu.memory_space<hbm>>) dst(%arg7 : memref<25x80xi32, #tpu.memory_space<vmem>>)
        tpu.yield
      }) : () -> ()
      "tpu.region"() ({
        %run_scoped3A = tpu.sem_alloc : memref<!tpu.dma_semaphore, #tpu.memory_space<semaphore_mem>>
        %dma_start3A_717 = arith.constant 0 : i32
        %dma_start3A_718 = arith.constant 0 : i32
        %dma_start3A_719 = tpu.memref_slice %arg5[%add3A, %scan3A_16, %dma_start3A_717, %dma_start3A_718] : memref<32x5x25x80xi32, #tpu.memory_space<hbm>> -> memref<1x1x25x80xi32, #tpu.memory_space<hbm>>
        %dma_start3A_720 = tpu.memref_squeeze %dma_start3A_719 : memref<1x1x25x80xi32, #tpu.memory_space<hbm>> -> memref<25x80xi32, #tpu.memory_space<hbm>>
        %dma_start3A_721 = arith.constant 0 : i32
        %dma_start3A_722 = arith.constant 0 : i32
        %dma_start3A_723 = tpu.memref_slice %arg5[%add3A, %scan3A_16, %dma_start3A_721, %dma_start3A_722] : memref<32x5x25x80xi32, #tpu.memory_space<hbm>> -> memref<1x1x25x80xi32, #tpu.memory_space<hbm>>
        %dma_start3A_724 = tpu.memref_squeeze %dma_start3A_723 : memref<1x1x25x80xi32, #tpu.memory_space<hbm>> -> memref<25x80xi32, #tpu.memory_space<hbm>>
        tpu.enqueue_dma source(%dma_start3A_724 : memref<25x80xi32, #tpu.memory_space<hbm>>) target(%arg8 : memref<25x80xi32, #tpu.memory_space<vmem>>) target_semaphore(%run_scoped3A : memref<!tpu.dma_semaphore, #tpu.memory_space<semaphore_mem>>)
        %dma_wait3A_725 = arith.constant 0 : i32
        %dma_wait3A_726 = arith.constant 0 : i32
        %dma_wait3A_727 = tpu.memref_slice %arg5[%add3A, %scan3A_16, %dma_wait3A_725, %dma_wait3A_726] : memref<32x5x25x80xi32, #tpu.memory_space<hbm>> -> memref<1x1x25x80xi32, #tpu.memory_space<hbm>>
        %dma_wait3A_728 = tpu.memref_squeeze %dma_wait3A_727 : memref<1x1x25x80xi32, #tpu.memory_space<hbm>> -> memref<25x80xi32, #tpu.memory_space<hbm>>
        %dma_wait3A_729 = arith.constant 0 : i32
        %dma_wait3A_730 = arith.constant 0 : i32
        %dma_wait3A_731 = tpu.memref_slice %arg5[%add3A, %scan3A_16, %dma_wait3A_729, %dma_wait3A_730] : memref<32x5x25x80xi32, #tpu.memory_space<hbm>> -> memref<1x1x25x80xi32, #tpu.memory_space<hbm>>
        %dma_wait3A_732 = tpu.memref_squeeze %dma_wait3A_731 : memref<1x1x25x80xi32, #tpu.memory_space<hbm>> -> memref<25x80xi32, #tpu.memory_space<hbm>>
        tpu.wait_dma2 semaphore(%run_scoped3A : memref<!tpu.dma_semaphore, #tpu.memory_space<semaphore_mem>>) src(%dma_wait3A_732 : memref<25x80xi32, #tpu.memory_space<hbm>>) dst(%arg8 : memref<25x80xi32, #tpu.memory_space<vmem>>)
        tpu.yield
      }) : () -> ()
      %dma_start3A = arith.constant 0 : i32
      %dma_start3A_18 = arith.constant 0 : i32
      %dma_start3A_19 = tpu.memref_slice %arg7[%dma_start3A, %dma_start3A_18] : memref<25x80xi32, #tpu.memory_space<vmem>> -> memref<1x80xi32, #tpu.memory_space<vmem>>
      %dma_start3A_20 = tpu.memref_squeeze %dma_start3A_19 : memref<1x80xi32, #tpu.memory_space<vmem>> -> memref<80xi32, #tpu.memory_space<vmem>>
      %dma_start3A_21 = arith.constant 0 : i32
      %dma_start3A_22 = arith.constant 0 : i32
      %dma_start3A_23 = tpu.memref_slice %arg2[%dma_start3A_21, %dma_start3A_22] : memref<10240x128xf32, #tpu.memory_space<hbm>> -> memref<10240x128xf32, #tpu.memory_space<hbm>>
      tpu.enqueue_indirect_dma source(%dma_start3A_23 : memref<10240x128xf32, #tpu.memory_space<hbm>>) target(%arg9 : memref<80x128xf32, #tpu.memory_space<vmem>>) offsets(%dma_start3A_20 : memref<80xi32, #tpu.memory_space<vmem>>) semaphore(%arg12 : memref<!tpu.dma_semaphore, #tpu.memory_space<semaphore_mem>>)
      %dma_start3A_24 = arith.constant 1 : i32
      %dma_start3A_25 = arith.constant 0 : i32
      %dma_start3A_26 = tpu.memref_slice %arg7[%dma_start3A_24, %dma_start3A_25] : memref<25x80xi32, #tpu.memory_space<vmem>> -> memref<1x80xi32, #tpu.memory_space<vmem>>
      %dma_start3A_27 = tpu.memref_squeeze %dma_start3A_26 : memref<1x80xi32, #tpu.memory_space<vmem>> -> memref<80xi32, #tpu.memory_space<vmem>>
      %dma_start3A_28 = arith.constant 0 : i32
      %dma_start3A_29 = arith.constant 0 : i32
      %dma_start3A_30 = tpu.memref_slice %arg2[%dma_start3A_28, %dma_start3A_29] : memref<10240x128xf32, #tpu.memory_space<hbm>> -> memref<10240x128xf32, #tpu.memory_space<hbm>>
      tpu.enqueue_indirect_dma source(%dma_start3A_30 : memref<10240x128xf32, #tpu.memory_space<hbm>>) target(%arg10 : memref<80x128xf32, #tpu.memory_space<vmem>>) offsets(%dma_start3A_27 : memref<80xi32, #tpu.memory_space<vmem>>) semaphore(%arg13 : memref<!tpu.dma_semaphore, #tpu.memory_space<semaphore_mem>>)
      %dma_wait3A = arith.constant 0 : i32
      %dma_wait3A_31 = arith.constant 0 : i32
      %dma_wait3A_32 = tpu.memref_slice %arg7[%dma_wait3A, %dma_wait3A_31] : memref<25x80xi32, #tpu.memory_space<vmem>> -> memref<1x80xi32, #tpu.memory_space<vmem>>
      %dma_wait3A_33 = tpu.memref_squeeze %dma_wait3A_32 : memref<1x80xi32, #tpu.memory_space<vmem>> -> memref<80xi32, #tpu.memory_space<vmem>>
      %dma_wait3A_34 = arith.constant 0 : i32
      %dma_wait3A_35 = arith.constant 0 : i32
      %dma_wait3A_36 = tpu.memref_slice %arg2[%dma_wait3A_34, %dma_wait3A_35] : memref<10240x128xf32, #tpu.memory_space<hbm>> -> memref<10240x128xf32, #tpu.memory_space<hbm>>
      tpu.wait_indirect_dma semaphore(%arg12 : memref<!tpu.dma_semaphore, #tpu.memory_space<semaphore_mem>>) src(%dma_wait3A_36 : memref<10240x128xf32, #tpu.memory_space<hbm>>) dst(%arg9 : memref<80x128xf32, #tpu.memory_space<vmem>>)
      %dma_start3A_37 = arith.constant 0 : i32
      %dma_start3A_38 = arith.constant 0 : i32
      %dma_start3A_39 = tpu.memref_slice %arg8[%dma_start3A_37, %dma_start3A_38] : memref<25x80xi32, #tpu.memory_space<vmem>> -> memref<1x80xi32, #tpu.memory_space<vmem>>
      %dma_start3A_40 = tpu.memref_squeeze %dma_start3A_39 : memref<1x80xi32, #tpu.memory_space<vmem>> -> memref<80xi32, #tpu.memory_space<vmem>>
      %dma_start3A_41 = arith.constant 0 : i32
      %dma_start3A_42 = arith.constant 0 : i32
      %dma_start3A_43 = tpu.memref_slice %arg18[%dma_start3A_41, %dma_start3A_42] : memref<10240x128xf32, #tpu.memory_space<vmem_shared>> -> memref<10240x128xf32, #tpu.memory_space<vmem_shared>>
      tpu.enqueue_indirect_dma source(%arg9 : memref<80x128xf32, #tpu.memory_space<vmem>>) target(%dma_start3A_43 : memref<10240x128xf32, #tpu.memory_space<vmem_shared>>) offsets(%dma_start3A_40 : memref<80xi32, #tpu.memory_space<vmem>>) semaphore(%arg15 : memref<!tpu.dma_semaphore, #tpu.memory_space<semaphore_mem>>) {add = true}
      %dma_start3A_44 = arith.constant 2 : i32
      %dma_start3A_45 = arith.constant 0 : i32
      %dma_start3A_46 = tpu.memref_slice %arg7[%dma_start3A_44, %dma_start3A_45] : memref<25x80xi32, #tpu.memory_space<vmem>> -> memref<1x80xi32, #tpu.memory_space<vmem>>
      %dma_start3A_47 = tpu.memref_squeeze %dma_start3A_46 : memref<1x80xi32, #tpu.memory_space<vmem>> -> memref<80xi32, #tpu.memory_space<vmem>>
      %dma_start3A_48 = arith.constant 0 : i32
      %dma_start3A_49 = arith.constant 0 : i32
      %dma_start3A_50 = tpu.memref_slice %arg2[%dma_start3A_48, %dma_start3A_49] : memref<10240x128xf32, #tpu.memory_space<hbm>> -> memref<10240x128xf32, #tpu.memory_space<hbm>>
      tpu.enqueue_indirect_dma source(%dma_start3A_50 : memref<10240x128xf32, #tpu.memory_space<hbm>>) target(%arg11 : memref<80x128xf32, #tpu.memory_space<vmem>>) offsets(%dma_start3A_47 : memref<80xi32, #tpu.memory_space<vmem>>) semaphore(%arg14 : memref<!tpu.dma_semaphore, #tpu.memory_space<semaphore_mem>>)
      %dma_wait3A_51 = arith.constant 1 : i32
      %dma_wait3A_52 = arith.constant 0 : i32
      %dma_wait3A_53 = tpu.memref_slice %arg7[%dma_wait3A_51, %dma_wait3A_52] : memref<25x80xi32, #tpu.memory_space<vmem>> -> memref<1x80xi32, #tpu.memory_space<vmem>>
      %dma_wait3A_54 = tpu.memref_squeeze %dma_wait3A_53 : memref<1x80xi32, #tpu.memory_space<vmem>> -> memref<80xi32, #tpu.memory_space<vmem>>
      %dma_wait3A_55 = arith.constant 0 : i32
      %dma_wait3A_56 = arith.constant 0 : i32
      %dma_wait3A_57 = tpu.memref_slice %arg2[%dma_wait3A_55, %dma_wait3A_56] : memref<10240x128xf32, #tpu.memory_space<hbm>> -> memref<10240x128xf32, #tpu.memory_space<hbm>>
      tpu.wait_indirect_dma semaphore(%arg13 : memref<!tpu.dma_semaphore, #tpu.memory_space<semaphore_mem>>) src(%dma_wait3A_57 : memref<10240x128xf32, #tpu.memory_space<hbm>>) dst(%arg10 : memref<80x128xf32, #tpu.memory_space<vmem>>)
      %dma_start3A_58 = arith.constant 1 : i32
      %dma_start3A_59 = arith.constant 0 : i32
      %dma_start3A_60 = tpu.memref_slice %arg8[%dma_start3A_58, %dma_start3A_59] : memref<25x80xi32, #tpu.memory_space<vmem>> -> memref<1x80xi32, #tpu.memory_space<vmem>>
      %dma_start3A_61 = tpu.memref_squeeze %dma_start3A_60 : memref<1x80xi32, #tpu.memory_space<vmem>> -> memref<80xi32, #tpu.memory_space<vmem>>
      %dma_start3A_62 = arith.constant 0 : i32
      %dma_start3A_63 = arith.constant 0 : i32
      %dma_start3A_64 = tpu.memref_slice %arg18[%dma_start3A_62, %dma_start3A_63] : memref<10240x128xf32, #tpu.memory_space<vmem_shared>> -> memref<10240x128xf32, #tpu.memory_space<vmem_shared>>
      tpu.enqueue_indirect_dma source(%arg10 : memref<80x128xf32, #tpu.memory_space<vmem>>) target(%dma_start3A_64 : memref<10240x128xf32, #tpu.memory_space<vmem_shared>>) offsets(%dma_start3A_61 : memref<80xi32, #tpu.memory_space<vmem>>) semaphore(%arg16 : memref<!tpu.dma_semaphore, #tpu.memory_space<semaphore_mem>>) {add = true}
      %dma_wait3A_65 = arith.constant 0 : i32
      %dma_wait3A_66 = arith.constant 0 : i32
      %dma_wait3A_67 = tpu.memref_slice %arg8[%dma_wait3A_65, %dma_wait3A_66] : memref<25x80xi32, #tpu.memory_space<vmem>> -> memref<1x80xi32, #tpu.memory_space<vmem>>
      %dma_wait3A_68 = tpu.memref_squeeze %dma_wait3A_67 : memref<1x80xi32, #tpu.memory_space<vmem>> -> memref<80xi32, #tpu.memory_space<vmem>>
      %dma_wait3A_69 = arith.constant 0 : i32
      %dma_wait3A_70 = arith.constant 0 : i32
      %dma_wait3A_71 = tpu.memref_slice %arg18[%dma_wait3A_69, %dma_wait3A_70] : memref<10240x128xf32, #tpu.memory_space<vmem_shared>> -> memref<10240x128xf32, #tpu.memory_space<vmem_shared>>
      tpu.wait_indirect_dma semaphore(%arg15 : memref<!tpu.dma_semaphore, #tpu.memory_space<semaphore_mem>>) src(%arg9 : memref<80x128xf32, #tpu.memory_space<vmem>>) dst(%dma_wait3A_71 : memref<10240x128xf32, #tpu.memory_space<vmem_shared>>)
      %dma_start3A_72 = arith.constant 3 : i32
      %dma_start3A_73 = arith.constant 0 : i32
      %dma_start3A_74 = tpu.memref_slice %arg7[%dma_start3A_72, %dma_start3A_73] : memref<25x80xi32, #tpu.memory_space<vmem>> -> memref<1x80xi32, #tpu.memory_space<vmem>>
      %dma_start3A_75 = tpu.memref_squeeze %dma_start3A_74 : memref<1x80xi32, #tpu.memory_space<vmem>> -> memref<80xi32, #tpu.memory_space<vmem>>
      %dma_start3A_76 = arith.constant 0 : i32
      %dma_start3A_77 = arith.constant 0 : i32
      %dma_start3A_78 = tpu.memref_slice %arg2[%dma_start3A_76, %dma_start3A_77] : memref<10240x128xf32, #tpu.memory_space<hbm>> -> memref<10240x128xf32, #tpu.memory_space<hbm>>
      tpu.enqueue_indirect_dma source(%dma_start3A_78 : memref<10240x128xf32, #tpu.memory_space<hbm>>) target(%arg9 : memref<80x128xf32, #tpu.memory_space<vmem>>) offsets(%dma_start3A_75 : memref<80xi32, #tpu.memory_space<vmem>>) semaphore(%arg12 : memref<!tpu.dma_semaphore, #tpu.memory_space<semaphore_mem>>)
      %dma_wait3A_79 = arith.constant 2 : i32
      %dma_wait3A_80 = arith.constant 0 : i32
      %dma_wait3A_81 = tpu.memref_slice %arg7[%dma_wait3A_79, %dma_wait3A_80] : memref<25x80xi32, #tpu.memory_space<vmem>> -> memref<1x80xi32, #tpu.memory_space<vmem>>
      %dma_wait3A_82 = tpu.memref_squeeze %dma_wait3A_81 : memref<1x80xi32, #tpu.memory_space<vmem>> -> memref<80xi32, #tpu.memory_space<vmem>>
      %dma_wait3A_83 = arith.constant 0 : i32
      %dma_wait3A_84 = arith.constant 0 : i32
      %dma_wait3A_85 = tpu.memref_slice %arg2[%dma_wait3A_83, %dma_wait3A_84] : memref<10240x128xf32, #tpu.memory_space<hbm>> -> memref<10240x128xf32, #tpu.memory_space<hbm>>
      tpu.wait_indirect_dma semaphore(%arg14 : memref<!tpu.dma_semaphore, #tpu.memory_space<semaphore_mem>>) src(%dma_wait3A_85 : memref<10240x128xf32, #tpu.memory_space<hbm>>) dst(%arg11 : memref<80x128xf32, #tpu.memory_space<vmem>>)
      %dma_start3A_86 = arith.constant 2 : i32
      %dma_start3A_87 = arith.constant 0 : i32
      %dma_start3A_88 = tpu.memref_slice %arg8[%dma_start3A_86, %dma_start3A_87] : memref<25x80xi32, #tpu.memory_space<vmem>> -> memref<1x80xi32, #tpu.memory_space<vmem>>
      %dma_start3A_89 = tpu.memref_squeeze %dma_start3A_88 : memref<1x80xi32, #tpu.memory_space<vmem>> -> memref<80xi32, #tpu.memory_space<vmem>>
      %dma_start3A_90 = arith.constant 0 : i32
      %dma_start3A_91 = arith.constant 0 : i32
      %dma_start3A_92 = tpu.memref_slice %arg18[%dma_start3A_90, %dma_start3A_91] : memref<10240x128xf32, #tpu.memory_space<vmem_shared>> -> memref<10240x128xf32, #tpu.memory_space<vmem_shared>>
      tpu.enqueue_indirect_dma source(%arg11 : memref<80x128xf32, #tpu.memory_space<vmem>>) target(%dma_start3A_92 : memref<10240x128xf32, #tpu.memory_space<vmem_shared>>) offsets(%dma_start3A_89 : memref<80xi32, #tpu.memory_space<vmem>>) semaphore(%arg17 : memref<!tpu.dma_semaphore, #tpu.memory_space<semaphore_mem>>) {add = true}
      %dma_wait3A_93 = arith.constant 1 : i32
      %dma_wait3A_94 = arith.constant 0 : i32
      %dma_wait3A_95 = tpu.memref_slice %arg8[%dma_wait3A_93, %dma_wait3A_94] : memref<25x80xi32, #tpu.memory_space<vmem>> -> memref<1x80xi32, #tpu.memory_space<vmem>>
      %dma_wait3A_96 = tpu.memref_squeeze %dma_wait3A_95 : memref<1x80xi32, #tpu.memory_space<vmem>> -> memref<80xi32, #tpu.memory_space<vmem>>
      %dma_wait3A_97 = arith.constant 0 : i32
      %dma_wait3A_98 = arith.constant 0 : i32
      %dma_wait3A_99 = tpu.memref_slice %arg18[%dma_wait3A_97, %dma_wait3A_98] : memref<10240x128xf32, #tpu.memory_space<vmem_shared>> -> memref<10240x128xf32, #tpu.memory_space<vmem_shared>>
      tpu.wait_indirect_dma semaphore(%arg16 : memref<!tpu.dma_semaphore, #tpu.memory_space<semaphore_mem>>) src(%arg10 : memref<80x128xf32, #tpu.memory_space<vmem>>) dst(%dma_wait3A_99 : memref<10240x128xf32, #tpu.memory_space<vmem_shared>>)
      %dma_start3A_100 = arith.constant 4 : i32
      %dma_start3A_101 = arith.constant 0 : i32
      %dma_start3A_102 = tpu.memref_slice %arg7[%dma_start3A_100, %dma_start3A_101] : memref<25x80xi32, #tpu.memory_space<vmem>> -> memref<1x80xi32, #tpu.memory_space<vmem>>
      %dma_start3A_103 = tpu.memref_squeeze %dma_start3A_102 : memref<1x80xi32, #tpu.memory_space<vmem>> -> memref<80xi32, #tpu.memory_space<vmem>>
      %dma_start3A_104 = arith.constant 0 : i32
      %dma_start3A_105 = arith.constant 0 : i32
      %dma_start3A_106 = tpu.memref_slice %arg2[%dma_start3A_104, %dma_start3A_105] : memref<10240x128xf32, #tpu.memory_space<hbm>> -> memref<10240x128xf32, #tpu.memory_space<hbm>>
      tpu.enqueue_indirect_dma source(%dma_start3A_106 : memref<10240x128xf32, #tpu.memory_space<hbm>>) target(%arg10 : memref<80x128xf32, #tpu.memory_space<vmem>>) offsets(%dma_start3A_103 : memref<80xi32, #tpu.memory_space<vmem>>) semaphore(%arg13 : memref<!tpu.dma_semaphore, #tpu.memory_space<semaphore_mem>>)
      %dma_wait3A_107 = arith.constant 3 : i32
      %dma_wait3A_108 = arith.constant 0 : i32
      %dma_wait3A_109 = tpu.memref_slice %arg7[%dma_wait3A_107, %dma_wait3A_108] : memref<25x80xi32, #tpu.memory_space<vmem>> -> memref<1x80xi32, #tpu.memory_space<vmem>>
      %dma_wait3A_110 = tpu.memref_squeeze %dma_wait3A_109 : memref<1x80xi32, #tpu.memory_space<vmem>> -> memref<80xi32, #tpu.memory_space<vmem>>
      %dma_wait3A_111 = arith.constant 0 : i32
      %dma_wait3A_112 = arith.constant 0 : i32
      %dma_wait3A_113 = tpu.memref_slice %arg2[%dma_wait3A_111, %dma_wait3A_112] : memref<10240x128xf32, #tpu.memory_space<hbm>> -> memref<10240x128xf32, #tpu.memory_space<hbm>>
      tpu.wait_indirect_dma semaphore(%arg12 : memref<!tpu.dma_semaphore, #tpu.memory_space<semaphore_mem>>) src(%dma_wait3A_113 : memref<10240x128xf32, #tpu.memory_space<hbm>>) dst(%arg9 : memref<80x128xf32, #tpu.memory_space<vmem>>)
      %dma_start3A_114 = arith.constant 3 : i32
      %dma_start3A_115 = arith.constant 0 : i32
      %dma_start3A_116 = tpu.memref_slice %arg8[%dma_start3A_114, %dma_start3A_115] : memref<25x80xi32, #tpu.memory_space<vmem>> -> memref<1x80xi32, #tpu.memory_space<vmem>>
      %dma_start3A_117 = tpu.memref_squeeze %dma_start3A_116 : memref<1x80xi32, #tpu.memory_space<vmem>> -> memref<80xi32, #tpu.memory_space<vmem>>
      %dma_start3A_118 = arith.constant 0 : i32
      %dma_start3A_119 = arith.constant 0 : i32
      %dma_start3A_120 = tpu.memref_slice %arg18[%dma_start3A_118, %dma_start3A_119] : memref<10240x128xf32, #tpu.memory_space<vmem_shared>> -> memref<10240x128xf32, #tpu.memory_space<vmem_shared>>
      tpu.enqueue_indirect_dma source(%arg9 : memref<80x128xf32, #tpu.memory_space<vmem>>) target(%dma_start3A_120 : memref<10240x128xf32, #tpu.memory_space<vmem_shared>>) offsets(%dma_start3A_117 : memref<80xi32, #tpu.memory_space<vmem>>) semaphore(%arg15 : memref<!tpu.dma_semaphore, #tpu.memory_space<semaphore_mem>>) {add = true}
      %dma_wait3A_121 = arith.constant 2 : i32
      %dma_wait3A_122 = arith.constant 0 : i32
      %dma_wait3A_123 = tpu.memref_slice %arg8[%dma_wait3A_121, %dma_wait3A_122] : memref<25x80xi32, #tpu.memory_space<vmem>> -> memref<1x80xi32, #tpu.memory_space<vmem>>
      %dma_wait3A_124 = tpu.memref_squeeze %dma_wait3A_123 : memref<1x80xi32, #tpu.memory_space<vmem>> -> memref<80xi32, #tpu.memory_space<vmem>>
      %dma_wait3A_125 = arith.constant 0 : i32
      %dma_wait3A_126 = arith.constant 0 : i32
      %dma_wait3A_127 = tpu.memref_slice %arg18[%dma_wait3A_125, %dma_wait3A_126] : memref<10240x128xf32, #tpu.memory_space<vmem_shared>> -> memref<10240x128xf32, #tpu.memory_space<vmem_shared>>
      tpu.wait_indirect_dma semaphore(%arg17 : memref<!tpu.dma_semaphore, #tpu.memory_space<semaphore_mem>>) src(%arg11 : memref<80x128xf32, #tpu.memory_space<vmem>>) dst(%dma_wait3A_127 : memref<10240x128xf32, #tpu.memory_space<vmem_shared>>)
      %dma_start3A_128 = arith.constant 5 : i32
      %dma_start3A_129 = arith.constant 0 : i32
      %dma_start3A_130 = tpu.memref_slice %arg7[%dma_start3A_128, %dma_start3A_129] : memref<25x80xi32, #tpu.memory_space<vmem>> -> memref<1x80xi32, #tpu.memory_space<vmem>>
      %dma_start3A_131 = tpu.memref_squeeze %dma_start3A_130 : memref<1x80xi32, #tpu.memory_space<vmem>> -> memref<80xi32, #tpu.memory_space<vmem>>
      %dma_start3A_132 = arith.constant 0 : i32
      %dma_start3A_133 = arith.constant 0 : i32
      %dma_start3A_134 = tpu.memref_slice %arg2[%dma_start3A_132, %dma_start3A_133] : memref<10240x128xf32, #tpu.memory_space<hbm>> -> memref<10240x128xf32, #tpu.memory_space<hbm>>
      tpu.enqueue_indirect_dma source(%dma_start3A_134 : memref<10240x128xf32, #tpu.memory_space<hbm>>) target(%arg11 : memref<80x128xf32, #tpu.memory_space<vmem>>) offsets(%dma_start3A_131 : memref<80xi32, #tpu.memory_space<vmem>>) semaphore(%arg14 : memref<!tpu.dma_semaphore, #tpu.memory_space<semaphore_mem>>)
      %dma_wait3A_135 = arith.constant 4 : i32
      %dma_wait3A_136 = arith.constant 0 : i32
      %dma_wait3A_137 = tpu.memref_slice %arg7[%dma_wait3A_135, %dma_wait3A_136] : memref<25x80xi32, #tpu.memory_space<vmem>> -> memref<1x80xi32, #tpu.memory_space<vmem>>
      %dma_wait3A_138 = tpu.memref_squeeze %dma_wait3A_137 : memref<1x80xi32, #tpu.memory_space<vmem>> -> memref<80xi32, #tpu.memory_space<vmem>>
      %dma_wait3A_139 = arith.constant 0 : i32
      %dma_wait3A_140 = arith.constant 0 : i32
      %dma_wait3A_141 = tpu.memref_slice %arg2[%dma_wait3A_139, %dma_wait3A_140] : memref<10240x128xf32, #tpu.memory_space<hbm>> -> memref<10240x128xf32, #tpu.memory_space<hbm>>
      tpu.wait_indirect_dma semaphore(%arg13 : memref<!tpu.dma_semaphore, #tpu.memory_space<semaphore_mem>>) src(%dma_wait3A_141 : memref<10240x128xf32, #tpu.memory_space<hbm>>) dst(%arg10 : memref<80x128xf32, #tpu.memory_space<vmem>>)
      %dma_start3A_142 = arith.constant 4 : i32
      %dma_start3A_143 = arith.constant 0 : i32
      %dma_start3A_144 = tpu.memref_slice %arg8[%dma_start3A_142, %dma_start3A_143] : memref<25x80xi32, #tpu.memory_space<vmem>> -> memref<1x80xi32, #tpu.memory_space<vmem>>
      %dma_start3A_145 = tpu.memref_squeeze %dma_start3A_144 : memref<1x80xi32, #tpu.memory_space<vmem>> -> memref<80xi32, #tpu.memory_space<vmem>>
      %dma_start3A_146 = arith.constant 0 : i32
      %dma_start3A_147 = arith.constant 0 : i32
      %dma_start3A_148 = tpu.memref_slice %arg18[%dma_start3A_146, %dma_start3A_147] : memref<10240x128xf32, #tpu.memory_space<vmem_shared>> -> memref<10240x128xf32, #tpu.memory_space<vmem_shared>>
      tpu.enqueue_indirect_dma source(%arg10 : memref<80x128xf32, #tpu.memory_space<vmem>>) target(%dma_start3A_148 : memref<10240x128xf32, #tpu.memory_space<vmem_shared>>) offsets(%dma_start3A_145 : memref<80xi32, #tpu.memory_space<vmem>>) semaphore(%arg16 : memref<!tpu.dma_semaphore, #tpu.memory_space<semaphore_mem>>) {add = true}
      %dma_wait3A_149 = arith.constant 3 : i32
      %dma_wait3A_150 = arith.constant 0 : i32
      %dma_wait3A_151 = tpu.memref_slice %arg8[%dma_wait3A_149, %dma_wait3A_150] : memref<25x80xi32, #tpu.memory_space<vmem>> -> memref<1x80xi32, #tpu.memory_space<vmem>>
      %dma_wait3A_152 = tpu.memref_squeeze %dma_wait3A_151 : memref<1x80xi32, #tpu.memory_space<vmem>> -> memref<80xi32, #tpu.memory_space<vmem>>
      %dma_wait3A_153 = arith.constant 0 : i32
      %dma_wait3A_154 = arith.constant 0 : i32
      %dma_wait3A_155 = tpu.memref_slice %arg18[%dma_wait3A_153, %dma_wait3A_154] : memref<10240x128xf32, #tpu.memory_space<vmem_shared>> -> memref<10240x128xf32, #tpu.memory_space<vmem_shared>>
      tpu.wait_indirect_dma semaphore(%arg15 : memref<!tpu.dma_semaphore, #tpu.memory_space<semaphore_mem>>) src(%arg9 : memref<80x128xf32, #tpu.memory_space<vmem>>) dst(%dma_wait3A_155 : memref<10240x128xf32, #tpu.memory_space<vmem_shared>>)
      %dma_start3A_156 = arith.constant 6 : i32
      %dma_start3A_157 = arith.constant 0 : i32
      %dma_start3A_158 = tpu.memref_slice %arg7[%dma_start3A_156, %dma_start3A_157] : memref<25x80xi32, #tpu.memory_space<vmem>> -> memref<1x80xi32, #tpu.memory_space<vmem>>
      %dma_start3A_159 = tpu.memref_squeeze %dma_start3A_158 : memref<1x80xi32, #tpu.memory_space<vmem>> -> memref<80xi32, #tpu.memory_space<vmem>>
      %dma_start3A_160 = arith.constant 0 : i32
      %dma_start3A_161 = arith.constant 0 : i32
      %dma_start3A_162 = tpu.memref_slice %arg2[%dma_start3A_160, %dma_start3A_161] : memref<10240x128xf32, #tpu.memory_space<hbm>> -> memref<10240x128xf32, #tpu.memory_space<hbm>>
      tpu.enqueue_indirect_dma source(%dma_start3A_162 : memref<10240x128xf32, #tpu.memory_space<hbm>>) target(%arg9 : memref<80x128xf32, #tpu.memory_space<vmem>>) offsets(%dma_start3A_159 : memref<80xi32, #tpu.memory_space<vmem>>) semaphore(%arg12 : memref<!tpu.dma_semaphore, #tpu.memory_space<semaphore_mem>>)
      %dma_wait3A_163 = arith.constant 5 : i32
      %dma_wait3A_164 = arith.constant 0 : i32
      %dma_wait3A_165 = tpu.memref_slice %arg7[%dma_wait3A_163, %dma_wait3A_164] : memref<25x80xi32, #tpu.memory_space<vmem>> -> memref<1x80xi32, #tpu.memory_space<vmem>>
      %dma_wait3A_166 = tpu.memref_squeeze %dma_wait3A_165 : memref<1x80xi32, #tpu.memory_space<vmem>> -> memref<80xi32, #tpu.memory_space<vmem>>
      %dma_wait3A_167 = arith.constant 0 : i32
      %dma_wait3A_168 = arith.constant 0 : i32
      %dma_wait3A_169 = tpu.memref_slice %arg2[%dma_wait3A_167, %dma_wait3A_168] : memref<10240x128xf32, #tpu.memory_space<hbm>> -> memref<10240x128xf32, #tpu.memory_space<hbm>>
      tpu.wait_indirect_dma semaphore(%arg14 : memref<!tpu.dma_semaphore, #tpu.memory_space<semaphore_mem>>) src(%dma_wait3A_169 : memref<10240x128xf32, #tpu.memory_space<hbm>>) dst(%arg11 : memref<80x128xf32, #tpu.memory_space<vmem>>)
      %dma_start3A_170 = arith.constant 5 : i32
      %dma_start3A_171 = arith.constant 0 : i32
      %dma_start3A_172 = tpu.memref_slice %arg8[%dma_start3A_170, %dma_start3A_171] : memref<25x80xi32, #tpu.memory_space<vmem>> -> memref<1x80xi32, #tpu.memory_space<vmem>>
      %dma_start3A_173 = tpu.memref_squeeze %dma_start3A_172 : memref<1x80xi32, #tpu.memory_space<vmem>> -> memref<80xi32, #tpu.memory_space<vmem>>
      %dma_start3A_174 = arith.constant 0 : i32
      %dma_start3A_175 = arith.constant 0 : i32
      %dma_start3A_176 = tpu.memref_slice %arg18[%dma_start3A_174, %dma_start3A_175] : memref<10240x128xf32, #tpu.memory_space<vmem_shared>> -> memref<10240x128xf32, #tpu.memory_space<vmem_shared>>
      tpu.enqueue_indirect_dma source(%arg11 : memref<80x128xf32, #tpu.memory_space<vmem>>) target(%dma_start3A_176 : memref<10240x128xf32, #tpu.memory_space<vmem_shared>>) offsets(%dma_start3A_173 : memref<80xi32, #tpu.memory_space<vmem>>) semaphore(%arg17 : memref<!tpu.dma_semaphore, #tpu.memory_space<semaphore_mem>>) {add = true}
      %dma_wait3A_177 = arith.constant 4 : i32
      %dma_wait3A_178 = arith.constant 0 : i32
      %dma_wait3A_179 = tpu.memref_slice %arg8[%dma_wait3A_177, %dma_wait3A_178] : memref<25x80xi32, #tpu.memory_space<vmem>> -> memref<1x80xi32, #tpu.memory_space<vmem>>
      %dma_wait3A_180 = tpu.memref_squeeze %dma_wait3A_179 : memref<1x80xi32, #tpu.memory_space<vmem>> -> memref<80xi32, #tpu.memory_space<vmem>>
      %dma_wait3A_181 = arith.constant 0 : i32
      %dma_wait3A_182 = arith.constant 0 : i32
      %dma_wait3A_183 = tpu.memref_slice %arg18[%dma_wait3A_181, %dma_wait3A_182] : memref<10240x128xf32, #tpu.memory_space<vmem_shared>> -> memref<10240x128xf32, #tpu.memory_space<vmem_shared>>
      tpu.wait_indirect_dma semaphore(%arg16 : memref<!tpu.dma_semaphore, #tpu.memory_space<semaphore_mem>>) src(%arg10 : memref<80x128xf32, #tpu.memory_space<vmem>>) dst(%dma_wait3A_183 : memref<10240x128xf32, #tpu.memory_space<vmem_shared>>)
      %dma_start3A_184 = arith.constant 7 : i32
      %dma_start3A_185 = arith.constant 0 : i32
      %dma_start3A_186 = tpu.memref_slice %arg7[%dma_start3A_184, %dma_start3A_185] : memref<25x80xi32, #tpu.memory_space<vmem>> -> memref<1x80xi32, #tpu.memory_space<vmem>>
      %dma_start3A_187 = tpu.memref_squeeze %dma_start3A_186 : memref<1x80xi32, #tpu.memory_space<vmem>> -> memref<80xi32, #tpu.memory_space<vmem>>
      %dma_start3A_188 = arith.constant 0 : i32
      %dma_start3A_189 = arith.constant 0 : i32
      %dma_start3A_190 = tpu.memref_slice %arg2[%dma_start3A_188, %dma_start3A_189] : memref<10240x128xf32, #tpu.memory_space<hbm>> -> memref<10240x128xf32, #tpu.memory_space<hbm>>
      tpu.enqueue_indirect_dma source(%dma_start3A_190 : memref<10240x128xf32, #tpu.memory_space<hbm>>) target(%arg10 : memref<80x128xf32, #tpu.memory_space<vmem>>) offsets(%dma_start3A_187 : memref<80xi32, #tpu.memory_space<vmem>>) semaphore(%arg13 : memref<!tpu.dma_semaphore, #tpu.memory_space<semaphore_mem>>)
      %dma_wait3A_191 = arith.constant 6 : i32
      %dma_wait3A_192 = arith.constant 0 : i32
      %dma_wait3A_193 = tpu.memref_slice %arg7[%dma_wait3A_191, %dma_wait3A_192] : memref<25x80xi32, #tpu.memory_space<vmem>> -> memref<1x80xi32, #tpu.memory_space<vmem>>
      %dma_wait3A_194 = tpu.memref_squeeze %dma_wait3A_193 : memref<1x80xi32, #tpu.memory_space<vmem>> -> memref<80xi32, #tpu.memory_space<vmem>>
      %dma_wait3A_195 = arith.constant 0 : i32
      %dma_wait3A_196 = arith.constant 0 : i32
      %dma_wait3A_197 = tpu.memref_slice %arg2[%dma_wait3A_195, %dma_wait3A_196] : memref<10240x128xf32, #tpu.memory_space<hbm>> -> memref<10240x128xf32, #tpu.memory_space<hbm>>
      tpu.wait_indirect_dma semaphore(%arg12 : memref<!tpu.dma_semaphore, #tpu.memory_space<semaphore_mem>>) src(%dma_wait3A_197 : memref<10240x128xf32, #tpu.memory_space<hbm>>) dst(%arg9 : memref<80x128xf32, #tpu.memory_space<vmem>>)
      %dma_start3A_198 = arith.constant 6 : i32
      %dma_start3A_199 = arith.constant 0 : i32
      %dma_start3A_200 = tpu.memref_slice %arg8[%dma_start3A_198, %dma_start3A_199] : memref<25x80xi32, #tpu.memory_space<vmem>> -> memref<1x80xi32, #tpu.memory_space<vmem>>
      %dma_start3A_201 = tpu.memref_squeeze %dma_start3A_200 : memref<1x80xi32, #tpu.memory_space<vmem>> -> memref<80xi32, #tpu.memory_space<vmem>>
      %dma_start3A_202 = arith.constant 0 : i32
      %dma_start3A_203 = arith.constant 0 : i32
      %dma_start3A_204 = tpu.memref_slice %arg18[%dma_start3A_202, %dma_start3A_203] : memref<10240x128xf32, #tpu.memory_space<vmem_shared>> -> memref<10240x128xf32, #tpu.memory_space<vmem_shared>>
      tpu.enqueue_indirect_dma source(%arg9 : memref<80x128xf32, #tpu.memory_space<vmem>>) target(%dma_start3A_204 : memref<10240x128xf32, #tpu.memory_space<vmem_shared>>) offsets(%dma_start3A_201 : memref<80xi32, #tpu.memory_space<vmem>>) semaphore(%arg15 : memref<!tpu.dma_semaphore, #tpu.memory_space<semaphore_mem>>) {add = true}
      %dma_wait3A_205 = arith.constant 5 : i32
      %dma_wait3A_206 = arith.constant 0 : i32
      %dma_wait3A_207 = tpu.memref_slice %arg8[%dma_wait3A_205, %dma_wait3A_206] : memref<25x80xi32, #tpu.memory_space<vmem>> -> memref<1x80xi32, #tpu.memory_space<vmem>>
      %dma_wait3A_208 = tpu.memref_squeeze %dma_wait3A_207 : memref<1x80xi32, #tpu.memory_space<vmem>> -> memref<80xi32, #tpu.memory_space<vmem>>
      %dma_wait3A_209 = arith.constant 0 : i32
      %dma_wait3A_210 = arith.constant 0 : i32
      %dma_wait3A_211 = tpu.memref_slice %arg18[%dma_wait3A_209, %dma_wait3A_210] : memref<10240x128xf32, #tpu.memory_space<vmem_shared>> -> memref<10240x128xf32, #tpu.memory_space<vmem_shared>>
      tpu.wait_indirect_dma semaphore(%arg17 : memref<!tpu.dma_semaphore, #tpu.memory_space<semaphore_mem>>) src(%arg11 : memref<80x128xf32, #tpu.memory_space<vmem>>) dst(%dma_wait3A_211 : memref<10240x128xf32, #tpu.memory_space<vmem_shared>>)
      %dma_start3A_212 = arith.constant 8 : i32
      %dma_start3A_213 = arith.constant 0 : i32
      %dma_start3A_214 = tpu.memref_slice %arg7[%dma_start3A_212, %dma_start3A_213] : memref<25x80xi32, #tpu.memory_space<vmem>> -> memref<1x80xi32, #tpu.memory_space<vmem>>
      %dma_start3A_215 = tpu.memref_squeeze %dma_start3A_214 : memref<1x80xi32, #tpu.memory_space<vmem>> -> memref<80xi32, #tpu.memory_space<vmem>>
      %dma_start3A_216 = arith.constant 0 : i32
      %dma_start3A_217 = arith.constant 0 : i32
      %dma_start3A_218 = tpu.memref_slice %arg2[%dma_start3A_216, %dma_start3A_217] : memref<10240x128xf32, #tpu.memory_space<hbm>> -> memref<10240x128xf32, #tpu.memory_space<hbm>>
      tpu.enqueue_indirect_dma source(%dma_start3A_218 : memref<10240x128xf32, #tpu.memory_space<hbm>>) target(%arg11 : memref<80x128xf32, #tpu.memory_space<vmem>>) offsets(%dma_start3A_215 : memref<80xi32, #tpu.memory_space<vmem>>) semaphore(%arg14 : memref<!tpu.dma_semaphore, #tpu.memory_space<semaphore_mem>>)
      %dma_wait3A_219 = arith.constant 7 : i32
      %dma_wait3A_220 = arith.constant 0 : i32
      %dma_wait3A_221 = tpu.memref_slice %arg7[%dma_wait3A_219, %dma_wait3A_220] : memref<25x80xi32, #tpu.memory_space<vmem>> -> memref<1x80xi32, #tpu.memory_space<vmem>>
      %dma_wait3A_222 = tpu.memref_squeeze %dma_wait3A_221 : memref<1x80xi32, #tpu.memory_space<vmem>> -> memref<80xi32, #tpu.memory_space<vmem>>
      %dma_wait3A_223 = arith.constant 0 : i32
      %dma_wait3A_224 = arith.constant 0 : i32
      %dma_wait3A_225 = tpu.memref_slice %arg2[%dma_wait3A_223, %dma_wait3A_224] : memref<10240x128xf32, #tpu.memory_space<hbm>> -> memref<10240x128xf32, #tpu.memory_space<hbm>>
      tpu.wait_indirect_dma semaphore(%arg13 : memref<!tpu.dma_semaphore, #tpu.memory_space<semaphore_mem>>) src(%dma_wait3A_225 : memref<10240x128xf32, #tpu.memory_space<hbm>>) dst(%arg10 : memref<80x128xf32, #tpu.memory_space<vmem>>)
      %dma_start3A_226 = arith.constant 7 : i32
      %dma_start3A_227 = arith.constant 0 : i32
      %dma_start3A_228 = tpu.memref_slice %arg8[%dma_start3A_226, %dma_start3A_227] : memref<25x80xi32, #tpu.memory_space<vmem>> -> memref<1x80xi32, #tpu.memory_space<vmem>>
      %dma_start3A_229 = tpu.memref_squeeze %dma_start3A_228 : memref<1x80xi32, #tpu.memory_space<vmem>> -> memref<80xi32, #tpu.memory_space<vmem>>
      %dma_start3A_230 = arith.constant 0 : i32
      %dma_start3A_231 = arith.constant 0 : i32
      %dma_start3A_232 = tpu.memref_slice %arg18[%dma_start3A_230, %dma_start3A_231] : memref<10240x128xf32, #tpu.memory_space<vmem_shared>> -> memref<10240x128xf32, #tpu.memory_space<vmem_shared>>
      tpu.enqueue_indirect_dma source(%arg10 : memref<80x128xf32, #tpu.memory_space<vmem>>) target(%dma_start3A_232 : memref<10240x128xf32, #tpu.memory_space<vmem_shared>>) offsets(%dma_start3A_229 : memref<80xi32, #tpu.memory_space<vmem>>) semaphore(%arg16 : memref<!tpu.dma_semaphore, #tpu.memory_space<semaphore_mem>>) {add = true}
      %dma_wait3A_233 = arith.constant 6 : i32
      %dma_wait3A_234 = arith.constant 0 : i32
      %dma_wait3A_235 = tpu.memref_slice %arg8[%dma_wait3A_233, %dma_wait3A_234] : memref<25x80xi32, #tpu.memory_space<vmem>> -> memref<1x80xi32, #tpu.memory_space<vmem>>
      %dma_wait3A_236 = tpu.memref_squeeze %dma_wait3A_235 : memref<1x80xi32, #tpu.memory_space<vmem>> -> memref<80xi32, #tpu.memory_space<vmem>>
      %dma_wait3A_237 = arith.constant 0 : i32
      %dma_wait3A_238 = arith.constant 0 : i32
      %dma_wait3A_239 = tpu.memref_slice %arg18[%dma_wait3A_237, %dma_wait3A_238] : memref<10240x128xf32, #tpu.memory_space<vmem_shared>> -> memref<10240x128xf32, #tpu.memory_space<vmem_shared>>
      tpu.wait_indirect_dma semaphore(%arg15 : memref<!tpu.dma_semaphore, #tpu.memory_space<semaphore_mem>>) src(%arg9 : memref<80x128xf32, #tpu.memory_space<vmem>>) dst(%dma_wait3A_239 : memref<10240x128xf32, #tpu.memory_space<vmem_shared>>)
      %dma_start3A_240 = arith.constant 9 : i32
      %dma_start3A_241 = arith.constant 0 : i32
      %dma_start3A_242 = tpu.memref_slice %arg7[%dma_start3A_240, %dma_start3A_241] : memref<25x80xi32, #tpu.memory_space<vmem>> -> memref<1x80xi32, #tpu.memory_space<vmem>>
      %dma_start3A_243 = tpu.memref_squeeze %dma_start3A_242 : memref<1x80xi32, #tpu.memory_space<vmem>> -> memref<80xi32, #tpu.memory_space<vmem>>
      %dma_start3A_244 = arith.constant 0 : i32
      %dma_start3A_245 = arith.constant 0 : i32
      %dma_start3A_246 = tpu.memref_slice %arg2[%dma_start3A_244, %dma_start3A_245] : memref<10240x128xf32, #tpu.memory_space<hbm>> -> memref<10240x128xf32, #tpu.memory_space<hbm>>
      tpu.enqueue_indirect_dma source(%dma_start3A_246 : memref<10240x128xf32, #tpu.memory_space<hbm>>) target(%arg9 : memref<80x128xf32, #tpu.memory_space<vmem>>) offsets(%dma_start3A_243 : memref<80xi32, #tpu.memory_space<vmem>>) semaphore(%arg12 : memref<!tpu.dma_semaphore, #tpu.memory_space<semaphore_mem>>)
      %dma_wait3A_247 = arith.constant 8 : i32
      %dma_wait3A_248 = arith.constant 0 : i32
      %dma_wait3A_249 = tpu.memref_slice %arg7[%dma_wait3A_247, %dma_wait3A_248] : memref<25x80xi32, #tpu.memory_space<vmem>> -> memref<1x80xi32, #tpu.memory_space<vmem>>
      %dma_wait3A_250 = tpu.memref_squeeze %dma_wait3A_249 : memref<1x80xi32, #tpu.memory_space<vmem>> -> memref<80xi32, #tpu.memory_space<vmem>>
      %dma_wait3A_251 = arith.constant 0 : i32
      %dma_wait3A_252 = arith.constant 0 : i32
      %dma_wait3A_253 = tpu.memref_slice %arg2[%dma_wait3A_251, %dma_wait3A_252] : memref<10240x128xf32, #tpu.memory_space<hbm>> -> memref<10240x128xf32, #tpu.memory_space<hbm>>
      tpu.wait_indirect_dma semaphore(%arg14 : memref<!tpu.dma_semaphore, #tpu.memory_space<semaphore_mem>>) src(%dma_wait3A_253 : memref<10240x128xf32, #tpu.memory_space<hbm>>) dst(%arg11 : memref<80x128xf32, #tpu.memory_space<vmem>>)
      %dma_start3A_254 = arith.constant 8 : i32
      %dma_start3A_255 = arith.constant 0 : i32
      %dma_start3A_256 = tpu.memref_slice %arg8[%dma_start3A_254, %dma_start3A_255] : memref<25x80xi32, #tpu.memory_space<vmem>> -> memref<1x80xi32, #tpu.memory_space<vmem>>
      %dma_start3A_257 = tpu.memref_squeeze %dma_start3A_256 : memref<1x80xi32, #tpu.memory_space<vmem>> -> memref<80xi32, #tpu.memory_space<vmem>>
      %dma_start3A_258 = arith.constant 0 : i32
      %dma_start3A_259 = arith.constant 0 : i32
      %dma_start3A_260 = tpu.memref_slice %arg18[%dma_start3A_258, %dma_start3A_259] : memref<10240x128xf32, #tpu.memory_space<vmem_shared>> -> memref<10240x128xf32, #tpu.memory_space<vmem_shared>>
      tpu.enqueue_indirect_dma source(%arg11 : memref<80x128xf32, #tpu.memory_space<vmem>>) target(%dma_start3A_260 : memref<10240x128xf32, #tpu.memory_space<vmem_shared>>) offsets(%dma_start3A_257 : memref<80xi32, #tpu.memory_space<vmem>>) semaphore(%arg17 : memref<!tpu.dma_semaphore, #tpu.memory_space<semaphore_mem>>) {add = true}
      %dma_wait3A_261 = arith.constant 7 : i32
      %dma_wait3A_262 = arith.constant 0 : i32
      %dma_wait3A_263 = tpu.memref_slice %arg8[%dma_wait3A_261, %dma_wait3A_262] : memref<25x80xi32, #tpu.memory_space<vmem>> -> memref<1x80xi32, #tpu.memory_space<vmem>>
      %dma_wait3A_264 = tpu.memref_squeeze %dma_wait3A_263 : memref<1x80xi32, #tpu.memory_space<vmem>> -> memref<80xi32, #tpu.memory_space<vmem>>
      %dma_wait3A_265 = arith.constant 0 : i32
      %dma_wait3A_266 = arith.constant 0 : i32
      %dma_wait3A_267 = tpu.memref_slice %arg18[%dma_wait3A_265, %dma_wait3A_266] : memref<10240x128xf32, #tpu.memory_space<vmem_shared>> -> memref<10240x128xf32, #tpu.memory_space<vmem_shared>>
      tpu.wait_indirect_dma semaphore(%arg16 : memref<!tpu.dma_semaphore, #tpu.memory_space<semaphore_mem>>) src(%arg10 : memref<80x128xf32, #tpu.memory_space<vmem>>) dst(%dma_wait3A_267 : memref<10240x128xf32, #tpu.memory_space<vmem_shared>>)
      %dma_start3A_268 = arith.constant 10 : i32
      %dma_start3A_269 = arith.constant 0 : i32
      %dma_start3A_270 = tpu.memref_slice %arg7[%dma_start3A_268, %dma_start3A_269] : memref<25x80xi32, #tpu.memory_space<vmem>> -> memref<1x80xi32, #tpu.memory_space<vmem>>
      %dma_start3A_271 = tpu.memref_squeeze %dma_start3A_270 : memref<1x80xi32, #tpu.memory_space<vmem>> -> memref<80xi32, #tpu.memory_space<vmem>>
      %dma_start3A_272 = arith.constant 0 : i32
      %dma_start3A_273 = arith.constant 0 : i32
      %dma_start3A_274 = tpu.memref_slice %arg2[%dma_start3A_272, %dma_start3A_273] : memref<10240x128xf32, #tpu.memory_space<hbm>> -> memref<10240x128xf32, #tpu.memory_space<hbm>>
      tpu.enqueue_indirect_dma source(%dma_start3A_274 : memref<10240x128xf32, #tpu.memory_space<hbm>>) target(%arg10 : memref<80x128xf32, #tpu.memory_space<vmem>>) offsets(%dma_start3A_271 : memref<80xi32, #tpu.memory_space<vmem>>) semaphore(%arg13 : memref<!tpu.dma_semaphore, #tpu.memory_space<semaphore_mem>>)
      %dma_wait3A_275 = arith.constant 9 : i32
      %dma_wait3A_276 = arith.constant 0 : i32
      %dma_wait3A_277 = tpu.memref_slice %arg7[%dma_wait3A_275, %dma_wait3A_276] : memref<25x80xi32, #tpu.memory_space<vmem>> -> memref<1x80xi32, #tpu.memory_space<vmem>>
      %dma_wait3A_278 = tpu.memref_squeeze %dma_wait3A_277 : memref<1x80xi32, #tpu.memory_space<vmem>> -> memref<80xi32, #tpu.memory_space<vmem>>
      %dma_wait3A_279 = arith.constant 0 : i32
      %dma_wait3A_280 = arith.constant 0 : i32
      %dma_wait3A_281 = tpu.memref_slice %arg2[%dma_wait3A_279, %dma_wait3A_280] : memref<10240x128xf32, #tpu.memory_space<hbm>> -> memref<10240x128xf32, #tpu.memory_space<hbm>>
      tpu.wait_indirect_dma semaphore(%arg12 : memref<!tpu.dma_semaphore, #tpu.memory_space<semaphore_mem>>) src(%dma_wait3A_281 : memref<10240x128xf32, #tpu.memory_space<hbm>>) dst(%arg9 : memref<80x128xf32, #tpu.memory_space<vmem>>)
      %dma_start3A_282 = arith.constant 9 : i32
      %dma_start3A_283 = arith.constant 0 : i32
      %dma_start3A_284 = tpu.memref_slice %arg8[%dma_start3A_282, %dma_start3A_283] : memref<25x80xi32, #tpu.memory_space<vmem>> -> memref<1x80xi32, #tpu.memory_space<vmem>>
      %dma_start3A_285 = tpu.memref_squeeze %dma_start3A_284 : memref<1x80xi32, #tpu.memory_space<vmem>> -> memref<80xi32, #tpu.memory_space<vmem>>
      %dma_start3A_286 = arith.constant 0 : i32
      %dma_start3A_287 = arith.constant 0 : i32
      %dma_start3A_288 = tpu.memref_slice %arg18[%dma_start3A_286, %dma_start3A_287] : memref<10240x128xf32, #tpu.memory_space<vmem_shared>> -> memref<10240x128xf32, #tpu.memory_space<vmem_shared>>
      tpu.enqueue_indirect_dma source(%arg9 : memref<80x128xf32, #tpu.memory_space<vmem>>) target(%dma_start3A_288 : memref<10240x128xf32, #tpu.memory_space<vmem_shared>>) offsets(%dma_start3A_285 : memref<80xi32, #tpu.memory_space<vmem>>) semaphore(%arg15 : memref<!tpu.dma_semaphore, #tpu.memory_space<semaphore_mem>>) {add = true}
      %dma_wait3A_289 = arith.constant 8 : i32
      %dma_wait3A_290 = arith.constant 0 : i32
      %dma_wait3A_291 = tpu.memref_slice %arg8[%dma_wait3A_289, %dma_wait3A_290] : memref<25x80xi32, #tpu.memory_space<vmem>> -> memref<1x80xi32, #tpu.memory_space<vmem>>
      %dma_wait3A_292 = tpu.memref_squeeze %dma_wait3A_291 : memref<1x80xi32, #tpu.memory_space<vmem>> -> memref<80xi32, #tpu.memory_space<vmem>>
      %dma_wait3A_293 = arith.constant 0 : i32
      %dma_wait3A_294 = arith.constant 0 : i32
      %dma_wait3A_295 = tpu.memref_slice %arg18[%dma_wait3A_293, %dma_wait3A_294] : memref<10240x128xf32, #tpu.memory_space<vmem_shared>> -> memref<10240x128xf32, #tpu.memory_space<vmem_shared>>
      tpu.wait_indirect_dma semaphore(%arg17 : memref<!tpu.dma_semaphore, #tpu.memory_space<semaphore_mem>>) src(%arg11 : memref<80x128xf32, #tpu.memory_space<vmem>>) dst(%dma_wait3A_295 : memref<10240x128xf32, #tpu.memory_space<vmem_shared>>)
      %dma_start3A_296 = arith.constant 11 : i32
      %dma_start3A_297 = arith.constant 0 : i32
      %dma_start3A_298 = tpu.memref_slice %arg7[%dma_start3A_296, %dma_start3A_297] : memref<25x80xi32, #tpu.memory_space<vmem>> -> memref<1x80xi32, #tpu.memory_space<vmem>>
      %dma_start3A_299 = tpu.memref_squeeze %dma_start3A_298 : memref<1x80xi32, #tpu.memory_space<vmem>> -> memref<80xi32, #tpu.memory_space<vmem>>
      %dma_start3A_300 = arith.constant 0 : i32
      %dma_start3A_301 = arith.constant 0 : i32
      %dma_start3A_302 = tpu.memref_slice %arg2[%dma_start3A_300, %dma_start3A_301] : memref<10240x128xf32, #tpu.memory_space<hbm>> -> memref<10240x128xf32, #tpu.memory_space<hbm>>
      tpu.enqueue_indirect_dma source(%dma_start3A_302 : memref<10240x128xf32, #tpu.memory_space<hbm>>) target(%arg11 : memref<80x128xf32, #tpu.memory_space<vmem>>) offsets(%dma_start3A_299 : memref<80xi32, #tpu.memory_space<vmem>>) semaphore(%arg14 : memref<!tpu.dma_semaphore, #tpu.memory_space<semaphore_mem>>)
      %dma_wait3A_303 = arith.constant 10 : i32
      %dma_wait3A_304 = arith.constant 0 : i32
      %dma_wait3A_305 = tpu.memref_slice %arg7[%dma_wait3A_303, %dma_wait3A_304] : memref<25x80xi32, #tpu.memory_space<vmem>> -> memref<1x80xi32, #tpu.memory_space<vmem>>
      %dma_wait3A_306 = tpu.memref_squeeze %dma_wait3A_305 : memref<1x80xi32, #tpu.memory_space<vmem>> -> memref<80xi32, #tpu.memory_space<vmem>>
      %dma_wait3A_307 = arith.constant 0 : i32
      %dma_wait3A_308 = arith.constant 0 : i32
      %dma_wait3A_309 = tpu.memref_slice %arg2[%dma_wait3A_307, %dma_wait3A_308] : memref<10240x128xf32, #tpu.memory_space<hbm>> -> memref<10240x128xf32, #tpu.memory_space<hbm>>
      tpu.wait_indirect_dma semaphore(%arg13 : memref<!tpu.dma_semaphore, #tpu.memory_space<semaphore_mem>>) src(%dma_wait3A_309 : memref<10240x128xf32, #tpu.memory_space<hbm>>) dst(%arg10 : memref<80x128xf32, #tpu.memory_space<vmem>>)
      %dma_start3A_310 = arith.constant 10 : i32
      %dma_start3A_311 = arith.constant 0 : i32
      %dma_start3A_312 = tpu.memref_slice %arg8[%dma_start3A_310, %dma_start3A_311] : memref<25x80xi32, #tpu.memory_space<vmem>> -> memref<1x80xi32, #tpu.memory_space<vmem>>
      %dma_start3A_313 = tpu.memref_squeeze %dma_start3A_312 : memref<1x80xi32, #tpu.memory_space<vmem>> -> memref<80xi32, #tpu.memory_space<vmem>>
      %dma_start3A_314 = arith.constant 0 : i32
      %dma_start3A_315 = arith.constant 0 : i32
      %dma_start3A_316 = tpu.memref_slice %arg18[%dma_start3A_314, %dma_start3A_315] : memref<10240x128xf32, #tpu.memory_space<vmem_shared>> -> memref<10240x128xf32, #tpu.memory_space<vmem_shared>>
      tpu.enqueue_indirect_dma source(%arg10 : memref<80x128xf32, #tpu.memory_space<vmem>>) target(%dma_start3A_316 : memref<10240x128xf32, #tpu.memory_space<vmem_shared>>) offsets(%dma_start3A_313 : memref<80xi32, #tpu.memory_space<vmem>>) semaphore(%arg16 : memref<!tpu.dma_semaphore, #tpu.memory_space<semaphore_mem>>) {add = true}
      %dma_wait3A_317 = arith.constant 9 : i32
      %dma_wait3A_318 = arith.constant 0 : i32
      %dma_wait3A_319 = tpu.memref_slice %arg8[%dma_wait3A_317, %dma_wait3A_318] : memref<25x80xi32, #tpu.memory_space<vmem>> -> memref<1x80xi32, #tpu.memory_space<vmem>>
      %dma_wait3A_320 = tpu.memref_squeeze %dma_wait3A_319 : memref<1x80xi32, #tpu.memory_space<vmem>> -> memref<80xi32, #tpu.memory_space<vmem>>
      %dma_wait3A_321 = arith.constant 0 : i32
      %dma_wait3A_322 = arith.constant 0 : i32
      %dma_wait3A_323 = tpu.memref_slice %arg18[%dma_wait3A_321, %dma_wait3A_322] : memref<10240x128xf32, #tpu.memory_space<vmem_shared>> -> memref<10240x128xf32, #tpu.memory_space<vmem_shared>>
      tpu.wait_indirect_dma semaphore(%arg15 : memref<!tpu.dma_semaphore, #tpu.memory_space<semaphore_mem>>) src(%arg9 : memref<80x128xf32, #tpu.memory_space<vmem>>) dst(%dma_wait3A_323 : memref<10240x128xf32, #tpu.memory_space<vmem_shared>>)
      %dma_start3A_324 = arith.constant 12 : i32
      %dma_start3A_325 = arith.constant 0 : i32
      %dma_start3A_326 = tpu.memref_slice %arg7[%dma_start3A_324, %dma_start3A_325] : memref<25x80xi32, #tpu.memory_space<vmem>> -> memref<1x80xi32, #tpu.memory_space<vmem>>
      %dma_start3A_327 = tpu.memref_squeeze %dma_start3A_326 : memref<1x80xi32, #tpu.memory_space<vmem>> -> memref<80xi32, #tpu.memory_space<vmem>>
      %dma_start3A_328 = arith.constant 0 : i32
      %dma_start3A_329 = arith.constant 0 : i32
      %dma_start3A_330 = tpu.memref_slice %arg2[%dma_start3A_328, %dma_start3A_329] : memref<10240x128xf32, #tpu.memory_space<hbm>> -> memref<10240x128xf32, #tpu.memory_space<hbm>>
      tpu.enqueue_indirect_dma source(%dma_start3A_330 : memref<10240x128xf32, #tpu.memory_space<hbm>>) target(%arg9 : memref<80x128xf32, #tpu.memory_space<vmem>>) offsets(%dma_start3A_327 : memref<80xi32, #tpu.memory_space<vmem>>) semaphore(%arg12 : memref<!tpu.dma_semaphore, #tpu.memory_space<semaphore_mem>>)
      %dma_wait3A_331 = arith.constant 11 : i32
      %dma_wait3A_332 = arith.constant 0 : i32
      %dma_wait3A_333 = tpu.memref_slice %arg7[%dma_wait3A_331, %dma_wait3A_332] : memref<25x80xi32, #tpu.memory_space<vmem>> -> memref<1x80xi32, #tpu.memory_space<vmem>>
      %dma_wait3A_334 = tpu.memref_squeeze %dma_wait3A_333 : memref<1x80xi32, #tpu.memory_space<vmem>> -> memref<80xi32, #tpu.memory_space<vmem>>
      %dma_wait3A_335 = arith.constant 0 : i32
      %dma_wait3A_336 = arith.constant 0 : i32
      %dma_wait3A_337 = tpu.memref_slice %arg2[%dma_wait3A_335, %dma_wait3A_336] : memref<10240x128xf32, #tpu.memory_space<hbm>> -> memref<10240x128xf32, #tpu.memory_space<hbm>>
      tpu.wait_indirect_dma semaphore(%arg14 : memref<!tpu.dma_semaphore, #tpu.memory_space<semaphore_mem>>) src(%dma_wait3A_337 : memref<10240x128xf32, #tpu.memory_space<hbm>>) dst(%arg11 : memref<80x128xf32, #tpu.memory_space<vmem>>)
      %dma_start3A_338 = arith.constant 11 : i32
      %dma_start3A_339 = arith.constant 0 : i32
      %dma_start3A_340 = tpu.memref_slice %arg8[%dma_start3A_338, %dma_start3A_339] : memref<25x80xi32, #tpu.memory_space<vmem>> -> memref<1x80xi32, #tpu.memory_space<vmem>>
      %dma_start3A_341 = tpu.memref_squeeze %dma_start3A_340 : memref<1x80xi32, #tpu.memory_space<vmem>> -> memref<80xi32, #tpu.memory_space<vmem>>
      %dma_start3A_342 = arith.constant 0 : i32
      %dma_start3A_343 = arith.constant 0 : i32
      %dma_start3A_344 = tpu.memref_slice %arg18[%dma_start3A_342, %dma_start3A_343] : memref<10240x128xf32, #tpu.memory_space<vmem_shared>> -> memref<10240x128xf32, #tpu.memory_space<vmem_shared>>
      tpu.enqueue_indirect_dma source(%arg11 : memref<80x128xf32, #tpu.memory_space<vmem>>) target(%dma_start3A_344 : memref<10240x128xf32, #tpu.memory_space<vmem_shared>>) offsets(%dma_start3A_341 : memref<80xi32, #tpu.memory_space<vmem>>) semaphore(%arg17 : memref<!tpu.dma_semaphore, #tpu.memory_space<semaphore_mem>>) {add = true}
      %dma_wait3A_345 = arith.constant 10 : i32
      %dma_wait3A_346 = arith.constant 0 : i32
      %dma_wait3A_347 = tpu.memref_slice %arg8[%dma_wait3A_345, %dma_wait3A_346] : memref<25x80xi32, #tpu.memory_space<vmem>> -> memref<1x80xi32, #tpu.memory_space<vmem>>
      %dma_wait3A_348 = tpu.memref_squeeze %dma_wait3A_347 : memref<1x80xi32, #tpu.memory_space<vmem>> -> memref<80xi32, #tpu.memory_space<vmem>>
      %dma_wait3A_349 = arith.constant 0 : i32
      %dma_wait3A_350 = arith.constant 0 : i32
      %dma_wait3A_351 = tpu.memref_slice %arg18[%dma_wait3A_349, %dma_wait3A_350] : memref<10240x128xf32, #tpu.memory_space<vmem_shared>> -> memref<10240x128xf32, #tpu.memory_space<vmem_shared>>
      tpu.wait_indirect_dma semaphore(%arg16 : memref<!tpu.dma_semaphore, #tpu.memory_space<semaphore_mem>>) src(%arg10 : memref<80x128xf32, #tpu.memory_space<vmem>>) dst(%dma_wait3A_351 : memref<10240x128xf32, #tpu.memory_space<vmem_shared>>)
      %dma_start3A_352 = arith.constant 13 : i32
      %dma_start3A_353 = arith.constant 0 : i32
      %dma_start3A_354 = tpu.memref_slice %arg7[%dma_start3A_352, %dma_start3A_353] : memref<25x80xi32, #tpu.memory_space<vmem>> -> memref<1x80xi32, #tpu.memory_space<vmem>>
      %dma_start3A_355 = tpu.memref_squeeze %dma_start3A_354 : memref<1x80xi32, #tpu.memory_space<vmem>> -> memref<80xi32, #tpu.memory_space<vmem>>
      %dma_start3A_356 = arith.constant 0 : i32
      %dma_start3A_357 = arith.constant 0 : i32
      %dma_start3A_358 = tpu.memref_slice %arg2[%dma_start3A_356, %dma_start3A_357] : memref<10240x128xf32, #tpu.memory_space<hbm>> -> memref<10240x128xf32, #tpu.memory_space<hbm>>
      tpu.enqueue_indirect_dma source(%dma_start3A_358 : memref<10240x128xf32, #tpu.memory_space<hbm>>) target(%arg10 : memref<80x128xf32, #tpu.memory_space<vmem>>) offsets(%dma_start3A_355 : memref<80xi32, #tpu.memory_space<vmem>>) semaphore(%arg13 : memref<!tpu.dma_semaphore, #tpu.memory_space<semaphore_mem>>)
      %dma_wait3A_359 = arith.constant 12 : i32
      %dma_wait3A_360 = arith.constant 0 : i32
      %dma_wait3A_361 = tpu.memref_slice %arg7[%dma_wait3A_359, %dma_wait3A_360] : memref<25x80xi32, #tpu.memory_space<vmem>> -> memref<1x80xi32, #tpu.memory_space<vmem>>
      %dma_wait3A_362 = tpu.memref_squeeze %dma_wait3A_361 : memref<1x80xi32, #tpu.memory_space<vmem>> -> memref<80xi32, #tpu.memory_space<vmem>>
      %dma_wait3A_363 = arith.constant 0 : i32
      %dma_wait3A_364 = arith.constant 0 : i32
      %dma_wait3A_365 = tpu.memref_slice %arg2[%dma_wait3A_363, %dma_wait3A_364] : memref<10240x128xf32, #tpu.memory_space<hbm>> -> memref<10240x128xf32, #tpu.memory_space<hbm>>
      tpu.wait_indirect_dma semaphore(%arg12 : memref<!tpu.dma_semaphore, #tpu.memory_space<semaphore_mem>>) src(%dma_wait3A_365 : memref<10240x128xf32, #tpu.memory_space<hbm>>) dst(%arg9 : memref<80x128xf32, #tpu.memory_space<vmem>>)
      %dma_start3A_366 = arith.constant 12 : i32
      %dma_start3A_367 = arith.constant 0 : i32
      %dma_start3A_368 = tpu.memref_slice %arg8[%dma_start3A_366, %dma_start3A_367] : memref<25x80xi32, #tpu.memory_space<vmem>> -> memref<1x80xi32, #tpu.memory_space<vmem>>
      %dma_start3A_369 = tpu.memref_squeeze %dma_start3A_368 : memref<1x80xi32, #tpu.memory_space<vmem>> -> memref<80xi32, #tpu.memory_space<vmem>>
      %dma_start3A_370 = arith.constant 0 : i32
      %dma_start3A_371 = arith.constant 0 : i32
      %dma_start3A_372 = tpu.memref_slice %arg18[%dma_start3A_370, %dma_start3A_371] : memref<10240x128xf32, #tpu.memory_space<vmem_shared>> -> memref<10240x128xf32, #tpu.memory_space<vmem_shared>>
      tpu.enqueue_indirect_dma source(%arg9 : memref<80x128xf32, #tpu.memory_space<vmem>>) target(%dma_start3A_372 : memref<10240x128xf32, #tpu.memory_space<vmem_shared>>) offsets(%dma_start3A_369 : memref<80xi32, #tpu.memory_space<vmem>>) semaphore(%arg15 : memref<!tpu.dma_semaphore, #tpu.memory_space<semaphore_mem>>) {add = true}
      %dma_wait3A_373 = arith.constant 11 : i32
      %dma_wait3A_374 = arith.constant 0 : i32
      %dma_wait3A_375 = tpu.memref_slice %arg8[%dma_wait3A_373, %dma_wait3A_374] : memref<25x80xi32, #tpu.memory_space<vmem>> -> memref<1x80xi32, #tpu.memory_space<vmem>>
      %dma_wait3A_376 = tpu.memref_squeeze %dma_wait3A_375 : memref<1x80xi32, #tpu.memory_space<vmem>> -> memref<80xi32, #tpu.memory_space<vmem>>
      %dma_wait3A_377 = arith.constant 0 : i32
      %dma_wait3A_378 = arith.constant 0 : i32
      %dma_wait3A_379 = tpu.memref_slice %arg18[%dma_wait3A_377, %dma_wait3A_378] : memref<10240x128xf32, #tpu.memory_space<vmem_shared>> -> memref<10240x128xf32, #tpu.memory_space<vmem_shared>>
      tpu.wait_indirect_dma semaphore(%arg17 : memref<!tpu.dma_semaphore, #tpu.memory_space<semaphore_mem>>) src(%arg11 : memref<80x128xf32, #tpu.memory_space<vmem>>) dst(%dma_wait3A_379 : memref<10240x128xf32, #tpu.memory_space<vmem_shared>>)
      %dma_start3A_380 = arith.constant 14 : i32
      %dma_start3A_381 = arith.constant 0 : i32
      %dma_start3A_382 = tpu.memref_slice %arg7[%dma_start3A_380, %dma_start3A_381] : memref<25x80xi32, #tpu.memory_space<vmem>> -> memref<1x80xi32, #tpu.memory_space<vmem>>
      %dma_start3A_383 = tpu.memref_squeeze %dma_start3A_382 : memref<1x80xi32, #tpu.memory_space<vmem>> -> memref<80xi32, #tpu.memory_space<vmem>>
      %dma_start3A_384 = arith.constant 0 : i32
      %dma_start3A_385 = arith.constant 0 : i32
      %dma_start3A_386 = tpu.memref_slice %arg2[%dma_start3A_384, %dma_start3A_385] : memref<10240x128xf32, #tpu.memory_space<hbm>> -> memref<10240x128xf32, #tpu.memory_space<hbm>>
      tpu.enqueue_indirect_dma source(%dma_start3A_386 : memref<10240x128xf32, #tpu.memory_space<hbm>>) target(%arg11 : memref<80x128xf32, #tpu.memory_space<vmem>>) offsets(%dma_start3A_383 : memref<80xi32, #tpu.memory_space<vmem>>) semaphore(%arg14 : memref<!tpu.dma_semaphore, #tpu.memory_space<semaphore_mem>>)
      %dma_wait3A_387 = arith.constant 13 : i32
      %dma_wait3A_388 = arith.constant 0 : i32
      %dma_wait3A_389 = tpu.memref_slice %arg7[%dma_wait3A_387, %dma_wait3A_388] : memref<25x80xi32, #tpu.memory_space<vmem>> -> memref<1x80xi32, #tpu.memory_space<vmem>>
      %dma_wait3A_390 = tpu.memref_squeeze %dma_wait3A_389 : memref<1x80xi32, #tpu.memory_space<vmem>> -> memref<80xi32, #tpu.memory_space<vmem>>
      %dma_wait3A_391 = arith.constant 0 : i32
      %dma_wait3A_392 = arith.constant 0 : i32
      %dma_wait3A_393 = tpu.memref_slice %arg2[%dma_wait3A_391, %dma_wait3A_392] : memref<10240x128xf32, #tpu.memory_space<hbm>> -> memref<10240x128xf32, #tpu.memory_space<hbm>>
      tpu.wait_indirect_dma semaphore(%arg13 : memref<!tpu.dma_semaphore, #tpu.memory_space<semaphore_mem>>) src(%dma_wait3A_393 : memref<10240x128xf32, #tpu.memory_space<hbm>>) dst(%arg10 : memref<80x128xf32, #tpu.memory_space<vmem>>)
      %dma_start3A_394 = arith.constant 13 : i32
      %dma_start3A_395 = arith.constant 0 : i32
      %dma_start3A_396 = tpu.memref_slice %arg8[%dma_start3A_394, %dma_start3A_395] : memref<25x80xi32, #tpu.memory_space<vmem>> -> memref<1x80xi32, #tpu.memory_space<vmem>>
      %dma_start3A_397 = tpu.memref_squeeze %dma_start3A_396 : memref<1x80xi32, #tpu.memory_space<vmem>> -> memref<80xi32, #tpu.memory_space<vmem>>
      %dma_start3A_398 = arith.constant 0 : i32
      %dma_start3A_399 = arith.constant 0 : i32
      %dma_start3A_400 = tpu.memref_slice %arg18[%dma_start3A_398, %dma_start3A_399] : memref<10240x128xf32, #tpu.memory_space<vmem_shared>> -> memref<10240x128xf32, #tpu.memory_space<vmem_shared>>
      tpu.enqueue_indirect_dma source(%arg10 : memref<80x128xf32, #tpu.memory_space<vmem>>) target(%dma_start3A_400 : memref<10240x128xf32, #tpu.memory_space<vmem_shared>>) offsets(%dma_start3A_397 : memref<80xi32, #tpu.memory_space<vmem>>) semaphore(%arg16 : memref<!tpu.dma_semaphore, #tpu.memory_space<semaphore_mem>>) {add = true}
      %dma_wait3A_401 = arith.constant 12 : i32
      %dma_wait3A_402 = arith.constant 0 : i32
      %dma_wait3A_403 = tpu.memref_slice %arg8[%dma_wait3A_401, %dma_wait3A_402] : memref<25x80xi32, #tpu.memory_space<vmem>> -> memref<1x80xi32, #tpu.memory_space<vmem>>
      %dma_wait3A_404 = tpu.memref_squeeze %dma_wait3A_403 : memref<1x80xi32, #tpu.memory_space<vmem>> -> memref<80xi32, #tpu.memory_space<vmem>>
      %dma_wait3A_405 = arith.constant 0 : i32
      %dma_wait3A_406 = arith.constant 0 : i32
      %dma_wait3A_407 = tpu.memref_slice %arg18[%dma_wait3A_405, %dma_wait3A_406] : memref<10240x128xf32, #tpu.memory_space<vmem_shared>> -> memref<10240x128xf32, #tpu.memory_space<vmem_shared>>
      tpu.wait_indirect_dma semaphore(%arg15 : memref<!tpu.dma_semaphore, #tpu.memory_space<semaphore_mem>>) src(%arg9 : memref<80x128xf32, #tpu.memory_space<vmem>>) dst(%dma_wait3A_407 : memref<10240x128xf32, #tpu.memory_space<vmem_shared>>)
      %dma_start3A_408 = arith.constant 15 : i32
      %dma_start3A_409 = arith.constant 0 : i32
      %dma_start3A_410 = tpu.memref_slice %arg7[%dma_start3A_408, %dma_start3A_409] : memref<25x80xi32, #tpu.memory_space<vmem>> -> memref<1x80xi32, #tpu.memory_space<vmem>>
      %dma_start3A_411 = tpu.memref_squeeze %dma_start3A_410 : memref<1x80xi32, #tpu.memory_space<vmem>> -> memref<80xi32, #tpu.memory_space<vmem>>
      %dma_start3A_412 = arith.constant 0 : i32
      %dma_start3A_413 = arith.constant 0 : i32
      %dma_start3A_414 = tpu.memref_slice %arg2[%dma_start3A_412, %dma_start3A_413] : memref<10240x128xf32, #tpu.memory_space<hbm>> -> memref<10240x128xf32, #tpu.memory_space<hbm>>
      tpu.enqueue_indirect_dma source(%dma_start3A_414 : memref<10240x128xf32, #tpu.memory_space<hbm>>) target(%arg9 : memref<80x128xf32, #tpu.memory_space<vmem>>) offsets(%dma_start3A_411 : memref<80xi32, #tpu.memory_space<vmem>>) semaphore(%arg12 : memref<!tpu.dma_semaphore, #tpu.memory_space<semaphore_mem>>)
      %dma_wait3A_415 = arith.constant 14 : i32
      %dma_wait3A_416 = arith.constant 0 : i32
      %dma_wait3A_417 = tpu.memref_slice %arg7[%dma_wait3A_415, %dma_wait3A_416] : memref<25x80xi32, #tpu.memory_space<vmem>> -> memref<1x80xi32, #tpu.memory_space<vmem>>
      %dma_wait3A_418 = tpu.memref_squeeze %dma_wait3A_417 : memref<1x80xi32, #tpu.memory_space<vmem>> -> memref<80xi32, #tpu.memory_space<vmem>>
      %dma_wait3A_419 = arith.constant 0 : i32
      %dma_wait3A_420 = arith.constant 0 : i32
      %dma_wait3A_421 = tpu.memref_slice %arg2[%dma_wait3A_419, %dma_wait3A_420] : memref<10240x128xf32, #tpu.memory_space<hbm>> -> memref<10240x128xf32, #tpu.memory_space<hbm>>
      tpu.wait_indirect_dma semaphore(%arg14 : memref<!tpu.dma_semaphore, #tpu.memory_space<semaphore_mem>>) src(%dma_wait3A_421 : memref<10240x128xf32, #tpu.memory_space<hbm>>) dst(%arg11 : memref<80x128xf32, #tpu.memory_space<vmem>>)
      %dma_start3A_422 = arith.constant 14 : i32
      %dma_start3A_423 = arith.constant 0 : i32
      %dma_start3A_424 = tpu.memref_slice %arg8[%dma_start3A_422, %dma_start3A_423] : memref<25x80xi32, #tpu.memory_space<vmem>> -> memref<1x80xi32, #tpu.memory_space<vmem>>
      %dma_start3A_425 = tpu.memref_squeeze %dma_start3A_424 : memref<1x80xi32, #tpu.memory_space<vmem>> -> memref<80xi32, #tpu.memory_space<vmem>>
      %dma_start3A_426 = arith.constant 0 : i32
      %dma_start3A_427 = arith.constant 0 : i32
      %dma_start3A_428 = tpu.memref_slice %arg18[%dma_start3A_426, %dma_start3A_427] : memref<10240x128xf32, #tpu.memory_space<vmem_shared>> -> memref<10240x128xf32, #tpu.memory_space<vmem_shared>>
      tpu.enqueue_indirect_dma source(%arg11 : memref<80x128xf32, #tpu.memory_space<vmem>>) target(%dma_start3A_428 : memref<10240x128xf32, #tpu.memory_space<vmem_shared>>) offsets(%dma_start3A_425 : memref<80xi32, #tpu.memory_space<vmem>>) semaphore(%arg17 : memref<!tpu.dma_semaphore, #tpu.memory_space<semaphore_mem>>) {add = true}
      %dma_wait3A_429 = arith.constant 13 : i32
      %dma_wait3A_430 = arith.constant 0 : i32
      %dma_wait3A_431 = tpu.memref_slice %arg8[%dma_wait3A_429, %dma_wait3A_430] : memref<25x80xi32, #tpu.memory_space<vmem>> -> memref<1x80xi32, #tpu.memory_space<vmem>>
      %dma_wait3A_432 = tpu.memref_squeeze %dma_wait3A_431 : memref<1x80xi32, #tpu.memory_space<vmem>> -> memref<80xi32, #tpu.memory_space<vmem>>
      %dma_wait3A_433 = arith.constant 0 : i32
      %dma_wait3A_434 = arith.constant 0 : i32
      %dma_wait3A_435 = tpu.memref_slice %arg18[%dma_wait3A_433, %dma_wait3A_434] : memref<10240x128xf32, #tpu.memory_space<vmem_shared>> -> memref<10240x128xf32, #tpu.memory_space<vmem_shared>>
      tpu.wait_indirect_dma semaphore(%arg16 : memref<!tpu.dma_semaphore, #tpu.memory_space<semaphore_mem>>) src(%arg10 : memref<80x128xf32, #tpu.memory_space<vmem>>) dst(%dma_wait3A_435 : memref<10240x128xf32, #tpu.memory_space<vmem_shared>>)
      %dma_start3A_436 = arith.constant 16 : i32
      %dma_start3A_437 = arith.constant 0 : i32
      %dma_start3A_438 = tpu.memref_slice %arg7[%dma_start3A_436, %dma_start3A_437] : memref<25x80xi32, #tpu.memory_space<vmem>> -> memref<1x80xi32, #tpu.memory_space<vmem>>
      %dma_start3A_439 = tpu.memref_squeeze %dma_start3A_438 : memref<1x80xi32, #tpu.memory_space<vmem>> -> memref<80xi32, #tpu.memory_space<vmem>>
      %dma_start3A_440 = arith.constant 0 : i32
      %dma_start3A_441 = arith.constant 0 : i32
      %dma_start3A_442 = tpu.memref_slice %arg2[%dma_start3A_440, %dma_start3A_441] : memref<10240x128xf32, #tpu.memory_space<hbm>> -> memref<10240x128xf32, #tpu.memory_space<hbm>>
      tpu.enqueue_indirect_dma source(%dma_start3A_442 : memref<10240x128xf32, #tpu.memory_space<hbm>>) target(%arg10 : memref<80x128xf32, #tpu.memory_space<vmem>>) offsets(%dma_start3A_439 : memref<80xi32, #tpu.memory_space<vmem>>) semaphore(%arg13 : memref<!tpu.dma_semaphore, #tpu.memory_space<semaphore_mem>>)
      %dma_wait3A_443 = arith.constant 15 : i32
      %dma_wait3A_444 = arith.constant 0 : i32
      %dma_wait3A_445 = tpu.memref_slice %arg7[%dma_wait3A_443, %dma_wait3A_444] : memref<25x80xi32, #tpu.memory_space<vmem>> -> memref<1x80xi32, #tpu.memory_space<vmem>>
      %dma_wait3A_446 = tpu.memref_squeeze %dma_wait3A_445 : memref<1x80xi32, #tpu.memory_space<vmem>> -> memref<80xi32, #tpu.memory_space<vmem>>
      %dma_wait3A_447 = arith.constant 0 : i32
      %dma_wait3A_448 = arith.constant 0 : i32
      %dma_wait3A_449 = tpu.memref_slice %arg2[%dma_wait3A_447, %dma_wait3A_448] : memref<10240x128xf32, #tpu.memory_space<hbm>> -> memref<10240x128xf32, #tpu.memory_space<hbm>>
      tpu.wait_indirect_dma semaphore(%arg12 : memref<!tpu.dma_semaphore, #tpu.memory_space<semaphore_mem>>) src(%dma_wait3A_449 : memref<10240x128xf32, #tpu.memory_space<hbm>>) dst(%arg9 : memref<80x128xf32, #tpu.memory_space<vmem>>)
      %dma_start3A_450 = arith.constant 15 : i32
      %dma_start3A_451 = arith.constant 0 : i32
      %dma_start3A_452 = tpu.memref_slice %arg8[%dma_start3A_450, %dma_start3A_451] : memref<25x80xi32, #tpu.memory_space<vmem>> -> memref<1x80xi32, #tpu.memory_space<vmem>>
      %dma_start3A_453 = tpu.memref_squeeze %dma_start3A_452 : memref<1x80xi32, #tpu.memory_space<vmem>> -> memref<80xi32, #tpu.memory_space<vmem>>
      %dma_start3A_454 = arith.constant 0 : i32
      %dma_start3A_455 = arith.constant 0 : i32
      %dma_start3A_456 = tpu.memref_slice %arg18[%dma_start3A_454, %dma_start3A_455] : memref<10240x128xf32, #tpu.memory_space<vmem_shared>> -> memref<10240x128xf32, #tpu.memory_space<vmem_shared>>
      tpu.enqueue_indirect_dma source(%arg9 : memref<80x128xf32, #tpu.memory_space<vmem>>) target(%dma_start3A_456 : memref<10240x128xf32, #tpu.memory_space<vmem_shared>>) offsets(%dma_start3A_453 : memref<80xi32, #tpu.memory_space<vmem>>) semaphore(%arg15 : memref<!tpu.dma_semaphore, #tpu.memory_space<semaphore_mem>>) {add = true}
      %dma_wait3A_457 = arith.constant 14 : i32
      %dma_wait3A_458 = arith.constant 0 : i32
      %dma_wait3A_459 = tpu.memref_slice %arg8[%dma_wait3A_457, %dma_wait3A_458] : memref<25x80xi32, #tpu.memory_space<vmem>> -> memref<1x80xi32, #tpu.memory_space<vmem>>
      %dma_wait3A_460 = tpu.memref_squeeze %dma_wait3A_459 : memref<1x80xi32, #tpu.memory_space<vmem>> -> memref<80xi32, #tpu.memory_space<vmem>>
      %dma_wait3A_461 = arith.constant 0 : i32
      %dma_wait3A_462 = arith.constant 0 : i32
      %dma_wait3A_463 = tpu.memref_slice %arg18[%dma_wait3A_461, %dma_wait3A_462] : memref<10240x128xf32, #tpu.memory_space<vmem_shared>> -> memref<10240x128xf32, #tpu.memory_space<vmem_shared>>
      tpu.wait_indirect_dma semaphore(%arg17 : memref<!tpu.dma_semaphore, #tpu.memory_space<semaphore_mem>>) src(%arg11 : memref<80x128xf32, #tpu.memory_space<vmem>>) dst(%dma_wait3A_463 : memref<10240x128xf32, #tpu.memory_space<vmem_shared>>)
      %dma_start3A_464 = arith.constant 17 : i32
      %dma_start3A_465 = arith.constant 0 : i32
      %dma_start3A_466 = tpu.memref_slice %arg7[%dma_start3A_464, %dma_start3A_465] : memref<25x80xi32, #tpu.memory_space<vmem>> -> memref<1x80xi32, #tpu.memory_space<vmem>>
      %dma_start3A_467 = tpu.memref_squeeze %dma_start3A_466 : memref<1x80xi32, #tpu.memory_space<vmem>> -> memref<80xi32, #tpu.memory_space<vmem>>
      %dma_start3A_468 = arith.constant 0 : i32
      %dma_start3A_469 = arith.constant 0 : i32
      %dma_start3A_470 = tpu.memref_slice %arg2[%dma_start3A_468, %dma_start3A_469] : memref<10240x128xf32, #tpu.memory_space<hbm>> -> memref<10240x128xf32, #tpu.memory_space<hbm>>
      tpu.enqueue_indirect_dma source(%dma_start3A_470 : memref<10240x128xf32, #tpu.memory_space<hbm>>) target(%arg11 : memref<80x128xf32, #tpu.memory_space<vmem>>) offsets(%dma_start3A_467 : memref<80xi32, #tpu.memory_space<vmem>>) semaphore(%arg14 : memref<!tpu.dma_semaphore, #tpu.memory_space<semaphore_mem>>)
      %dma_wait3A_471 = arith.constant 16 : i32
      %dma_wait3A_472 = arith.constant 0 : i32
      %dma_wait3A_473 = tpu.memref_slice %arg7[%dma_wait3A_471, %dma_wait3A_472] : memref<25x80xi32, #tpu.memory_space<vmem>> -> memref<1x80xi32, #tpu.memory_space<vmem>>
      %dma_wait3A_474 = tpu.memref_squeeze %dma_wait3A_473 : memref<1x80xi32, #tpu.memory_space<vmem>> -> memref<80xi32, #tpu.memory_space<vmem>>
      %dma_wait3A_475 = arith.constant 0 : i32
      %dma_wait3A_476 = arith.constant 0 : i32
      %dma_wait3A_477 = tpu.memref_slice %arg2[%dma_wait3A_475, %dma_wait3A_476] : memref<10240x128xf32, #tpu.memory_space<hbm>> -> memref<10240x128xf32, #tpu.memory_space<hbm>>
      tpu.wait_indirect_dma semaphore(%arg13 : memref<!tpu.dma_semaphore, #tpu.memory_space<semaphore_mem>>) src(%dma_wait3A_477 : memref<10240x128xf32, #tpu.memory_space<hbm>>) dst(%arg10 : memref<80x128xf32, #tpu.memory_space<vmem>>)
      %dma_start3A_478 = arith.constant 16 : i32
      %dma_start3A_479 = arith.constant 0 : i32
      %dma_start3A_480 = tpu.memref_slice %arg8[%dma_start3A_478, %dma_start3A_479] : memref<25x80xi32, #tpu.memory_space<vmem>> -> memref<1x80xi32, #tpu.memory_space<vmem>>
      %dma_start3A_481 = tpu.memref_squeeze %dma_start3A_480 : memref<1x80xi32, #tpu.memory_space<vmem>> -> memref<80xi32, #tpu.memory_space<vmem>>
      %dma_start3A_482 = arith.constant 0 : i32
      %dma_start3A_483 = arith.constant 0 : i32
      %dma_start3A_484 = tpu.memref_slice %arg18[%dma_start3A_482, %dma_start3A_483] : memref<10240x128xf32, #tpu.memory_space<vmem_shared>> -> memref<10240x128xf32, #tpu.memory_space<vmem_shared>>
      tpu.enqueue_indirect_dma source(%arg10 : memref<80x128xf32, #tpu.memory_space<vmem>>) target(%dma_start3A_484 : memref<10240x128xf32, #tpu.memory_space<vmem_shared>>) offsets(%dma_start3A_481 : memref<80xi32, #tpu.memory_space<vmem>>) semaphore(%arg16 : memref<!tpu.dma_semaphore, #tpu.memory_space<semaphore_mem>>) {add = true}
      %dma_wait3A_485 = arith.constant 15 : i32
      %dma_wait3A_486 = arith.constant 0 : i32
      %dma_wait3A_487 = tpu.memref_slice %arg8[%dma_wait3A_485, %dma_wait3A_486] : memref<25x80xi32, #tpu.memory_space<vmem>> -> memref<1x80xi32, #tpu.memory_space<vmem>>
      %dma_wait3A_488 = tpu.memref_squeeze %dma_wait3A_487 : memref<1x80xi32, #tpu.memory_space<vmem>> -> memref<80xi32, #tpu.memory_space<vmem>>
      %dma_wait3A_489 = arith.constant 0 : i32
      %dma_wait3A_490 = arith.constant 0 : i32
      %dma_wait3A_491 = tpu.memref_slice %arg18[%dma_wait3A_489, %dma_wait3A_490] : memref<10240x128xf32, #tpu.memory_space<vmem_shared>> -> memref<10240x128xf32, #tpu.memory_space<vmem_shared>>
      tpu.wait_indirect_dma semaphore(%arg15 : memref<!tpu.dma_semaphore, #tpu.memory_space<semaphore_mem>>) src(%arg9 : memref<80x128xf32, #tpu.memory_space<vmem>>) dst(%dma_wait3A_491 : memref<10240x128xf32, #tpu.memory_space<vmem_shared>>)
      %dma_start3A_492 = arith.constant 18 : i32
      %dma_start3A_493 = arith.constant 0 : i32
      %dma_start3A_494 = tpu.memref_slice %arg7[%dma_start3A_492, %dma_start3A_493] : memref<25x80xi32, #tpu.memory_space<vmem>> -> memref<1x80xi32, #tpu.memory_space<vmem>>
      %dma_start3A_495 = tpu.memref_squeeze %dma_start3A_494 : memref<1x80xi32, #tpu.memory_space<vmem>> -> memref<80xi32, #tpu.memory_space<vmem>>
      %dma_start3A_496 = arith.constant 0 : i32
      %dma_start3A_497 = arith.constant 0 : i32
      %dma_start3A_498 = tpu.memref_slice %arg2[%dma_start3A_496, %dma_start3A_497] : memref<10240x128xf32, #tpu.memory_space<hbm>> -> memref<10240x128xf32, #tpu.memory_space<hbm>>
      tpu.enqueue_indirect_dma source(%dma_start3A_498 : memref<10240x128xf32, #tpu.memory_space<hbm>>) target(%arg9 : memref<80x128xf32, #tpu.memory_space<vmem>>) offsets(%dma_start3A_495 : memref<80xi32, #tpu.memory_space<vmem>>) semaphore(%arg12 : memref<!tpu.dma_semaphore, #tpu.memory_space<semaphore_mem>>)
      %dma_wait3A_499 = arith.constant 17 : i32
      %dma_wait3A_500 = arith.constant 0 : i32
      %dma_wait3A_501 = tpu.memref_slice %arg7[%dma_wait3A_499, %dma_wait3A_500] : memref<25x80xi32, #tpu.memory_space<vmem>> -> memref<1x80xi32, #tpu.memory_space<vmem>>
      %dma_wait3A_502 = tpu.memref_squeeze %dma_wait3A_501 : memref<1x80xi32, #tpu.memory_space<vmem>> -> memref<80xi32, #tpu.memory_space<vmem>>
      %dma_wait3A_503 = arith.constant 0 : i32
      %dma_wait3A_504 = arith.constant 0 : i32
      %dma_wait3A_505 = tpu.memref_slice %arg2[%dma_wait3A_503, %dma_wait3A_504] : memref<10240x128xf32, #tpu.memory_space<hbm>> -> memref<10240x128xf32, #tpu.memory_space<hbm>>
      tpu.wait_indirect_dma semaphore(%arg14 : memref<!tpu.dma_semaphore, #tpu.memory_space<semaphore_mem>>) src(%dma_wait3A_505 : memref<10240x128xf32, #tpu.memory_space<hbm>>) dst(%arg11 : memref<80x128xf32, #tpu.memory_space<vmem>>)
      %dma_start3A_506 = arith.constant 17 : i32
      %dma_start3A_507 = arith.constant 0 : i32
      %dma_start3A_508 = tpu.memref_slice %arg8[%dma_start3A_506, %dma_start3A_507] : memref<25x80xi32, #tpu.memory_space<vmem>> -> memref<1x80xi32, #tpu.memory_space<vmem>>
      %dma_start3A_509 = tpu.memref_squeeze %dma_start3A_508 : memref<1x80xi32, #tpu.memory_space<vmem>> -> memref<80xi32, #tpu.memory_space<vmem>>
      %dma_start3A_510 = arith.constant 0 : i32
      %dma_start3A_511 = arith.constant 0 : i32
      %dma_start3A_512 = tpu.memref_slice %arg18[%dma_start3A_510, %dma_start3A_511] : memref<10240x128xf32, #tpu.memory_space<vmem_shared>> -> memref<10240x128xf32, #tpu.memory_space<vmem_shared>>
      tpu.enqueue_indirect_dma source(%arg11 : memref<80x128xf32, #tpu.memory_space<vmem>>) target(%dma_start3A_512 : memref<10240x128xf32, #tpu.memory_space<vmem_shared>>) offsets(%dma_start3A_509 : memref<80xi32, #tpu.memory_space<vmem>>) semaphore(%arg17 : memref<!tpu.dma_semaphore, #tpu.memory_space<semaphore_mem>>) {add = true}
      %dma_wait3A_513 = arith.constant 16 : i32
      %dma_wait3A_514 = arith.constant 0 : i32
      %dma_wait3A_515 = tpu.memref_slice %arg8[%dma_wait3A_513, %dma_wait3A_514] : memref<25x80xi32, #tpu.memory_space<vmem>> -> memref<1x80xi32, #tpu.memory_space<vmem>>
      %dma_wait3A_516 = tpu.memref_squeeze %dma_wait3A_515 : memref<1x80xi32, #tpu.memory_space<vmem>> -> memref<80xi32, #tpu.memory_space<vmem>>
      %dma_wait3A_517 = arith.constant 0 : i32
      %dma_wait3A_518 = arith.constant 0 : i32
      %dma_wait3A_519 = tpu.memref_slice %arg18[%dma_wait3A_517, %dma_wait3A_518] : memref<10240x128xf32, #tpu.memory_space<vmem_shared>> -> memref<10240x128xf32, #tpu.memory_space<vmem_shared>>
      tpu.wait_indirect_dma semaphore(%arg16 : memref<!tpu.dma_semaphore, #tpu.memory_space<semaphore_mem>>) src(%arg10 : memref<80x128xf32, #tpu.memory_space<vmem>>) dst(%dma_wait3A_519 : memref<10240x128xf32, #tpu.memory_space<vmem_shared>>)
      %dma_start3A_520 = arith.constant 19 : i32
      %dma_start3A_521 = arith.constant 0 : i32
      %dma_start3A_522 = tpu.memref_slice %arg7[%dma_start3A_520, %dma_start3A_521] : memref<25x80xi32, #tpu.memory_space<vmem>> -> memref<1x80xi32, #tpu.memory_space<vmem>>
      %dma_start3A_523 = tpu.memref_squeeze %dma_start3A_522 : memref<1x80xi32, #tpu.memory_space<vmem>> -> memref<80xi32, #tpu.memory_space<vmem>>
      %dma_start3A_524 = arith.constant 0 : i32
      %dma_start3A_525 = arith.constant 0 : i32
      %dma_start3A_526 = tpu.memref_slice %arg2[%dma_start3A_524, %dma_start3A_525] : memref<10240x128xf32, #tpu.memory_space<hbm>> -> memref<10240x128xf32, #tpu.memory_space<hbm>>
      tpu.enqueue_indirect_dma source(%dma_start3A_526 : memref<10240x128xf32, #tpu.memory_space<hbm>>) target(%arg10 : memref<80x128xf32, #tpu.memory_space<vmem>>) offsets(%dma_start3A_523 : memref<80xi32, #tpu.memory_space<vmem>>) semaphore(%arg13 : memref<!tpu.dma_semaphore, #tpu.memory_space<semaphore_mem>>)
      %dma_wait3A_527 = arith.constant 18 : i32
      %dma_wait3A_528 = arith.constant 0 : i32
      %dma_wait3A_529 = tpu.memref_slice %arg7[%dma_wait3A_527, %dma_wait3A_528] : memref<25x80xi32, #tpu.memory_space<vmem>> -> memref<1x80xi32, #tpu.memory_space<vmem>>
      %dma_wait3A_530 = tpu.memref_squeeze %dma_wait3A_529 : memref<1x80xi32, #tpu.memory_space<vmem>> -> memref<80xi32, #tpu.memory_space<vmem>>
      %dma_wait3A_531 = arith.constant 0 : i32
      %dma_wait3A_532 = arith.constant 0 : i32
      %dma_wait3A_533 = tpu.memref_slice %arg2[%dma_wait3A_531, %dma_wait3A_532] : memref<10240x128xf32, #tpu.memory_space<hbm>> -> memref<10240x128xf32, #tpu.memory_space<hbm>>
      tpu.wait_indirect_dma semaphore(%arg12 : memref<!tpu.dma_semaphore, #tpu.memory_space<semaphore_mem>>) src(%dma_wait3A_533 : memref<10240x128xf32, #tpu.memory_space<hbm>>) dst(%arg9 : memref<80x128xf32, #tpu.memory_space<vmem>>)
      %dma_start3A_534 = arith.constant 18 : i32
      %dma_start3A_535 = arith.constant 0 : i32
      %dma_start3A_536 = tpu.memref_slice %arg8[%dma_start3A_534, %dma_start3A_535] : memref<25x80xi32, #tpu.memory_space<vmem>> -> memref<1x80xi32, #tpu.memory_space<vmem>>
      %dma_start3A_537 = tpu.memref_squeeze %dma_start3A_536 : memref<1x80xi32, #tpu.memory_space<vmem>> -> memref<80xi32, #tpu.memory_space<vmem>>
      %dma_start3A_538 = arith.constant 0 : i32
      %dma_start3A_539 = arith.constant 0 : i32
      %dma_start3A_540 = tpu.memref_slice %arg18[%dma_start3A_538, %dma_start3A_539] : memref<10240x128xf32, #tpu.memory_space<vmem_shared>> -> memref<10240x128xf32, #tpu.memory_space<vmem_shared>>
      tpu.enqueue_indirect_dma source(%arg9 : memref<80x128xf32, #tpu.memory_space<vmem>>) target(%dma_start3A_540 : memref<10240x128xf32, #tpu.memory_space<vmem_shared>>) offsets(%dma_start3A_537 : memref<80xi32, #tpu.memory_space<vmem>>) semaphore(%arg15 : memref<!tpu.dma_semaphore, #tpu.memory_space<semaphore_mem>>) {add = true}
      %dma_wait3A_541 = arith.constant 17 : i32
      %dma_wait3A_542 = arith.constant 0 : i32
      %dma_wait3A_543 = tpu.memref_slice %arg8[%dma_wait3A_541, %dma_wait3A_542] : memref<25x80xi32, #tpu.memory_space<vmem>> -> memref<1x80xi32, #tpu.memory_space<vmem>>
      %dma_wait3A_544 = tpu.memref_squeeze %dma_wait3A_543 : memref<1x80xi32, #tpu.memory_space<vmem>> -> memref<80xi32, #tpu.memory_space<vmem>>
      %dma_wait3A_545 = arith.constant 0 : i32
      %dma_wait3A_546 = arith.constant 0 : i32
      %dma_wait3A_547 = tpu.memref_slice %arg18[%dma_wait3A_545, %dma_wait3A_546] : memref<10240x128xf32, #tpu.memory_space<vmem_shared>> -> memref<10240x128xf32, #tpu.memory_space<vmem_shared>>
      tpu.wait_indirect_dma semaphore(%arg17 : memref<!tpu.dma_semaphore, #tpu.memory_space<semaphore_mem>>) src(%arg11 : memref<80x128xf32, #tpu.memory_space<vmem>>) dst(%dma_wait3A_547 : memref<10240x128xf32, #tpu.memory_space<vmem_shared>>)
      %dma_start3A_548 = arith.constant 20 : i32
      %dma_start3A_549 = arith.constant 0 : i32
      %dma_start3A_550 = tpu.memref_slice %arg7[%dma_start3A_548, %dma_start3A_549] : memref<25x80xi32, #tpu.memory_space<vmem>> -> memref<1x80xi32, #tpu.memory_space<vmem>>
      %dma_start3A_551 = tpu.memref_squeeze %dma_start3A_550 : memref<1x80xi32, #tpu.memory_space<vmem>> -> memref<80xi32, #tpu.memory_space<vmem>>
      %dma_start3A_552 = arith.constant 0 : i32
      %dma_start3A_553 = arith.constant 0 : i32
      %dma_start3A_554 = tpu.memref_slice %arg2[%dma_start3A_552, %dma_start3A_553] : memref<10240x128xf32, #tpu.memory_space<hbm>> -> memref<10240x128xf32, #tpu.memory_space<hbm>>
      tpu.enqueue_indirect_dma source(%dma_start3A_554 : memref<10240x128xf32, #tpu.memory_space<hbm>>) target(%arg11 : memref<80x128xf32, #tpu.memory_space<vmem>>) offsets(%dma_start3A_551 : memref<80xi32, #tpu.memory_space<vmem>>) semaphore(%arg14 : memref<!tpu.dma_semaphore, #tpu.memory_space<semaphore_mem>>)
      %dma_wait3A_555 = arith.constant 19 : i32
      %dma_wait3A_556 = arith.constant 0 : i32
      %dma_wait3A_557 = tpu.memref_slice %arg7[%dma_wait3A_555, %dma_wait3A_556] : memref<25x80xi32, #tpu.memory_space<vmem>> -> memref<1x80xi32, #tpu.memory_space<vmem>>
      %dma_wait3A_558 = tpu.memref_squeeze %dma_wait3A_557 : memref<1x80xi32, #tpu.memory_space<vmem>> -> memref<80xi32, #tpu.memory_space<vmem>>
      %dma_wait3A_559 = arith.constant 0 : i32
      %dma_wait3A_560 = arith.constant 0 : i32
      %dma_wait3A_561 = tpu.memref_slice %arg2[%dma_wait3A_559, %dma_wait3A_560] : memref<10240x128xf32, #tpu.memory_space<hbm>> -> memref<10240x128xf32, #tpu.memory_space<hbm>>
      tpu.wait_indirect_dma semaphore(%arg13 : memref<!tpu.dma_semaphore, #tpu.memory_space<semaphore_mem>>) src(%dma_wait3A_561 : memref<10240x128xf32, #tpu.memory_space<hbm>>) dst(%arg10 : memref<80x128xf32, #tpu.memory_space<vmem>>)
      %dma_start3A_562 = arith.constant 19 : i32
      %dma_start3A_563 = arith.constant 0 : i32
      %dma_start3A_564 = tpu.memref_slice %arg8[%dma_start3A_562, %dma_start3A_563] : memref<25x80xi32, #tpu.memory_space<vmem>> -> memref<1x80xi32, #tpu.memory_space<vmem>>
      %dma_start3A_565 = tpu.memref_squeeze %dma_start3A_564 : memref<1x80xi32, #tpu.memory_space<vmem>> -> memref<80xi32, #tpu.memory_space<vmem>>
      %dma_start3A_566 = arith.constant 0 : i32
      %dma_start3A_567 = arith.constant 0 : i32
      %dma_start3A_568 = tpu.memref_slice %arg18[%dma_start3A_566, %dma_start3A_567] : memref<10240x128xf32, #tpu.memory_space<vmem_shared>> -> memref<10240x128xf32, #tpu.memory_space<vmem_shared>>
      tpu.enqueue_indirect_dma source(%arg10 : memref<80x128xf32, #tpu.memory_space<vmem>>) target(%dma_start3A_568 : memref<10240x128xf32, #tpu.memory_space<vmem_shared>>) offsets(%dma_start3A_565 : memref<80xi32, #tpu.memory_space<vmem>>) semaphore(%arg16 : memref<!tpu.dma_semaphore, #tpu.memory_space<semaphore_mem>>) {add = true}
      %dma_wait3A_569 = arith.constant 18 : i32
      %dma_wait3A_570 = arith.constant 0 : i32
      %dma_wait3A_571 = tpu.memref_slice %arg8[%dma_wait3A_569, %dma_wait3A_570] : memref<25x80xi32, #tpu.memory_space<vmem>> -> memref<1x80xi32, #tpu.memory_space<vmem>>
      %dma_wait3A_572 = tpu.memref_squeeze %dma_wait3A_571 : memref<1x80xi32, #tpu.memory_space<vmem>> -> memref<80xi32, #tpu.memory_space<vmem>>
      %dma_wait3A_573 = arith.constant 0 : i32
      %dma_wait3A_574 = arith.constant 0 : i32
      %dma_wait3A_575 = tpu.memref_slice %arg18[%dma_wait3A_573, %dma_wait3A_574] : memref<10240x128xf32, #tpu.memory_space<vmem_shared>> -> memref<10240x128xf32, #tpu.memory_space<vmem_shared>>
      tpu.wait_indirect_dma semaphore(%arg15 : memref<!tpu.dma_semaphore, #tpu.memory_space<semaphore_mem>>) src(%arg9 : memref<80x128xf32, #tpu.memory_space<vmem>>) dst(%dma_wait3A_575 : memref<10240x128xf32, #tpu.memory_space<vmem_shared>>)
      %dma_start3A_576 = arith.constant 21 : i32
      %dma_start3A_577 = arith.constant 0 : i32
      %dma_start3A_578 = tpu.memref_slice %arg7[%dma_start3A_576, %dma_start3A_577] : memref<25x80xi32, #tpu.memory_space<vmem>> -> memref<1x80xi32, #tpu.memory_space<vmem>>
      %dma_start3A_579 = tpu.memref_squeeze %dma_start3A_578 : memref<1x80xi32, #tpu.memory_space<vmem>> -> memref<80xi32, #tpu.memory_space<vmem>>
      %dma_start3A_580 = arith.constant 0 : i32
      %dma_start3A_581 = arith.constant 0 : i32
      %dma_start3A_582 = tpu.memref_slice %arg2[%dma_start3A_580, %dma_start3A_581] : memref<10240x128xf32, #tpu.memory_space<hbm>> -> memref<10240x128xf32, #tpu.memory_space<hbm>>
      tpu.enqueue_indirect_dma source(%dma_start3A_582 : memref<10240x128xf32, #tpu.memory_space<hbm>>) target(%arg9 : memref<80x128xf32, #tpu.memory_space<vmem>>) offsets(%dma_start3A_579 : memref<80xi32, #tpu.memory_space<vmem>>) semaphore(%arg12 : memref<!tpu.dma_semaphore, #tpu.memory_space<semaphore_mem>>)
      %dma_wait3A_583 = arith.constant 20 : i32
      %dma_wait3A_584 = arith.constant 0 : i32
      %dma_wait3A_585 = tpu.memref_slice %arg7[%dma_wait3A_583, %dma_wait3A_584] : memref<25x80xi32, #tpu.memory_space<vmem>> -> memref<1x80xi32, #tpu.memory_space<vmem>>
      %dma_wait3A_586 = tpu.memref_squeeze %dma_wait3A_585 : memref<1x80xi32, #tpu.memory_space<vmem>> -> memref<80xi32, #tpu.memory_space<vmem>>
      %dma_wait3A_587 = arith.constant 0 : i32
      %dma_wait3A_588 = arith.constant 0 : i32
      %dma_wait3A_589 = tpu.memref_slice %arg2[%dma_wait3A_587, %dma_wait3A_588] : memref<10240x128xf32, #tpu.memory_space<hbm>> -> memref<10240x128xf32, #tpu.memory_space<hbm>>
      tpu.wait_indirect_dma semaphore(%arg14 : memref<!tpu.dma_semaphore, #tpu.memory_space<semaphore_mem>>) src(%dma_wait3A_589 : memref<10240x128xf32, #tpu.memory_space<hbm>>) dst(%arg11 : memref<80x128xf32, #tpu.memory_space<vmem>>)
      %dma_start3A_590 = arith.constant 20 : i32
      %dma_start3A_591 = arith.constant 0 : i32
      %dma_start3A_592 = tpu.memref_slice %arg8[%dma_start3A_590, %dma_start3A_591] : memref<25x80xi32, #tpu.memory_space<vmem>> -> memref<1x80xi32, #tpu.memory_space<vmem>>
      %dma_start3A_593 = tpu.memref_squeeze %dma_start3A_592 : memref<1x80xi32, #tpu.memory_space<vmem>> -> memref<80xi32, #tpu.memory_space<vmem>>
      %dma_start3A_594 = arith.constant 0 : i32
      %dma_start3A_595 = arith.constant 0 : i32
      %dma_start3A_596 = tpu.memref_slice %arg18[%dma_start3A_594, %dma_start3A_595] : memref<10240x128xf32, #tpu.memory_space<vmem_shared>> -> memref<10240x128xf32, #tpu.memory_space<vmem_shared>>
      tpu.enqueue_indirect_dma source(%arg11 : memref<80x128xf32, #tpu.memory_space<vmem>>) target(%dma_start3A_596 : memref<10240x128xf32, #tpu.memory_space<vmem_shared>>) offsets(%dma_start3A_593 : memref<80xi32, #tpu.memory_space<vmem>>) semaphore(%arg17 : memref<!tpu.dma_semaphore, #tpu.memory_space<semaphore_mem>>) {add = true}
      %dma_wait3A_597 = arith.constant 19 : i32
      %dma_wait3A_598 = arith.constant 0 : i32
      %dma_wait3A_599 = tpu.memref_slice %arg8[%dma_wait3A_597, %dma_wait3A_598] : memref<25x80xi32, #tpu.memory_space<vmem>> -> memref<1x80xi32, #tpu.memory_space<vmem>>
      %dma_wait3A_600 = tpu.memref_squeeze %dma_wait3A_599 : memref<1x80xi32, #tpu.memory_space<vmem>> -> memref<80xi32, #tpu.memory_space<vmem>>
      %dma_wait3A_601 = arith.constant 0 : i32
      %dma_wait3A_602 = arith.constant 0 : i32
      %dma_wait3A_603 = tpu.memref_slice %arg18[%dma_wait3A_601, %dma_wait3A_602] : memref<10240x128xf32, #tpu.memory_space<vmem_shared>> -> memref<10240x128xf32, #tpu.memory_space<vmem_shared>>
      tpu.wait_indirect_dma semaphore(%arg16 : memref<!tpu.dma_semaphore, #tpu.memory_space<semaphore_mem>>) src(%arg10 : memref<80x128xf32, #tpu.memory_space<vmem>>) dst(%dma_wait3A_603 : memref<10240x128xf32, #tpu.memory_space<vmem_shared>>)
      %dma_start3A_604 = arith.constant 22 : i32
      %dma_start3A_605 = arith.constant 0 : i32
      %dma_start3A_606 = tpu.memref_slice %arg7[%dma_start3A_604, %dma_start3A_605] : memref<25x80xi32, #tpu.memory_space<vmem>> -> memref<1x80xi32, #tpu.memory_space<vmem>>
      %dma_start3A_607 = tpu.memref_squeeze %dma_start3A_606 : memref<1x80xi32, #tpu.memory_space<vmem>> -> memref<80xi32, #tpu.memory_space<vmem>>
      %dma_start3A_608 = arith.constant 0 : i32
      %dma_start3A_609 = arith.constant 0 : i32
      %dma_start3A_610 = tpu.memref_slice %arg2[%dma_start3A_608, %dma_start3A_609] : memref<10240x128xf32, #tpu.memory_space<hbm>> -> memref<10240x128xf32, #tpu.memory_space<hbm>>
      tpu.enqueue_indirect_dma source(%dma_start3A_610 : memref<10240x128xf32, #tpu.memory_space<hbm>>) target(%arg10 : memref<80x128xf32, #tpu.memory_space<vmem>>) offsets(%dma_start3A_607 : memref<80xi32, #tpu.memory_space<vmem>>) semaphore(%arg13 : memref<!tpu.dma_semaphore, #tpu.memory_space<semaphore_mem>>)
      %dma_wait3A_611 = arith.constant 21 : i32
      %dma_wait3A_612 = arith.constant 0 : i32
      %dma_wait3A_613 = tpu.memref_slice %arg7[%dma_wait3A_611, %dma_wait3A_612] : memref<25x80xi32, #tpu.memory_space<vmem>> -> memref<1x80xi32, #tpu.memory_space<vmem>>
      %dma_wait3A_614 = tpu.memref_squeeze %dma_wait3A_613 : memref<1x80xi32, #tpu.memory_space<vmem>> -> memref<80xi32, #tpu.memory_space<vmem>>
      %dma_wait3A_615 = arith.constant 0 : i32
      %dma_wait3A_616 = arith.constant 0 : i32
      %dma_wait3A_617 = tpu.memref_slice %arg2[%dma_wait3A_615, %dma_wait3A_616] : memref<10240x128xf32, #tpu.memory_space<hbm>> -> memref<10240x128xf32, #tpu.memory_space<hbm>>
      tpu.wait_indirect_dma semaphore(%arg12 : memref<!tpu.dma_semaphore, #tpu.memory_space<semaphore_mem>>) src(%dma_wait3A_617 : memref<10240x128xf32, #tpu.memory_space<hbm>>) dst(%arg9 : memref<80x128xf32, #tpu.memory_space<vmem>>)
      %dma_start3A_618 = arith.constant 21 : i32
      %dma_start3A_619 = arith.constant 0 : i32
      %dma_start3A_620 = tpu.memref_slice %arg8[%dma_start3A_618, %dma_start3A_619] : memref<25x80xi32, #tpu.memory_space<vmem>> -> memref<1x80xi32, #tpu.memory_space<vmem>>
      %dma_start3A_621 = tpu.memref_squeeze %dma_start3A_620 : memref<1x80xi32, #tpu.memory_space<vmem>> -> memref<80xi32, #tpu.memory_space<vmem>>
      %dma_start3A_622 = arith.constant 0 : i32
      %dma_start3A_623 = arith.constant 0 : i32
      %dma_start3A_624 = tpu.memref_slice %arg18[%dma_start3A_622, %dma_start3A_623] : memref<10240x128xf32, #tpu.memory_space<vmem_shared>> -> memref<10240x128xf32, #tpu.memory_space<vmem_shared>>
      tpu.enqueue_indirect_dma source(%arg9 : memref<80x128xf32, #tpu.memory_space<vmem>>) target(%dma_start3A_624 : memref<10240x128xf32, #tpu.memory_space<vmem_shared>>) offsets(%dma_start3A_621 : memref<80xi32, #tpu.memory_space<vmem>>) semaphore(%arg15 : memref<!tpu.dma_semaphore, #tpu.memory_space<semaphore_mem>>) {add = true}
      %dma_wait3A_625 = arith.constant 20 : i32
      %dma_wait3A_626 = arith.constant 0 : i32
      %dma_wait3A_627 = tpu.memref_slice %arg8[%dma_wait3A_625, %dma_wait3A_626] : memref<25x80xi32, #tpu.memory_space<vmem>> -> memref<1x80xi32, #tpu.memory_space<vmem>>
      %dma_wait3A_628 = tpu.memref_squeeze %dma_wait3A_627 : memref<1x80xi32, #tpu.memory_space<vmem>> -> memref<80xi32, #tpu.memory_space<vmem>>
      %dma_wait3A_629 = arith.constant 0 : i32
      %dma_wait3A_630 = arith.constant 0 : i32
      %dma_wait3A_631 = tpu.memref_slice %arg18[%dma_wait3A_629, %dma_wait3A_630] : memref<10240x128xf32, #tpu.memory_space<vmem_shared>> -> memref<10240x128xf32, #tpu.memory_space<vmem_shared>>
      tpu.wait_indirect_dma semaphore(%arg17 : memref<!tpu.dma_semaphore, #tpu.memory_space<semaphore_mem>>) src(%arg11 : memref<80x128xf32, #tpu.memory_space<vmem>>) dst(%dma_wait3A_631 : memref<10240x128xf32, #tpu.memory_space<vmem_shared>>)
      %dma_start3A_632 = arith.constant 23 : i32
      %dma_start3A_633 = arith.constant 0 : i32
      %dma_start3A_634 = tpu.memref_slice %arg7[%dma_start3A_632, %dma_start3A_633] : memref<25x80xi32, #tpu.memory_space<vmem>> -> memref<1x80xi32, #tpu.memory_space<vmem>>
      %dma_start3A_635 = tpu.memref_squeeze %dma_start3A_634 : memref<1x80xi32, #tpu.memory_space<vmem>> -> memref<80xi32, #tpu.memory_space<vmem>>
      %dma_start3A_636 = arith.constant 0 : i32
      %dma_start3A_637 = arith.constant 0 : i32
      %dma_start3A_638 = tpu.memref_slice %arg2[%dma_start3A_636, %dma_start3A_637] : memref<10240x128xf32, #tpu.memory_space<hbm>> -> memref<10240x128xf32, #tpu.memory_space<hbm>>
      tpu.enqueue_indirect_dma source(%dma_start3A_638 : memref<10240x128xf32, #tpu.memory_space<hbm>>) target(%arg11 : memref<80x128xf32, #tpu.memory_space<vmem>>) offsets(%dma_start3A_635 : memref<80xi32, #tpu.memory_space<vmem>>) semaphore(%arg14 : memref<!tpu.dma_semaphore, #tpu.memory_space<semaphore_mem>>)
      %dma_wait3A_639 = arith.constant 22 : i32
      %dma_wait3A_640 = arith.constant 0 : i32
      %dma_wait3A_641 = tpu.memref_slice %arg7[%dma_wait3A_639, %dma_wait3A_640] : memref<25x80xi32, #tpu.memory_space<vmem>> -> memref<1x80xi32, #tpu.memory_space<vmem>>
      %dma_wait3A_642 = tpu.memref_squeeze %dma_wait3A_641 : memref<1x80xi32, #tpu.memory_space<vmem>> -> memref<80xi32, #tpu.memory_space<vmem>>
      %dma_wait3A_643 = arith.constant 0 : i32
      %dma_wait3A_644 = arith.constant 0 : i32
      %dma_wait3A_645 = tpu.memref_slice %arg2[%dma_wait3A_643, %dma_wait3A_644] : memref<10240x128xf32, #tpu.memory_space<hbm>> -> memref<10240x128xf32, #tpu.memory_space<hbm>>
      tpu.wait_indirect_dma semaphore(%arg13 : memref<!tpu.dma_semaphore, #tpu.memory_space<semaphore_mem>>) src(%dma_wait3A_645 : memref<10240x128xf32, #tpu.memory_space<hbm>>) dst(%arg10 : memref<80x128xf32, #tpu.memory_space<vmem>>)
      %dma_start3A_646 = arith.constant 22 : i32
      %dma_start3A_647 = arith.constant 0 : i32
      %dma_start3A_648 = tpu.memref_slice %arg8[%dma_start3A_646, %dma_start3A_647] : memref<25x80xi32, #tpu.memory_space<vmem>> -> memref<1x80xi32, #tpu.memory_space<vmem>>
      %dma_start3A_649 = tpu.memref_squeeze %dma_start3A_648 : memref<1x80xi32, #tpu.memory_space<vmem>> -> memref<80xi32, #tpu.memory_space<vmem>>
      %dma_start3A_650 = arith.constant 0 : i32
      %dma_start3A_651 = arith.constant 0 : i32
      %dma_start3A_652 = tpu.memref_slice %arg18[%dma_start3A_650, %dma_start3A_651] : memref<10240x128xf32, #tpu.memory_space<vmem_shared>> -> memref<10240x128xf32, #tpu.memory_space<vmem_shared>>
      tpu.enqueue_indirect_dma source(%arg10 : memref<80x128xf32, #tpu.memory_space<vmem>>) target(%dma_start3A_652 : memref<10240x128xf32, #tpu.memory_space<vmem_shared>>) offsets(%dma_start3A_649 : memref<80xi32, #tpu.memory_space<vmem>>) semaphore(%arg16 : memref<!tpu.dma_semaphore, #tpu.memory_space<semaphore_mem>>) {add = true}
      %dma_wait3A_653 = arith.constant 21 : i32
      %dma_wait3A_654 = arith.constant 0 : i32
      %dma_wait3A_655 = tpu.memref_slice %arg8[%dma_wait3A_653, %dma_wait3A_654] : memref<25x80xi32, #tpu.memory_space<vmem>> -> memref<1x80xi32, #tpu.memory_space<vmem>>
      %dma_wait3A_656 = tpu.memref_squeeze %dma_wait3A_655 : memref<1x80xi32, #tpu.memory_space<vmem>> -> memref<80xi32, #tpu.memory_space<vmem>>
      %dma_wait3A_657 = arith.constant 0 : i32
      %dma_wait3A_658 = arith.constant 0 : i32
      %dma_wait3A_659 = tpu.memref_slice %arg18[%dma_wait3A_657, %dma_wait3A_658] : memref<10240x128xf32, #tpu.memory_space<vmem_shared>> -> memref<10240x128xf32, #tpu.memory_space<vmem_shared>>
      tpu.wait_indirect_dma semaphore(%arg15 : memref<!tpu.dma_semaphore, #tpu.memory_space<semaphore_mem>>) src(%arg9 : memref<80x128xf32, #tpu.memory_space<vmem>>) dst(%dma_wait3A_659 : memref<10240x128xf32, #tpu.memory_space<vmem_shared>>)
      %dma_start3A_660 = arith.constant 24 : i32
      %dma_start3A_661 = arith.constant 0 : i32
      %dma_start3A_662 = tpu.memref_slice %arg7[%dma_start3A_660, %dma_start3A_661] : memref<25x80xi32, #tpu.memory_space<vmem>> -> memref<1x80xi32, #tpu.memory_space<vmem>>
      %dma_start3A_663 = tpu.memref_squeeze %dma_start3A_662 : memref<1x80xi32, #tpu.memory_space<vmem>> -> memref<80xi32, #tpu.memory_space<vmem>>
      %dma_start3A_664 = arith.constant 0 : i32
      %dma_start3A_665 = arith.constant 0 : i32
      %dma_start3A_666 = tpu.memref_slice %arg2[%dma_start3A_664, %dma_start3A_665] : memref<10240x128xf32, #tpu.memory_space<hbm>> -> memref<10240x128xf32, #tpu.memory_space<hbm>>
      tpu.enqueue_indirect_dma source(%dma_start3A_666 : memref<10240x128xf32, #tpu.memory_space<hbm>>) target(%arg9 : memref<80x128xf32, #tpu.memory_space<vmem>>) offsets(%dma_start3A_663 : memref<80xi32, #tpu.memory_space<vmem>>) semaphore(%arg12 : memref<!tpu.dma_semaphore, #tpu.memory_space<semaphore_mem>>)
      %dma_wait3A_667 = arith.constant 23 : i32
      %dma_wait3A_668 = arith.constant 0 : i32
      %dma_wait3A_669 = tpu.memref_slice %arg7[%dma_wait3A_667, %dma_wait3A_668] : memref<25x80xi32, #tpu.memory_space<vmem>> -> memref<1x80xi32, #tpu.memory_space<vmem>>
      %dma_wait3A_670 = tpu.memref_squeeze %dma_wait3A_669 : memref<1x80xi32, #tpu.memory_space<vmem>> -> memref<80xi32, #tpu.memory_space<vmem>>
      %dma_wait3A_671 = arith.constant 0 : i32
      %dma_wait3A_672 = arith.constant 0 : i32
      %dma_wait3A_673 = tpu.memref_slice %arg2[%dma_wait3A_671, %dma_wait3A_672] : memref<10240x128xf32, #tpu.memory_space<hbm>> -> memref<10240x128xf32, #tpu.memory_space<hbm>>
      tpu.wait_indirect_dma semaphore(%arg14 : memref<!tpu.dma_semaphore, #tpu.memory_space<semaphore_mem>>) src(%dma_wait3A_673 : memref<10240x128xf32, #tpu.memory_space<hbm>>) dst(%arg11 : memref<80x128xf32, #tpu.memory_space<vmem>>)
      %dma_start3A_674 = arith.constant 23 : i32
      %dma_start3A_675 = arith.constant 0 : i32
      %dma_start3A_676 = tpu.memref_slice %arg8[%dma_start3A_674, %dma_start3A_675] : memref<25x80xi32, #tpu.memory_space<vmem>> -> memref<1x80xi32, #tpu.memory_space<vmem>>
      %dma_start3A_677 = tpu.memref_squeeze %dma_start3A_676 : memref<1x80xi32, #tpu.memory_space<vmem>> -> memref<80xi32, #tpu.memory_space<vmem>>
      %dma_start3A_678 = arith.constant 0 : i32
      %dma_start3A_679 = arith.constant 0 : i32
      %dma_start3A_680 = tpu.memref_slice %arg18[%dma_start3A_678, %dma_start3A_679] : memref<10240x128xf32, #tpu.memory_space<vmem_shared>> -> memref<10240x128xf32, #tpu.memory_space<vmem_shared>>
      tpu.enqueue_indirect_dma source(%arg11 : memref<80x128xf32, #tpu.memory_space<vmem>>) target(%dma_start3A_680 : memref<10240x128xf32, #tpu.memory_space<vmem_shared>>) offsets(%dma_start3A_677 : memref<80xi32, #tpu.memory_space<vmem>>) semaphore(%arg17 : memref<!tpu.dma_semaphore, #tpu.memory_space<semaphore_mem>>) {add = true}
      %dma_wait3A_681 = arith.constant 24 : i32
      %dma_wait3A_682 = arith.constant 0 : i32
      %dma_wait3A_683 = tpu.memref_slice %arg7[%dma_wait3A_681, %dma_wait3A_682] : memref<25x80xi32, #tpu.memory_space<vmem>> -> memref<1x80xi32, #tpu.memory_space<vmem>>
      %dma_wait3A_684 = tpu.memref_squeeze %dma_wait3A_683 : memref<1x80xi32, #tpu.memory_space<vmem>> -> memref<80xi32, #tpu.memory_space<vmem>>
      %dma_wait3A_685 = arith.constant 0 : i32
      %dma_wait3A_686 = arith.constant 0 : i32
      %dma_wait3A_687 = tpu.memref_slice %arg2[%dma_wait3A_685, %dma_wait3A_686] : memref<10240x128xf32, #tpu.memory_space<hbm>> -> memref<10240x128xf32, #tpu.memory_space<hbm>>
      tpu.wait_indirect_dma semaphore(%arg12 : memref<!tpu.dma_semaphore, #tpu.memory_space<semaphore_mem>>) src(%dma_wait3A_687 : memref<10240x128xf32, #tpu.memory_space<hbm>>) dst(%arg9 : memref<80x128xf32, #tpu.memory_space<vmem>>)
      %dma_start3A_688 = arith.constant 24 : i32
      %dma_start3A_689 = arith.constant 0 : i32
      %dma_start3A_690 = tpu.memref_slice %arg8[%dma_start3A_688, %dma_start3A_689] : memref<25x80xi32, #tpu.memory_space<vmem>> -> memref<1x80xi32, #tpu.memory_space<vmem>>
      %dma_start3A_691 = tpu.memref_squeeze %dma_start3A_690 : memref<1x80xi32, #tpu.memory_space<vmem>> -> memref<80xi32, #tpu.memory_space<vmem>>
      %dma_start3A_692 = arith.constant 0 : i32
      %dma_start3A_693 = arith.constant 0 : i32
      %dma_start3A_694 = tpu.memref_slice %arg18[%dma_start3A_692, %dma_start3A_693] : memref<10240x128xf32, #tpu.memory_space<vmem_shared>> -> memref<10240x128xf32, #tpu.memory_space<vmem_shared>>
      tpu.enqueue_indirect_dma source(%arg9 : memref<80x128xf32, #tpu.memory_space<vmem>>) target(%dma_start3A_694 : memref<10240x128xf32, #tpu.memory_space<vmem_shared>>) offsets(%dma_start3A_691 : memref<80xi32, #tpu.memory_space<vmem>>) semaphore(%arg15 : memref<!tpu.dma_semaphore, #tpu.memory_space<semaphore_mem>>) {add = true}
      %dma_wait3A_695 = arith.constant 22 : i32
      %dma_wait3A_696 = arith.constant 0 : i32
      %dma_wait3A_697 = tpu.memref_slice %arg8[%dma_wait3A_695, %dma_wait3A_696] : memref<25x80xi32, #tpu.memory_space<vmem>> -> memref<1x80xi32, #tpu.memory_space<vmem>>
      %dma_wait3A_698 = tpu.memref_squeeze %dma_wait3A_697 : memref<1x80xi32, #tpu.memory_space<vmem>> -> memref<80xi32, #tpu.memory_space<vmem>>
      %dma_wait3A_699 = arith.constant 0 : i32
      %dma_wait3A_700 = arith.constant 0 : i32
      %dma_wait3A_701 = tpu.memref_slice %arg18[%dma_wait3A_699, %dma_wait3A_700] : memref<10240x128xf32, #tpu.memory_space<vmem_shared>> -> memref<10240x128xf32, #tpu.memory_space<vmem_shared>>
      tpu.wait_indirect_dma semaphore(%arg16 : memref<!tpu.dma_semaphore, #tpu.memory_space<semaphore_mem>>) src(%arg10 : memref<80x128xf32, #tpu.memory_space<vmem>>) dst(%dma_wait3A_701 : memref<10240x128xf32, #tpu.memory_space<vmem_shared>>)
      %dma_wait3A_702 = arith.constant 23 : i32
      %dma_wait3A_703 = arith.constant 0 : i32
      %dma_wait3A_704 = tpu.memref_slice %arg8[%dma_wait3A_702, %dma_wait3A_703] : memref<25x80xi32, #tpu.memory_space<vmem>> -> memref<1x80xi32, #tpu.memory_space<vmem>>
      %dma_wait3A_705 = tpu.memref_squeeze %dma_wait3A_704 : memref<1x80xi32, #tpu.memory_space<vmem>> -> memref<80xi32, #tpu.memory_space<vmem>>
      %dma_wait3A_706 = arith.constant 0 : i32
      %dma_wait3A_707 = arith.constant 0 : i32
      %dma_wait3A_708 = tpu.memref_slice %arg18[%dma_wait3A_706, %dma_wait3A_707] : memref<10240x128xf32, #tpu.memory_space<vmem_shared>> -> memref<10240x128xf32, #tpu.memory_space<vmem_shared>>
      tpu.wait_indirect_dma semaphore(%arg17 : memref<!tpu.dma_semaphore, #tpu.memory_space<semaphore_mem>>) src(%arg11 : memref<80x128xf32, #tpu.memory_space<vmem>>) dst(%dma_wait3A_708 : memref<10240x128xf32, #tpu.memory_space<vmem_shared>>)
      %dma_wait3A_709 = arith.constant 24 : i32
      %dma_wait3A_710 = arith.constant 0 : i32
      %dma_wait3A_711 = tpu.memref_slice %arg8[%dma_wait3A_709, %dma_wait3A_710] : memref<25x80xi32, #tpu.memory_space<vmem>> -> memref<1x80xi32, #tpu.memory_space<vmem>>
      %dma_wait3A_712 = tpu.memref_squeeze %dma_wait3A_711 : memref<1x80xi32, #tpu.memory_space<vmem>> -> memref<80xi32, #tpu.memory_space<vmem>>
      %dma_wait3A_713 = arith.constant 0 : i32
      %dma_wait3A_714 = arith.constant 0 : i32
      %dma_wait3A_715 = tpu.memref_slice %arg18[%dma_wait3A_713, %dma_wait3A_714] : memref<10240x128xf32, #tpu.memory_space<vmem_shared>> -> memref<10240x128xf32, #tpu.memory_space<vmem_shared>>
      tpu.wait_indirect_dma semaphore(%arg15 : memref<!tpu.dma_semaphore, #tpu.memory_space<semaphore_mem>>) src(%arg9 : memref<80x128xf32, #tpu.memory_space<vmem>>) dst(%dma_wait3A_715 : memref<10240x128xf32, #tpu.memory_space<vmem_shared>>)
      %scan3A_716 = arith.constant 0 : i32
      scf.yield %scan3A_716 : i32
    }
    %scan3A_14 = arith.constant 5 : i32
    %barrier3A_15 = arith.constant 0 : index
    tpu.barrier barrier_id(%barrier3A_15)
    "tpu.region"() ({
      %run_scoped3A = tpu.sem_alloc : memref<!tpu.dma_semaphore, #tpu.memory_space<semaphore_mem>>
      %dma_start3A = arith.constant 0 : i32
      %dma_start3A_16 = tpu.memref_slice %arg6[%arg0, %mul3A_2, %dma_start3A] : memref<2x10240x128xf32, #tpu.memory_space<hbm>> -> memref<1x640x128xf32, #tpu.memory_space<hbm>>
      %dma_start3A_17 = tpu.memref_squeeze %dma_start3A_16 : memref<1x640x128xf32, #tpu.memory_space<hbm>> -> memref<640x128xf32, #tpu.memory_space<hbm>>
      %dma_start3A_18 = arith.constant 0 : i32
      %dma_start3A_19 = tpu.memref_slice %arg18[%mul3A_2, %dma_start3A_18] : memref<10240x128xf32, #tpu.memory_space<vmem_shared>> -> memref<640x128xf32, #tpu.memory_space<vmem_shared>>
      tpu.enqueue_dma source(%dma_start3A_19 : memref<640x128xf32, #tpu.memory_space<vmem_shared>>) target(%dma_start3A_17 : memref<640x128xf32, #tpu.memory_space<hbm>>) target_semaphore(%run_scoped3A : memref<!tpu.dma_semaphore, #tpu.memory_space<semaphore_mem>>)
      %dma_wait3A = arith.constant 0 : i32
      %dma_wait3A_20 = tpu.memref_slice %arg6[%arg0, %mul3A_2, %dma_wait3A] : memref<2x10240x128xf32, #tpu.memory_space<hbm>> -> memref<1x640x128xf32, #tpu.memory_space<hbm>>
      %dma_wait3A_21 = tpu.memref_squeeze %dma_wait3A_20 : memref<1x640x128xf32, #tpu.memory_space<hbm>> -> memref<640x128xf32, #tpu.memory_space<hbm>>
      %dma_wait3A_22 = arith.constant 0 : i32
      %dma_wait3A_23 = tpu.memref_slice %arg18[%mul3A_2, %dma_wait3A_22] : memref<10240x128xf32, #tpu.memory_space<vmem_shared>> -> memref<640x128xf32, #tpu.memory_space<vmem_shared>>
      tpu.wait_dma2 semaphore(%run_scoped3A : memref<!tpu.dma_semaphore, #tpu.memory_space<semaphore_mem>>) src(%dma_wait3A_23 : memref<640x128xf32, #tpu.memory_space<vmem_shared>>) dst(%dma_wait3A_21 : memref<640x128xf32, #tpu.memory_space<hbm>>)
      tpu.yield
    }) : () -> ()
    return
  }
}

module attributes {stable_mosaic.version = 14 : i64} {
  func.func @_scale_body(%arg0: i32, %arg1: memref<512x128xf32, #tpu.memory_space<vmem>>, %arg2: memref<128x128xf32, #tpu.memory_space<vmem>>, %arg3: memref<32x1x512xf32, #tpu.memory_space<vmem>>, %arg4: memref<512x128xf32, #tpu.memory_space<vmem>>, %arg5: memref<512xf32, #tpu.memory_space<vmem>>) attributes {dimension_semantics = [#tpu.dimension_semantics<arbitrary>], iteration_bounds = array<i64: 20>, scalar_prefetch = 0 : i64, scratch_operands = 0 : i64, tpu.core_type = #tpu.core_type<tc>, window_params = [{transform_indices = @transform_0, window_bounds = array<i64: 512, 128>}, {pipeline_mode = #tpu.pipeline_mode<synchronous>, transform_indices = @transform_1, window_bounds = array<i64: 128, 128>}, {transform_indices = @transform_2, window_bounds = array<i64: 32, 1, 512>}, {transform_indices = @transform_3, window_bounds = array<i64: 512, 128>}, {transform_indices = @transform_4, window_bounds = array<i64: 512>}]} {
    %get3A = arith.constant 0 : index
    %get3A_0 = arith.constant 0 : index
    %get3A_1 = arith.constant 0 : index
    %get3A_2 = vector.load %arg3[%get3A, %get3A_0, %get3A_1] : memref<32x1x512xf32, #tpu.memory_space<vmem>>, vector<32x1x512xf32>
    %get3A_3 = vector.shape_cast %get3A_2 : vector<32x1x512xf32> to vector<32x512xf32>
    %reduce_sum3A = arith.constant dense<0.000000e+00> : vector<512xf32>
    %reduce_sum3A_4 = vector.multi_reduction <add>, %get3A_3, %reduce_sum3A [0] : vector<32x512xf32> to vector<512xf32>
    %add3A = arith.constant 1.000000e+00 : f32
    %add3A_5 = vector.broadcast %add3A : f32 to vector<512xf32>
    %add3A_6 = arith.addf %reduce_sum3A_4, %add3A_5 : vector<512xf32>
    %rsqrt3A = math.rsqrt %add3A_6 : vector<512xf32>
    %swap3A = arith.constant 0 : index
    %swap3A_7 = vector.load %arg5[%swap3A] : memref<512xf32, #tpu.memory_space<vmem>>, vector<512xf32>
    tpu.vector_store %arg5[%swap3A], %rsqrt3A {strides = array<i32>} : memref<512xf32, #tpu.memory_space<vmem>>, vector<512xf32>,
    %get3A_8 = arith.constant 0 : index
    %get3A_9 = arith.constant 0 : index
    %get3A_10 = vector.load %arg1[%get3A_8, %get3A_9] : memref<512x128xf32, #tpu.memory_space<vmem>>, vector<512x128xf32>
    %get3A_11 = arith.constant 0 : index
    %get3A_12 = arith.constant 0 : index
    %get3A_13 = vector.load %arg2[%get3A_11, %get3A_12] : memref<128x128xf32, #tpu.memory_space<vmem>>, vector<128x128xf32>
    %dot_general3A = arith.constant dense<0.000000e+00> : vector<512x128xf32>
    %dot_general3A_14 = tpu.matmul %get3A_10, %get3A_13, %dot_general3A {dimension_numbers = #tpu.dot_dimension_numbers<[1], [0], [0], [1], [0, 0, 1, 1], [], []>, transpose_lhs_hint = false} : vector<512x128xf32>, vector<128x128xf32>, vector<512x128xf32> -> vector<512x128xf32>
    %broadcast_in_dim3A = vector.shape_cast %rsqrt3A : vector<512xf32> to vector<512x1xf32>
    %mul3A = vector.broadcast %broadcast_in_dim3A : vector<512x1xf32> to vector<512x128xf32>
    %mul3A_15 = arith.mulf %dot_general3A_14, %mul3A : vector<512x128xf32>
    %swap3A_16 = arith.constant 0 : index
    %swap3A_17 = arith.constant 0 : index
    %swap3A_18 = vector.load %arg4[%swap3A_16, %swap3A_17] : memref<512x128xf32, #tpu.memory_space<vmem>>, vector<512x128xf32>
    tpu.vector_store %arg4[%swap3A_16, %swap3A_17], %mul3A_15 {strides = array<i32>} : memref<512x128xf32, #tpu.memory_space<vmem>>, vector<512x128xf32>,
    return
  }
  func.func @transform_0(%arg0: i32) -> (i32, i32) {
    %c0_i32 = arith.constant 0 : i32
    %c0_i32_0 = arith.constant 0 : i32
    return %arg0, %c0_i32 : i32, i32
  }
  func.func @transform_1(%arg0: i32) -> (i32, i32) {
    %c0_i32 = arith.constant 0 : i32
    %c0_i32_0 = arith.constant 0 : i32
    %c0_i32_1 = arith.constant 0 : i32
    return %c0_i32, %c0_i32_0 : i32, i32
  }
  func.func @transform_2(%arg0: i32) -> (i32, i32, i32) {
    %c0_i32 = arith.constant 0 : i32
    %c0_i32_0 = arith.constant 0 : i32
    %c0_i32_1 = arith.constant 0 : i32
    return %c0_i32, %c0_i32_0, %arg0 : i32, i32, i32
  }
  func.func @transform_3(%arg0: i32) -> (i32, i32) {
    %c0_i32 = arith.constant 0 : i32
    %c0_i32_0 = arith.constant 0 : i32
    return %arg0, %c0_i32 : i32, i32
  }
  func.func @transform_4(%arg0: i32) -> i32 {
    %c0_i32 = arith.constant 0 : i32
    return %arg0 : i32
  }
}

module attributes {stable_mosaic.version = 14 : i64} {
  func.func @_finish_body(%arg0: i32, %arg1: memref<1x512x128xf32, #tpu.memory_space<vmem>>, %arg2: memref<1x512x128xf32, #tpu.memory_space<vmem>>, %arg3: memref<512xf32, #tpu.memory_space<vmem>>, %arg4: memref<128xf32, #tpu.memory_space<vmem>>, %arg5: memref<512x128xf32, #tpu.memory_space<vmem>>) attributes {dimension_semantics = [#tpu.dimension_semantics<arbitrary>], iteration_bounds = array<i64: 20>, scalar_prefetch = 0 : i64, scratch_operands = 0 : i64, tpu.core_type = #tpu.core_type<tc>, window_params = [{transform_indices = @transform_0, window_bounds = array<i64: 1, 512, 128>}, {transform_indices = @transform_1, window_bounds = array<i64: 1, 512, 128>}, {transform_indices = @transform_2, window_bounds = array<i64: 512>}, {pipeline_mode = #tpu.pipeline_mode<synchronous>, transform_indices = @transform_3, window_bounds = array<i64: 128>}, {transform_indices = @transform_4, window_bounds = array<i64: 512, 128>}]} {
    %get3A = arith.constant 0 : index
    %get3A_0 = arith.constant 0 : index
    %get3A_1 = arith.constant 0 : index
    %get3A_2 = vector.load %arg1[%get3A, %get3A_0, %get3A_1] : memref<1x512x128xf32, #tpu.memory_space<vmem>>, vector<1x512x128xf32>
    %get3A_3 = vector.shape_cast %get3A_2 : vector<1x512x128xf32> to vector<512x128xf32>
    %get3A_4 = arith.constant 0 : index
    %get3A_5 = arith.constant 0 : index
    %get3A_6 = arith.constant 0 : index
    %get3A_7 = vector.load %arg2[%get3A_4, %get3A_5, %get3A_6] : memref<1x512x128xf32, #tpu.memory_space<vmem>>, vector<1x512x128xf32>
    %get3A_8 = vector.shape_cast %get3A_7 : vector<1x512x128xf32> to vector<512x128xf32>
    %add3A = arith.addf %get3A_3, %get3A_8 : vector<512x128xf32>
    %get3A_9 = arith.constant 0 : index
    %get3A_10 = vector.load %arg3[%get3A_9] : memref<512xf32, #tpu.memory_space<vmem>>, vector<512xf32>
    %broadcast_in_dim3A = vector.shape_cast %get3A_10 : vector<512xf32> to vector<512x1xf32>
    %mul3A = vector.broadcast %broadcast_in_dim3A : vector<512x1xf32> to vector<512x128xf32>
    %mul3A_11 = arith.mulf %add3A, %mul3A : vector<512x128xf32>
    %get3A_12 = arith.constant 0 : index
    %get3A_13 = vector.load %arg4[%get3A_12] : memref<128xf32, #tpu.memory_space<vmem>>, vector<128xf32>
    %broadcast_in_dim3A_14 = vector.shape_cast %get3A_13 : vector<128xf32> to vector<1x128xf32>
    %add3A_15 = vector.broadcast %broadcast_in_dim3A_14 : vector<1x128xf32> to vector<512x128xf32>
    %add3A_16 = arith.addf %mul3A_11, %add3A_15 : vector<512x128xf32>
    %reduce_max3A = arith.constant dense<0xFF800000> : vector<512xf32>
    %reduce_max3A_17 = vector.multi_reduction <maximumf>, %add3A_16, %reduce_max3A [1] : vector<512x128xf32> to vector<512xf32>
    %broadcast_in_dim3A_18 = vector.shape_cast %reduce_max3A_17 : vector<512xf32> to vector<512x1xf32>
    %sub3A = vector.broadcast %broadcast_in_dim3A_18 : vector<512x1xf32> to vector<512x128xf32>
    %sub3A_19 = arith.subf %add3A_16, %sub3A : vector<512x128xf32>
    %exp3A = math.exp %sub3A_19 : vector<512x128xf32>
    %reduce_sum3A = arith.constant dense<0.000000e+00> : vector<512xf32>
    %reduce_sum3A_20 = vector.multi_reduction <add>, %exp3A, %reduce_sum3A [1] : vector<512x128xf32> to vector<512xf32>
    %broadcast_in_dim3A_21 = vector.shape_cast %reduce_sum3A_20 : vector<512xf32> to vector<512x1xf32>
    %log3A = math.log %broadcast_in_dim3A_21 : vector<512x1xf32>
    %add3A_22 = arith.addf %log3A, %broadcast_in_dim3A_18 : vector<512x1xf32>
    %sub3A_23 = vector.broadcast %add3A_22 : vector<512x1xf32> to vector<512x128xf32>
    %sub3A_24 = arith.subf %add3A_16, %sub3A_23 : vector<512x128xf32>
    %swap3A = arith.constant 0 : index
    %swap3A_25 = arith.constant 0 : index
    %swap3A_26 = vector.load %arg5[%swap3A, %swap3A_25] : memref<512x128xf32, #tpu.memory_space<vmem>>, vector<512x128xf32>
    tpu.vector_store %arg5[%swap3A, %swap3A_25], %sub3A_24 {strides = array<i32>} : memref<512x128xf32, #tpu.memory_space<vmem>>, vector<512x128xf32>,
    return
  }
  func.func @transform_0(%arg0: i32) -> (i32, i32, i32) {
    %c0_i32 = arith.constant 0 : i32
    %c0_i32_0 = arith.constant 0 : i32
    %c0_i32_1 = arith.constant 0 : i32
    return %c0_i32, %arg0, %c0_i32_0 : i32, i32, i32
  }
  func.func @transform_1(%arg0: i32) -> (i32, i32, i32) {
    %c1_i32 = arith.constant 1 : i32
    %c0_i32 = arith.constant 0 : i32
    %c0_i32_0 = arith.constant 0 : i32
    return %c1_i32, %arg0, %c0_i32 : i32, i32, i32
  }
  func.func @transform_2(%arg0: i32) -> i32 {
    %c0_i32 = arith.constant 0 : i32
    return %arg0 : i32
  }
  func.func @transform_3(%arg0: i32) -> i32 {
    %c0_i32 = arith.constant 0 : i32
    %c0_i32_0 = arith.constant 0 : i32
    return %c0_i32 : i32
  }
  func.func @transform_4(%arg0: i32) -> (i32, i32) {
    %c0_i32 = arith.constant 0 : i32
    %c0_i32_0 = arith.constant 0 : i32
    return %arg0, %c0_i32 : i32, i32
  }
}

</mosaic_0001>

<sc_bundles>
// kernel: kernel.6.cloned.1.call-start
scs
__scs_entry_jumppad:
0x0: {  	(pc) =	sbr.rel $0x88, $3  }
0x1: {  	(tag) =	ssettag $0x0;
	lr =	simm.s32 $0x1  }
0x2: {  	[smem:$0x3F9D] =	sst lr;
	_ =	strace $0xD0000000  }
0x3: {  	_ = 	snop  }
0x4: {  	_ = 	snop  }
0x5: {  	_ = 	snop  }
0x6: {  	_ = 	snop  }
0x7: {  	_ = 	snop  }
__scs_overlays_trampoline_lowered:
0x8: {  	[smem:$0x3FAC] =	sst s0  }
0x9: {  	[smem:$0x3FAD] =	sst s1  }
0xa: {  	[smem:$0x3FAE] =	sst s2  }
0xb: {  	[smem:$0x3FAF] =	sst s3  }
0xc: {  	[smem:$0x3FB0] =	sst s4  }
0xd: {  	[smem:$0x3FB1] =	sst s5  }
0xe: {  	[smem:$0x3FB2] =	sst s6  }
0xf: {  	[smem:$0x3FB3] =	sst s7  }
0x10: {  	[smem:$0x3FB4] =	sst s8  }
0x11: {  	[smem:$0x3FB5] =	sst s9;
	s0 =	simm.s32 @!p0 $0x0  }
0x12: {  	s1 =	sld [smem:$0x3F9B];
	s0 =	simm.s32 @p0 $0x1  }
0x13: {  	[smem:$0x3FB6] =	sst s0;
	s0 =	simm.s32 @!p1 $0x0  }
0x14: {  	s2 =	sld [smem:$0x3F9A];
	s0 =	simm.s32 @p1 $0x1  }
0x15: {  	[smem:$0x3FB7] =	sst s0;
	s0 =	simm.s32 @!p2 $0x0  }
0x16: {  	s3 =	sld [smem:$0x3FDB];
	s0 =	simm.s32 @p2 $0x1  }
0x17: {  	s4 =	simm.s32 $0x1BF5;
	[smem:$0x3FB9] =	sst s0  }
0x18: {  	s0 =	sld [smem:$0x3F9C];
	_ =	swait.ge [sflag:s4], $0x0  }
0x19: {  	s7 =	sld [smem:$0x3F9D]  }
0x1a: {  	s8 =	sadd.s32 $0xFFFFE003, lr  }
0x1b: {  	s9 =	sadd.s32 $0xFFFFFEF7, lr;
	s5 =	simm.s32 $0xFFFFFFFF;
	p2 =	slt.u32 s8, $0xFFFFF086  }
0x1c: {  	p1 =	slt.u32 s9, $0xF7A;
	s5 =	simm.s32 @!p2 $0x0  }
0x1d: {  	s5 =	simm.s32 @p1 $0x1;
	p0 =	seq.s32 s7, s2  }
0x1e: {  	s7 =	smul.u32 @!p0 $0xF7A, s2;
	p2 =	seq.s32 @!p0 s5, $0x0  }
0x1f: {  	s9 =	smul.u32 $0xF7A, s1;
	s8 =	simm.s32 @!p0 $0x1BF5;
	p2 =	por !p2, p0  }
0x20: {  	[sflag:s8] =	ssyncset.s32 @!p0 $0xFFFFF086;
	s6 =	sadd.s32 @!p0 s3, s7;
	s7 =	simm.s32 @!p0 $0x108  }
0x21: {  	s3 =	sadd.s32 s3, s9;
	s6 =	sadd.s32 @!p0 $0x88, s6;
	s7 =	simm.s32 @p2 $0x1082  }
0x22: {  	[simem:s7], [sflag:s8] =	dma.local @!p0 [hbm:s6], $0xF7A  }
0x23: {  	s9 =	sor.u32 $0xD0000000, s2;
	s6 =	simm.s32 $0x108;
	_ =	swait.ge @!p0 [sflag:s8], $0x0  }
0x24: {  	s3 =	sadd.s32 $0x88, s3;
	s6 =	simm.s32 @!p1 $0x1082;
	[sflag:s4] =	ssyncset.s32 $0xFFFFF086  }
0x25: {  	[simem:s6], [sflag:s4] =	dma.local [hbm:s3], $0xF7A  }
0x26: {  	[smem:$0x3F9D] =	sst s1;
	(tag) =	ssettag s2;
	_ =	strace s9  }
0x27: {  	s1 =	sld [smem:$0x3FAD]  }
0x28: {  	s2 =	sld [smem:$0x3FAE]  }
0x29: {  	s4 =	sld [smem:$0x3FB0]  }
0x2a: {  	p0 =	seq.s32 s5, $0x0;
	s5 =	sld [smem:$0x3FB1]  }
0x2b: {  	s6 =	sld [smem:$0x3FB2]  }
0x2c: {  	s7 =	sld [smem:$0x3FB3]  }
0x2d: {  	s3 =	simm.s32 $0x108;
	s8 =	sld [smem:$0x3FB4]  }
0x2e: {  	s3 =	simm.s32 @!p0 $0x1082;
	s9 =	sld [smem:$0x3FB5]  }
0x2f: {  	lr =	sadd.s32 s0, s3;
	s0 =	sld [smem:$0x3FAC]  }
0x30: {  	s3 =	sld [smem:$0x3FAF]  }
0x31: {  	[smem:$0x3FB8] =	sst s10  }
0x32: {  	s10 =	sld [smem:$0x3FB6];
	_ =	sdelay $0x3  }
0x33: {  	p0 =	seq.s32 s10, $0x1;
	s10 =	sld [smem:$0x3FB8];
	_ =	sdelay $0x3  }
0x34: {  	[smem:$0x3FB8] =	sst s10  }
0x35: {  	s10 =	sld [smem:$0x3FB7];
	_ =	sdelay $0x3  }
0x36: {  	p1 =	seq.s32 s10, $0x1;
	s10 =	sld [smem:$0x3FB8];
	_ =	sdelay $0x3  }
0x37: {  	[smem:$0x3FB8] =	sst s10  }
0x38: {  	s10 =	sld [smem:$0x3FB9]  }
0x39: {  	_ = 	snop;
	(pc) =	sbr.ind lr, $3  }
0x3a: {  	_ = 	snop  }
0x3b: {  	_ = 	snop  }
0x3c: {  	p2 =	seq.s32 s10, $0x1;
	s10 =	sld [smem:$0x3FB8]  }
0x3d: {  	_ =	shalt  }
0x3e: {  	_ =	shalt  }
0x3f: {  	_ =	shalt  }
0x40: {  	_ =	shalt  }
0x41: {  	_ =	shalt  }
0x42: {  	_ =	shalt  }
0x43: {  	_ =	shalt  }
0x44: {  	_ =	shalt  }
0x45: {  	_ =	shalt  }
0x46: {  	_ =	shalt  }
0x47: {  	_ =	shalt  }
0x48: {  	_ =	shalt  }
0x49: {  	_ =	shalt  }
0x4a: {  	_ =	shalt  }
0x4b: {  	_ =	shalt  }
0x4c: {  	_ =	shalt  }
0x4d: {  	_ =	shalt  }
0x4e: {  	_ =	shalt  }
0x4f: {  	_ =	shalt  }
0x50: {  	_ =	shalt  }
0x51: {  	_ =	shalt  }
0x52: {  	_ =	shalt  }
0x53: {  	_ =	shalt  }
0x54: {  	_ =	shalt  }
0x55: {  	_ =	shalt  }
0x56: {  	_ =	shalt  }
0x57: {  	_ =	shalt  }
0x58: {  	_ =	shalt  }
0x59: {  	_ =	shalt  }
0x5a: {  	_ =	shalt  }
0x5b: {  	_ =	shalt  }
0x5c: {  	_ =	shalt  }
0x5d: {  	_ =	shalt  }
0x5e: {  	_ =	shalt  }
0x5f: {  	_ =	shalt  }
0x60: {  	_ =	shalt  }
0x61: {  	_ =	shalt  }
0x62: {  	_ =	shalt  }
0x63: {  	_ =	shalt  }
0x64: {  	_ =	shalt  }
0x65: {  	_ =	shalt  }
0x66: {  	_ =	shalt  }
0x67: {  	_ =	shalt  }
0x68: {  	_ =	shalt  }
0x69: {  	_ =	shalt  }
0x6a: {  	_ =	shalt  }
0x6b: {  	_ =	shalt  }
0x6c: {  	_ =	shalt  }
0x6d: {  	_ =	shalt  }
0x6e: {  	_ =	shalt  }
0x6f: {  	_ =	shalt  }
0x70: {  	_ =	shalt  }
0x71: {  	_ =	shalt  }
0x72: {  	_ =	shalt  }
0x73: {  	_ =	shalt  }
0x74: {  	_ =	shalt  }
0x75: {  	_ =	shalt  }
0x76: {  	_ =	shalt  }
0x77: {  	_ =	shalt  }
0x78: {  	_ =	shalt  }
0x79: {  	_ =	shalt  }
0x7a: {  	_ =	shalt  }
0x7b: {  	_ =	shalt  }
0x7c: {  	_ =	shalt  }
0x7d: {  	_ =	shalt  }
0x7e: {  	_ =	shalt  }
0x7f: {  	_ =	shalt  }
0x80: {  	_ =	shalt  }
0x81: {  	_ =	shalt  }
0x82: {  	_ =	shalt  }
0x83: {  	_ =	shalt  }
0x84: {  	_ =	shalt  }
0x85: {  	_ =	shalt  }
0x86: {  	_ =	shalt  }
0x87: {  	_ =	shalt  }
.Lfunc_end0:
.L_simem_size_0:
called_computation_lowered:
.L_overlay_start_0:
0x88: {  	s2 =	sld [smem:$0x3FD9]  }
0x89: {  	s3 =	sld [smem:$0x3FFE];
	_ =	sdelay $0x1  }
0x8a: {  	s1 =	srdreg.scid  }
0x8b: {  	s0 =	sand.u32 $0x1, s1  }
0x8c: {  	s16 =	sshll.u32 s0, $0xA;
	s2 =	sadd.s32 s3, s2  }
0x8d: {  	s2 =	sadd.s32 s2, s16  }
0x8e: {  	[smem:$0x3FC4] =	sst s2  }
0x8f: {  	_ = 	snop  }
0x90: {  	(tm) =	ssettm $0x1  }
0x91: {  	s17 =	sld [smem:$0x3FFB];
	_ =	sdelay $0x3  }
0x92: {  	_ =	strace s17  }
0x93: {  	s2 =	sld [smem:$0x3FFC];
	_ =	sdelay $0x3  }
0x94: {  	_ =	strace s2  }
0x95: {  	s2 =	sld [smem:$0x3FFD];
	_ =	sdelay $0x3  }
0x96: {  	_ =	strace s2  }
0x97: {  	_ =	strace $0x8FFFFFFF  }
0x98: {  	s18 =	sld [smem:$0x3FDB];
	_ =	sdelay $0x1  }
0x99: {  	s19 =	simm.s32 $_scs_section_size  }
0x9a: {  	s4 =	simm.s32 $_size__tile_overlayer_lowered;
	s5 =	simm.s32 $_tile_overlayer_lowered  }
0x9b: {  	s22 =	simm.s32 $0x1BFF;
	s21 =	sshll.u32 s5, $0x1;
	s2 =	sadd.s32 s19, s18  }
0x9c: {  	s6 =	simm.s32 $0x0;
	s20 =	sshll.u32 s4, $0x1;
	s4 =	sadd.s32 s21, s2  }
0x9d: {  	[timem:s6], [sflag:s22] =	dma.local [hbm:s4], s20  }
0x9e: {  	_ =	swait.ge [sflag:s22], s20  }
0x9f: {  	s3 =	ssub.s32 $0x0, s20;
	[sflag:s22] =	ssyncset.done $0x0  }
0xa0: {  	[sflag:s22] =	ssyncadd.s32 s3;
	_ =	sdelay $0x1  }
0xa1: {  	s23 =	simm.s32 $0x1B8B  }
0xa2: {  	_ =	swait.ge [sflag:s23], $0x1  }
0xa3: {  	[sflag:s23] =	ssyncset.done $0x0  }
0xa4: {  	s25 =	simm.s32 $0x1B8E;
	s24 =	sld [smem:$0x3FFE];
	[sflag:s23] =	ssyncadd.s32 $0xFFFFFFFF  }
0xa5: {  	s26 =	simm.s32 $execute0_lowered;
	[smem:$0x3FD2] =	sst s25  }
0xa6: {  	s4 =	sshll.u32 s26, $0x1;
	_ =	strace $0x80000046;
	[dreg:$0x1] =	wrdreg $0xFFFFFFFF  }
0xa7: {  	s28 =	simm.s32 $_size_execute0_lowered;
	s2 =	sadd.s32 s2, s4;
	[dreg:$0x0] =	wrdreg $0x0  }
0xa8: {  	s4 =	sshll.u32 s28, $0x1;
	[dreg:$0x2] =	wrdreg s2  }
0xa9: {  	[dreg:$0x3] =	wrdreg s4  }
0xaa: {  	[dreg:$0x4] =	wrdreg $0xC0  }
0xab: {  	_ =	task [dreg:s6], $0x5FFFF  }
0xac: {  	[dreg:$0x1] =	wrdreg $0xFFFFFFFF  }
0xad: {  	[dreg:$0x0] =	wrdreg $0x60  }
0xae: {  	[dreg:$0x2] =	wrdreg s24  }
0xaf: {  	[dreg:$0x3] =	wrdreg $0x9  }
0xb0: {  	_ =	task.clear_ibuf [dreg:s6], $0x4FFFF;
	_ =	strace $0x90000046  }
0xb1: {  	s29 =	simm.s32 $0x9;
	_ =	strace $0x80000048  }
0xb2: {  	_ =	swait.ge [sflag:s29], $0x1  }
0xb3: {  	[sflag:s29] =	ssyncadd.s32 $0xFFFFFFFF  }
0xb4: {  	_ =	strace $0x90000048  }
0xb5: {  	_ =	sfence  }
0xb6: {  	s30 =	sld [smem:$0x0];
	_ =	sdelay $0x2  }
0xb7: {  	s31 =	sshll.u32 s1, $0xD;
	s1 =	sshrl.u32 s1, $0x2  }
0xb8: {  	s3 =	sand.u32 $0x4000, s31;
	s1 =	sadd.s32 s1, s30  }
0xb9: {  	s0 =	sor.u32 s3, s0;
	s1 =	sshll.u32 s1, $0x11  }
0xba: {  	s0 =	sor.u32 s1, s0  }
0xbb: {  	s0 =	sadd.s32 $0x8F2B, s0  }
0xbc: {  	[sflag:s0] =	ssyncadd.remote.s32 $0x1  }
0xbd: {  	_ =	sfence.sel $0xFFFF  }
0xbe: {  	[dreg:$0x0] =	wrdreg $0xFFFFFFFF;
	(pc) =	sbr.abs _section_cstart, $3  }
0xbf: {  	[dreg:$0x1] =	wrdreg $0xFFFFFFFF  }
0xc0: {  	_ =	task.clear_ibuf [dreg:s6], $0x2FFFF;
	_ =	strace $0x9FFFFFFF  }
0xc1: {  	(tm) =	ssettm $0x7FFFFFFF  }
tec
execute0_lowered:
.L_overlay_start_1:
0x0: {  	(tag) =	ssettag $0x1  }
0x1: {  	s0 =	srdreg.scid  }
0x2: {  	s3 =	sand.u32 $0x1, s0  }
0x3: {  	s0 =	stileid.u32;
	s1 =	sshll.u32 s3, $0x4  }
0x4: {  	s4 =	rddreg [dreg:$0x0];
	s2 =	simm.s32 $0x0;
	s5 =	sor.u32 s0, s1  }
0x5: {  	s10 =	simm.s32 $0x1;
	s11 =	simm.s32 $0x800;
	s6 =	smul.u32 $0x2710, s5  }
0x6: {  	s12 =	simm.s32 $0x0;
	[smem:$0x7FF] =	sst s2;
	s5 =	smul.u32 $0x500, s5  }
0x7: {  	s3 =	ssub.s32 $0x2, s3;
	s1 =	rddreg [dreg:$0x1];
	_ =	strace $0x80000047  }
0x8: {  	s7 =	sshrl.u32 s3, $0x1;
	s6 =	sshrl.u32 s6, $0x3;
	s5 =	sadd.s32 s5, s4  }
0x9: {  	s31 =	ssub.s32 s3, s7;
	s9 =	sadd.s32 s6, s4;
	s3 =	sadd.s32 $0xB400, s5  }
0xa: {  	s4 =	smax.u32 s31, $0x1;
	s5 =	sadd.s32 $0x1600, s9;
	s6 =	sadd.s32 $0x16FA, s9  }
0xb: {  	v0 =	vimm.f32 $0.0e+00;
	v1 =	vimm.f32 $1.000000000e+00;
	s7 =	sadd.s32 $0x17F4, s9;
	s8 =	sadd.s32 $0x18EE, s9;
	s9 =	sadd.s32 $0x19E8, s9  }
.LBB2_1:
0xc: {  	s13 =	simm.s32 $0x40;
	s14 =	simm.s32 $0x0  }
.LBB2_2:
0xd: {  	p0 =	sne.s32 s13, $0x9FC0;
	[tilespmem:s14+$0x800] =	vst v0;
	s14 =	smov.u32 s13;
	s13 =	sadd.s32 $0x40, s13  }
.Ltmp0:
0xe: {  	(pc) =	sbr.rel @p0 .LBB2_2-.Ltmp0, $2  }
0xf: {  	_ =	sdelay $0x2  }
0x10: {  	s14 =	sshra.s32 s14, $0x2  }
0x11: {  	[tilespmem:s14+$0x800] =	vst v0;
	s13 =	simm.s32 $0x0  }
0x12: {  	[tilespmem:s13], [sflag:$0x1] =	stream.linear.gather [hbm4b:s5+s13], $0x7D0, $0x38;
	[tilespmem:$0x3000] =	vst v63  }
0x13: {  	_ =	swait.ge [sflag:s10], $0x7D0  }
0x14: {  	[sflag:s10] =	ssyncset.done $0x0  }
0x15: {  	s14 =	simm.s32 $0x0;
	s13 =	simm.s32 $0x40;
	[sflag:s10] =	ssyncadd.s32 $0xFFFFF830  }
.LBB2_4:
0x16: {  	p0 =	sne.s32 s13, $0x1F00;
	v2 =	vld [tilespmem:s14+$0x0];
	_ =	sdelay $0x3  }
.Ltmp1:
0x17: {  	(pc) =	sbr.rel @p0 .LBB2_4-.Ltmp1, $2  }
0x18: {  	_ =	sdelay $0x2  }
0x19: {  	s14 =	sshra.s32 s13, $0x2;
	s13 =	sadd.s32 $0x40, s13;
	[tilespmem:v2+s11+$0x0] =	vst.idx.add.f32.msk $0xffff, v1  }
0x1a: {  	v2 =	vld [tilespmem:s14+$0x0];
	_ =	sdelay $0x7  }
0x1b: {  	s13 =	simm.s32 $0x0;
	[tilespmem:v2+s11+$0x0] =	vst.idx.add.f32.msk $0xffff, v1  }
0x1c: {  	[tilespmem:s13], [sflag:$0x1] =	stream.linear.gather [hbm4b:s6+s13], $0x7D0, $0x38;
	[tilespmem:$0x3000] =	vst v63  }
0x1d: {  	_ =	swait.ge [sflag:s10], $0x7D0  }
0x1e: {  	[sflag:s10] =	ssyncset.done $0x0  }
0x1f: {  	s14 =	simm.s32 $0x0;
	s13 =	simm.s32 $0x40;
	[sflag:s10] =	ssyncadd.s32 $0xFFFFF830  }
.LBB2_6:
0x20: {  	p0 =	sne.s32 s13, $0x1F00;
	v2 =	vld [tilespmem:s14+$0x0];
	_ =	sdelay $0x3  }
.Ltmp2:
0x21: {  	(pc) =	sbr.rel @p0 .LBB2_6-.Ltmp2, $2  }
0x22: {  	_ =	sdelay $0x2  }
0x23: {  	s14 =	sshra.s32 s13, $0x2;
	s13 =	sadd.s32 $0x40, s13;
	[tilespmem:v2+s11+$0x0] =	vst.idx.add.f32.msk $0xffff, v1  }
0x24: {  	v2 =	vld [tilespmem:s14+$0x0];
	_ =	sdelay $0x7  }
0x25: {  	s13 =	simm.s32 $0x0;
	[tilespmem:v2+s11+$0x0] =	vst.idx.add.f32.msk $0xffff, v1  }
0x26: {  	[tilespmem:s13], [sflag:$0x1] =	stream.linear.gather [hbm4b:s7+s13], $0x7D0, $0x38;
	[tilespmem:$0x3000] =	vst v63  }
0x27: {  	_ =	swait.ge [sflag:s10], $0x7D0  }
0x28: {  	[sflag:s10] =	ssyncset.done $0x0  }
0x29: {  	s14 =	simm.s32 $0x0;
	s13 =	simm.s32 $0x40;
	[sflag:s10] =	ssyncadd.s32 $0xFFFFF830  }
.LBB2_8:
0x2a: {  	p0 =	sne.s32 s13, $0x1F00;
	v2 =	vld [tilespmem:s14+$0x0];
	_ =	sdelay $0x3  }
.Ltmp3:
0x2b: {  	(pc) =	sbr.rel @p0 .LBB2_8-.Ltmp3, $2  }
0x2c: {  	_ =	sdelay $0x2  }
0x2d: {  	s14 =	sshra.s32 s13, $0x2;
	s13 =	sadd.s32 $0x40, s13;
	[tilespmem:v2+s11+$0x0] =	vst.idx.add.f32.msk $0xffff, v1  }
0x2e: {  	v2 =	vld [tilespmem:s14+$0x0];
	_ =	sdelay $0x7  }
0x2f: {  	s13 =	simm.s32 $0x0;
	[tilespmem:v2+s11+$0x0] =	vst.idx.add.f32.msk $0xffff, v1  }
0x30: {  	[tilespmem:s13], [sflag:$0x1] =	stream.linear.gather [hbm4b:s8+s13], $0x7D0, $0x38;
	[tilespmem:$0x3000] =	vst v63  }
0x31: {  	_ =	swait.ge [sflag:s10], $0x7D0  }
0x32: {  	[sflag:s10] =	ssyncset.done $0x0  }
0x33: {  	s14 =	simm.s32 $0x0;
	s13 =	simm.s32 $0x40;
	[sflag:s10] =	ssyncadd.s32 $0xFFFFF830  }
.LBB2_10:
0x34: {  	p0 =	sne.s32 s13, $0x1F00;
	v2 =	vld [tilespmem:s14+$0x0];
	_ =	sdelay $0x3  }
.Ltmp4:
0x35: {  	(pc) =	sbr.rel @p0 .LBB2_10-.Ltmp4, $2  }
0x36: {  	_ =	sdelay $0x2  }
0x37: {  	s14 =	sshra.s32 s13, $0x2;
	s13 =	sadd.s32 $0x40, s13;
	[tilespmem:v2+s11+$0x0] =	vst.idx.add.f32.msk $0xffff, v1  }
0x38: {  	v2 =	vld [tilespmem:s14+$0x0];
	_ =	sdelay $0x7  }
0x39: {  	s13 =	simm.s32 $0x0;
	[tilespmem:v2+s11+$0x0] =	vst.idx.add.f32.msk $0xffff, v1  }
0x3a: {  	[tilespmem:s13], [sflag:$0x1] =	stream.linear.gather [hbm4b:s9+s13], $0x7D0, $0x38;
	[tilespmem:$0x3000] =	vst v63  }
0x3b: {  	_ =	swait.ge [sflag:s10], $0x7D0  }
0x3c: {  	[sflag:s10] =	ssyncset.done $0x0  }
0x3d: {  	s14 =	simm.s32 $0x0;
	s13 =	simm.s32 $0x40;
	[sflag:s10] =	ssyncadd.s32 $0xFFFFF830  }
.LBB2_12:
0x3e: {  	p0 =	sne.s32 s13, $0x1F00;
	v2 =	vld [tilespmem:s14+$0x0];
	_ =	sdelay $0x3  }
.Ltmp5:
0x3f: {  	(pc) =	sbr.rel @p0 .LBB2_12-.Ltmp5, $2  }
0x40: {  	_ =	sdelay $0x2  }
0x41: {  	s14 =	sshra.s32 s13, $0x2;
	s13 =	sadd.s32 $0x40, s13;
	[tilespmem:v2+s11+$0x0] =	vst.idx.add.f32.msk $0xffff, v1  }
0x42: {  	v2 =	vld [tilespmem:s14+$0x0];
	_ =	sdelay $0x5  }
0x43: {  	s12 =	sadd.s32 $0x1, s12  }
0x44: {  	p0 =	sne.s32 s12, s4  }
.Ltmp6:
0x45: {  	[tilespmem:v2+s11+$0x0] =	vst.idx.add.f32.msk $0xffff, v1;
	(pc) =	sbr.rel @p0 .LBB2_1-.Ltmp6, $4  }
0x46: {  	[hbm4b:s3+s2] =	stream.linear.scatter [tilespmem:s11], [sflag:$0x1], $0x2800, $0x38;
	[tilespmem:$0x3000] =	vst v63  }
0x47: {  	_ =	swait.ge [sflag:s10], $0x2800  }
0x48: {  	[sflag:s10] =	ssyncset.done $0x0  }
0x49: {  	[sflag:s10] =	ssyncadd.s32 $0xFFFFD800  }
0x4a: {  	_ =	sfence.sel $0x180000  }
0x4b: {  	[bflag:$0x0] =	sbarrier.arrive $0xFFFF  }
0x4c: {  	p0 =	sne.s32 s0, $0x0;
	_ =	strace $0x90000047  }
0x4d: {  	s0 =	sadd.s32 @!p0 $0x100000, s1;
	[bflag:$0x2] =	sbarrier.arrive $0xFFFF  }
0x4e: {  	[sflag:s0] =	ssyncadd.tile.s32 @!p0 $0x1;
	_ =	shalt  }
.Lfunc_end2:
_tile_overlayer_lowered:
.L_overlay_start_2:
0x4f: {  	(tag) =	ssettag $0x2  }
0x50: {  	s0 =	rddreg [dreg:$0x0];
	s2 =	stileid.u32  }
0x51: {  	s1 =	rddreg [dreg:$0x1];
	p0 =	sne.s32 s2, $0x0  }
0x52: {  	s3 =	rddreg [dreg:$0x2];
	[bflag:$0x3] =	sbarrier.arrive $0xFFFF;
	s2 =	simm.s32 @!p0 $0x1C01  }
0x53: {  	[timem:s3], [sflag:s2] =	dma.local @!p0 [hbm:s0], s1  }
0x54: {  	s0 =	simm.s32 @!p0 $0x1  }
0x55: {  	_ =	swait.ge @!p0 [sflag:s0], s1  }
0x56: {  	s1 =	ssub.s32 @!p0 $0x0, s1;
	[sflag:s0] =	ssyncset.done @!p0 $0x0  }
0x57: {  	[sflag:s0] =	ssyncadd.s32 @!p0 s1  }
0x58: {  	[bflag:$0x3] =	sbarrier.arrive $0xFFFF  }
0x59: {  	_ =	shalt  }

// kernel: kernel.9.cloned.1.call-start
scs
__scs_entry_jumppad:
0x0: {  	(pc) =	sbr.rel $0x88, $3  }
0x1: {  	(tag) =	ssettag $0x0;
	lr =	simm.s32 $0x1  }
0x2: {  	[smem:$0x3F9D] =	sst lr;
	_ =	strace $0xD0000000  }
0x3: {  	_ = 	snop  }
0x4: {  	_ = 	snop  }
0x5: {  	_ = 	snop  }
0x6: {  	_ = 	snop  }
0x7: {  	_ = 	snop  }
__scs_overlays_trampoline_lowered:
0x8: {  	[smem:$0x3FAC] =	sst s0  }
0x9: {  	[smem:$0x3FAD] =	sst s1  }
0xa: {  	[smem:$0x3FAE] =	sst s2  }
0xb: {  	[smem:$0x3FAF] =	sst s3  }
0xc: {  	[smem:$0x3FB0] =	sst s4  }
0xd: {  	[smem:$0x3FB1] =	sst s5  }
0xe: {  	[smem:$0x3FB2] =	sst s6  }
0xf: {  	[smem:$0x3FB3] =	sst s7  }
0x10: {  	[smem:$0x3FB4] =	sst s8  }
0x11: {  	[smem:$0x3FB5] =	sst s9;
	s0 =	simm.s32 @!p0 $0x0  }
0x12: {  	s1 =	sld [smem:$0x3F9B];
	s0 =	simm.s32 @p0 $0x1  }
0x13: {  	[smem:$0x3FB6] =	sst s0;
	s0 =	simm.s32 @!p1 $0x0  }
0x14: {  	s2 =	sld [smem:$0x3F9A];
	s0 =	simm.s32 @p1 $0x1  }
0x15: {  	[smem:$0x3FB7] =	sst s0;
	s0 =	simm.s32 @!p2 $0x0  }
0x16: {  	s3 =	sld [smem:$0x3FDB];
	s0 =	simm.s32 @p2 $0x1  }
0x17: {  	s4 =	simm.s32 $0x1BF5;
	[smem:$0x3FB9] =	sst s0  }
0x18: {  	s0 =	sld [smem:$0x3F9C];
	_ =	swait.ge [sflag:s4], $0x0  }
0x19: {  	s7 =	sld [smem:$0x3F9D]  }
0x1a: {  	s8 =	sadd.s32 $0xFFFFE003, lr  }
0x1b: {  	s9 =	sadd.s32 $0xFFFFFEF7, lr;
	s5 =	simm.s32 $0xFFFFFFFF;
	p2 =	slt.u32 s8, $0xFFFFF086  }
0x1c: {  	p1 =	slt.u32 s9, $0xF7A;
	s5 =	simm.s32 @!p2 $0x0  }
0x1d: {  	s5 =	simm.s32 @p1 $0x1;
	p0 =	seq.s32 s7, s2  }
0x1e: {  	s7 =	smul.u32 @!p0 $0xF7A, s2;
	p2 =	seq.s32 @!p0 s5, $0x0  }
0x1f: {  	s9 =	smul.u32 $0xF7A, s1;
	s8 =	simm.s32 @!p0 $0x1BF5;
	p2 =	por !p2, p0  }
0x20: {  	[sflag:s8] =	ssyncset.s32 @!p0 $0xFFFFF086;
	s6 =	sadd.s32 @!p0 s3, s7;
	s7 =	simm.s32 @!p0 $0x108  }
0x21: {  	s3 =	sadd.s32 s3, s9;
	s6 =	sadd.s32 @!p0 $0x88, s6;
	s7 =	simm.s32 @p2 $0x1082  }
0x22: {  	[simem:s7], [sflag:s8] =	dma.local @!p0 [hbm:s6], $0xF7A  }
0x23: {  	s9 =	sor.u32 $0xD0000000, s2;
	s6 =	simm.s32 $0x108;
	_ =	swait.ge @!p0 [sflag:s8], $0x0  }
0x24: {  	s3 =	sadd.s32 $0x88, s3;
	s6 =	simm.s32 @!p1 $0x1082;
	[sflag:s4] =	ssyncset.s32 $0xFFFFF086  }
0x25: {  	[simem:s6], [sflag:s4] =	dma.local [hbm:s3], $0xF7A  }
0x26: {  	[smem:$0x3F9D] =	sst s1;
	(tag) =	ssettag s2;
	_ =	strace s9  }
0x27: {  	s1 =	sld [smem:$0x3FAD]  }
0x28: {  	s2 =	sld [smem:$0x3FAE]  }
0x29: {  	s4 =	sld [smem:$0x3FB0]  }
0x2a: {  	p0 =	seq.s32 s5, $0x0;
	s5 =	sld [smem:$0x3FB1]  }
0x2b: {  	s6 =	sld [smem:$0x3FB2]  }
0x2c: {  	s7 =	sld [smem:$0x3FB3]  }
0x2d: {  	s3 =	simm.s32 $0x108;
	s8 =	sld [smem:$0x3FB4]  }
0x2e: {  	s3 =	simm.s32 @!p0 $0x1082;
	s9 =	sld [smem:$0x3FB5]  }
0x2f: {  	lr =	sadd.s32 s0, s3;
	s0 =	sld [smem:$0x3FAC]  }
0x30: {  	s3 =	sld [smem:$0x3FAF]  }
0x31: {  	[smem:$0x3FB8] =	sst s10  }
0x32: {  	s10 =	sld [smem:$0x3FB6];
	_ =	sdelay $0x3  }
0x33: {  	p0 =	seq.s32 s10, $0x1;
	s10 =	sld [smem:$0x3FB8];
	_ =	sdelay $0x3  }
0x34: {  	[smem:$0x3FB8] =	sst s10  }
0x35: {  	s10 =	sld [smem:$0x3FB7];
	_ =	sdelay $0x3  }
0x36: {  	p1 =	seq.s32 s10, $0x1;
	s10 =	sld [smem:$0x3FB8];
	_ =	sdelay $0x3  }
0x37: {  	[smem:$0x3FB8] =	sst s10  }
0x38: {  	s10 =	sld [smem:$0x3FB9]  }
0x39: {  	_ = 	snop;
	(pc) =	sbr.ind lr, $3  }
0x3a: {  	_ = 	snop  }
0x3b: {  	_ = 	snop  }
0x3c: {  	p2 =	seq.s32 s10, $0x1;
	s10 =	sld [smem:$0x3FB8]  }
0x3d: {  	_ =	shalt  }
0x3e: {  	_ =	shalt  }
0x3f: {  	_ =	shalt  }
0x40: {  	_ =	shalt  }
0x41: {  	_ =	shalt  }
0x42: {  	_ =	shalt  }
0x43: {  	_ =	shalt  }
0x44: {  	_ =	shalt  }
0x45: {  	_ =	shalt  }
0x46: {  	_ =	shalt  }
0x47: {  	_ =	shalt  }
0x48: {  	_ =	shalt  }
0x49: {  	_ =	shalt  }
0x4a: {  	_ =	shalt  }
0x4b: {  	_ =	shalt  }
0x4c: {  	_ =	shalt  }
0x4d: {  	_ =	shalt  }
0x4e: {  	_ =	shalt  }
0x4f: {  	_ =	shalt  }
0x50: {  	_ =	shalt  }
0x51: {  	_ =	shalt  }
0x52: {  	_ =	shalt  }
0x53: {  	_ =	shalt  }
0x54: {  	_ =	shalt  }
0x55: {  	_ =	shalt  }
0x56: {  	_ =	shalt  }
0x57: {  	_ =	shalt  }
0x58: {  	_ =	shalt  }
0x59: {  	_ =	shalt  }
0x5a: {  	_ =	shalt  }
0x5b: {  	_ =	shalt  }
0x5c: {  	_ =	shalt  }
0x5d: {  	_ =	shalt  }
0x5e: {  	_ =	shalt  }
0x5f: {  	_ =	shalt  }
0x60: {  	_ =	shalt  }
0x61: {  	_ =	shalt  }
0x62: {  	_ =	shalt  }
0x63: {  	_ =	shalt  }
0x64: {  	_ =	shalt  }
0x65: {  	_ =	shalt  }
0x66: {  	_ =	shalt  }
0x67: {  	_ =	shalt  }
0x68: {  	_ =	shalt  }
0x69: {  	_ =	shalt  }
0x6a: {  	_ =	shalt  }
0x6b: {  	_ =	shalt  }
0x6c: {  	_ =	shalt  }
0x6d: {  	_ =	shalt  }
0x6e: {  	_ =	shalt  }
0x6f: {  	_ =	shalt  }
0x70: {  	_ =	shalt  }
0x71: {  	_ =	shalt  }
0x72: {  	_ =	shalt  }
0x73: {  	_ =	shalt  }
0x74: {  	_ =	shalt  }
0x75: {  	_ =	shalt  }
0x76: {  	_ =	shalt  }
0x77: {  	_ =	shalt  }
0x78: {  	_ =	shalt  }
0x79: {  	_ =	shalt  }
0x7a: {  	_ =	shalt  }
0x7b: {  	_ =	shalt  }
0x7c: {  	_ =	shalt  }
0x7d: {  	_ =	shalt  }
0x7e: {  	_ =	shalt  }
0x7f: {  	_ =	shalt  }
0x80: {  	_ =	shalt  }
0x81: {  	_ =	shalt  }
0x82: {  	_ =	shalt  }
0x83: {  	_ =	shalt  }
0x84: {  	_ =	shalt  }
0x85: {  	_ =	shalt  }
0x86: {  	_ =	shalt  }
0x87: {  	_ =	shalt  }
.Lfunc_end0:
.L_simem_size_0:
called_computation.1_lowered:
.L_overlay_start_0:
0x88: {  	s2 =	sld [smem:$0x3FD9]  }
0x89: {  	s3 =	sld [smem:$0x3FFE];
	_ =	sdelay $0x1  }
0x8a: {  	s1 =	srdreg.scid  }
0x8b: {  	s0 =	sand.u32 $0x1, s1  }
0x8c: {  	s17 =	sshll.u32 s0, $0xA;
	s2 =	sadd.s32 s3, s2  }
0x8d: {  	s2 =	sadd.s32 s2, s17  }
0x8e: {  	[smem:$0x3FC4] =	sst s2  }
0x8f: {  	_ = 	snop  }
0x90: {  	s2 =	sld [smem:$0x3FD0];
	(tm) =	ssettm $0x1  }
0x91: {  	s18 =	sld [smem:$0x3FFB];
	_ =	sdelay $0x3  }
0x92: {  	_ =	strace s18  }
0x93: {  	s3 =	sld [smem:$0x3FFC];
	_ =	sdelay $0x3  }
0x94: {  	_ =	strace s3  }
0x95: {  	s3 =	sld [smem:$0x3FFD];
	_ =	sdelay $0x3  }
0x96: {  	_ =	strace s3  }
0x97: {  	_ =	strace $0x8FFFFFFF  }
0x98: {  	s19 =	sld [smem:$0x3FDB];
	_ =	sdelay $0x1  }
0x99: {  	s4 =	simm.s32 $_scs_section_size  }
0x9a: {  	s5 =	simm.s32 $_size__tile_overlayer_lowered;
	s6 =	simm.s32 $_tile_overlayer_lowered  }
0x9b: {  	s22 =	simm.s32 $0x1BFF;
	s21 =	sshll.u32 s6, $0x1;
	s3 =	sadd.s32 s4, s19  }
0x9c: {  	s7 =	simm.s32 $0x0;
	s20 =	sshll.u32 s5, $0x1;
	s5 =	sadd.s32 s21, s3  }
0x9d: {  	[timem:s7], [sflag:s22] =	dma.local [hbm:s5], s20  }
0x9e: {  	_ =	swait.ge [sflag:s22], s20  }
0x9f: {  	s4 =	ssub.s32 $0x0, s20;
	[sflag:s22] =	ssyncset.done $0x0  }
0xa0: {  	[sflag:s22] =	ssyncadd.s32 s4;
	_ =	sdelay $0x1  }
0xa1: {  	s23 =	simm.s32 $0x1B8B  }
0xa2: {  	_ =	swait.ge [sflag:s23], $0x1  }
0xa3: {  	[sflag:s23] =	ssyncset.done $0x0  }
0xa4: {  	s25 =	simm.s32 $0x1B8E;
	s24 =	sld [smem:$0x3FFE];
	[sflag:s23] =	ssyncadd.s32 $0xFFFFFFFF  }
0xa5: {  	s26 =	simm.s32 $execute0_lowered;
	[smem:$0x3FD2] =	sst s25  }
0xa6: {  	s5 =	sshll.u32 s26, $0x1;
	_ =	strace $0x80000049;
	[dreg:$0x1] =	wrdreg $0xFFFFFFFF  }
0xa7: {  	s28 =	simm.s32 $_size_execute0_lowered;
	s3 =	sadd.s32 s3, s5;
	[dreg:$0x0] =	wrdreg $0x0  }
0xa8: {  	s5 =	sshll.u32 s28, $0x1;
	[dreg:$0x2] =	wrdreg s3  }
0xa9: {  	[dreg:$0x3] =	wrdreg s5  }
0xaa: {  	[dreg:$0x4] =	wrdreg $0xC0  }
0xab: {  	_ =	task [dreg:s7], $0x5FFFF  }
0xac: {  	[dreg:$0x1] =	wrdreg $0xFFFFFFFF  }
0xad: {  	[dreg:$0x0] =	wrdreg $0x60  }
0xae: {  	[dreg:$0x2] =	wrdreg s24  }
0xaf: {  	[dreg:$0x3] =	wrdreg s2  }
0xb0: {  	[dreg:$0x4] =	wrdreg $0x98000  }
0xb1: {  	[dreg:$0x5] =	wrdreg $0x9  }
0xb2: {  	_ =	task.clear_ibuf [dreg:s7], $0x6FFFF;
	_ =	strace $0x90000049  }
0xb3: {  	s29 =	simm.s32 $0x9;
	_ =	strace $0x8000004B  }
0xb4: {  	_ =	swait.ge [sflag:s29], $0x1  }
0xb5: {  	[sflag:s29] =	ssyncadd.s32 $0xFFFFFFFF  }
0xb6: {  	_ =	strace $0x9000004B  }
0xb7: {  	_ =	sfence  }
0xb8: {  	s30 =	sld [smem:$0x0];
	_ =	sdelay $0x2  }
0xb9: {  	s31 =	sshll.u32 s1, $0xD;
	s1 =	sshrl.u32 s1, $0x2  }
0xba: {  	s3 =	sand.u32 $0x4000, s31;
	s1 =	sadd.s32 s1, s30  }
0xbb: {  	s0 =	sor.u32 s3, s0;
	s1 =	sshll.u32 s1, $0x11  }
0xbc: {  	s0 =	sor.u32 s1, s0  }
0xbd: {  	s0 =	sadd.s32 $0x8F2B, s0  }
0xbe: {  	[sflag:s0] =	ssyncadd.remote.s32 $0x1  }
0xbf: {  	_ =	sfence.sel $0xFFFF  }
0xc0: {  	[dreg:$0x0] =	wrdreg $0xFFFFFFFF;
	(pc) =	sbr.abs _section_cstart, $3  }
0xc1: {  	[dreg:$0x1] =	wrdreg $0xFFFFFFFF  }
0xc2: {  	_ =	task.clear_ibuf [dreg:s7], $0x2FFFF;
	_ =	strace $0x9FFFFFFF  }
0xc3: {  	(tm) =	ssettm $0x7FFFFFFF  }
tec
execute0_lowered:
.L_overlay_start_1:
0x0: {  	(tag) =	ssettag $0x1  }
0x1: {  	s0 =	srdreg.scid;
	s9 =	stileid.u32  }
0x2: {  	s0 =	sand.u32 $0x1, s0;
	s3 =	smul.u32 $0x5000, s9  }
0x3: {  	s5 =	rddreg [dreg:$0x0];
	s1 =	smul.u32 $0x50000, s0  }
0x4: {  	s4 =	rddreg [dreg:$0x1]  }
0x5: {  	s2 =	rddreg [dreg:$0x2];
	s1 =	sadd.s32 s3, s1;
	s3 =	simm.s32 $0x0  }
0x6: {  	s19 =	simm.s32 $0x80;
	[smem:$0x7FF] =	sst s3  }
0x7: {  	s20 =	simm.s32 $0x100;
	_ =	strace $0x8000004A;
	[dreg:$0x6] =	wrdreg s19  }
0x8: {  	s21 =	simm.s32 $0x1080;
	[dreg:$0x7] =	wrdreg s20  }
0x9: {  	s22 =	simm.s32 $0x180;
	[dreg:$0x8] =	wrdreg s21  }
0xa: {  	s24 =	simm.s32 $0x1100;
	s25 =	simm.s32 $0x200;
	[dreg:$0x9] =	wrdreg s22  }
0xb: {  	s26 =	simm.s32 $0x1180;
	s10 =	simm.s32 $0x1200;
	[dreg:$0xa] =	wrdreg s24  }
0xc: {  	s11 =	simm.s32 $0x300;
	s13 =	simm.s32 $0x1280;
	[dreg:$0xb] =	wrdreg s25  }
0xd: {  	s15 =	simm.s32 $0x380;
	s16 =	simm.s32 $0x1300;
	[dreg:$0xc] =	wrdreg s26  }
0xe: {  	s18 =	simm.s32 $0x400;
	s28 =	simm.s32 $0xB00;
	[dreg:$0xe] =	wrdreg s10  }
0xf: {  	s29 =	simm.s32 $0x1A80;
	s30 =	simm.s32 $0xB80;
	[dreg:$0xf] =	wrdreg s11  }
0x10: {  	s31 =	simm.s32 $0x1B00;
	s7 =	smul.u32 $0x14000, s9;
	[dreg:$0x10] =	wrdreg s13  }
0x11: {  	s8 =	sadd.s32 $0x51400, s5;
	s17 =	smul.u32 $0x50000, s9;
	[dreg:$0x11] =	wrdreg s15  }
0x12: {  	s23 =	smul.u32 $0x140000, s0;
	s1 =	sshrl.u32 s1, $0x3;
	[dreg:$0x12] =	wrdreg s16  }
0x13: {  	s6 =	sadd.s32 s1, s5;
	s1 =	sadd.s32 s1, s4;
	[dreg:$0x13] =	wrdreg s18  }
0x14: {  	s12 =	ssub.s32 $0x2, s0;
	s19 =	simm.s32 $0x1380;
	[dreg:$0x5] =	wrdreg s1  }
0x15: {  	p0 =	seq.s32 s0, $0x0;
	s21 =	simm.s32 $0x480;
	[dreg:$0x14] =	wrdreg s19  }
0x16: {  	s0 =	simm.s32 $0x1B80;
	s22 =	simm.s32 $0x1400;
	[dreg:$0x15] =	wrdreg s21  }
0x17: {  	s14 =	sshrl.u32 s12, $0x1;
	s24 =	simm.s32 $0x500;
	[dreg:$0x16] =	wrdreg s22  }
0x18: {  	s4 =	sadd.s32 $0x29400, s5;
	s25 =	simm.s32 $0x1480;
	[dreg:$0x17] =	wrdreg s24  }
0x19: {  	s20 =	sshrl.u32 s17, $0x2;
	s11 =	simm.s32 $0x600;
	[dreg:$0x18] =	wrdreg s25  }
0x1a: {  	s13 =	simm.s32 $0x1580;
	s15 =	simm.s32 $0x1600;
	[dreg:$0x1b] =	wrdreg s11  }
0x1b: {  	s16 =	simm.s32 $0x700;
	s17 =	simm.s32 $0x1680;
	[dreg:$0x1c] =	wrdreg s13  }
0x1c: {  	s18 =	simm.s32 $0x780;
	s6 =	sadd.s32 $0x15400, s6;
	[dreg:$0x1e] =	wrdreg s15  }
0x1d: {  	s1 =	sadd.s32 s20, s2;
	s8 =	smov.u32 @p0 s4;
	[dreg:$0x1f] =	wrdreg s16  }
0x1e: {  	s11 =	simm.s32 $0x1000;
	[smem:$0x7F2] =	sst s17;
	s13 =	simm.s32 $0x2000  }
0x1f: {  	[smem:$0x7F3] =	sst s18;
	s19 =	simm.s32 $0x1700;
	s20 =	simm.s32 $0x800  }
0x20: {  	s15 =	simm.s32 $0x1;
	s21 =	simm.s32 $0x1780;
	[dreg:$0x4] =	wrdreg s6  }
0x21: {  	s16 =	simm.s32 $0x7000;
	s22 =	simm.s32 $0x880;
	[smem:$0x7F4] =	sst s19  }
0x22: {  	s17 =	simm.s32 $0x2;
	s18 =	simm.s32 $0x4;
	[smem:$0x7F5] =	sst s20  }
0x23: {  	s24 =	simm.s32 $0x900;
	s25 =	simm.s32 $0x1880;
	[smem:$0x7F6] =	sst s21  }
0x24: {  	s6 =	sadd.s32 s7, s23;
	s7 =	simm.s32 $0x280;
	[smem:$0x7F7] =	sst s22  }
0x25: {  	s23 =	smul.u32 $0x2800, s9;
	s19 =	simm.s32 $0x3;
	[smem:$0x7F9] =	sst s24  }
0x26: {  	s20 =	simm.s32 $0x5;
	[smem:$0x7FA] =	sst s25;
	s21 =	simm.s32 $0x6  }
0x27: {  	s22 =	simm.s32 $0x1900;
	s24 =	simm.s32 $0x1980;
	s6 =	sshrl.u32 s6, $0x3  }
0x28: {  	[dreg:$0xd] =	wrdreg s7;
	s5 =	sadd.s32 s6, s5;
	s10 =	sadd.s32 s8, s23  }
0x29: {  	s6 =	ssub.s32 s12, s14;
	s14 =	simm.s32 $0x680;
	[smem:$0x7F1] =	sst s10  }
0x2a: {  	s25 =	simm.s32 $0xA80;
	s23 =	simm.s32 $0x1800;
	[dreg:$0x1d] =	wrdreg s14  }
0x2b: {  	s12 =	sshll.u32 s9, $0x6;
	s8 =	sshrl.u32 s1, $0x3;
	[smem:$0x7F8] =	sst s23  }
0x2c: {  	s1 =	simm.s32 $0xC00;
	s5 =	sadd.s32 $0x79400, s5;
	[smem:$0x7FD] =	sst s8  }
0x2d: {  	s9 =	simm.s32 $0x0;
	s26 =	smax.u32 s6, $0x1;
	[smem:$0x7EF] =	sst s5  }
0x2e: {  	s6 =	simm.s32 $0x1500;
	s7 =	sor.u32 $0x1C07, s12;
	[smem:$0x7F0] =	sst s26  }
0x2f: {  	s10 =	simm.s32 $0x7;
	s12 =	simm.s32 $0x50;
	[dreg:$0x1a] =	wrdreg s6  }
0x30: {  	s14 =	simm.s32 $0x4800;
	s5 =	simm.s32 $0x580;
	[smem:$0x7FC] =	sst s7  }
0x31: {  	s23 =	simm.s32 $0xA00;
	s26 =	simm.s32 $0x980;
	[dreg:$0x19] =	wrdreg s5  }
0x32: {  	[smem:$0x7FB] =	sst s26;
	s26 =	simm.s32 $0x1A00;
	s5 =	simm.s32 $0x1C00  }
.LBB2_1:
0x33: {  	s6 =	sld [smem:$0x7F1];
	_ =	sdelay $0x1  }
0x34: {  	[smem:$0x7EE] =	sst s9  }
0x35: {  	[spmem:s8], [sflag:s7] =	dma.local [hbm:s6], $0x2800  }
0x36: {  	_ =	swait.ge [sflag:s10], $0x2800  }
0x37: {  	[sflag:s10] =	ssyncset.done $0x0  }
0x38: {  	[sflag:s10] =	ssyncadd.s32 $0xFFFFD800  }
0x39: {  	[bflag:$0x0] =	sbarrier.arrive $0xFFFF  }
0x3a: {  	s8 =	rddreg [dreg:$0x5]  }
0x3b: {  	s7 =	sadd.s32 $0x0, s8  }
0x3c: {  	[tilespmem:s3], [sflag:$0x7] =	stream.linear.gather [hbm4b:s7+s3], $0xC80, $0x38;
	[tilespmem:$0x1D800] =	vst v63  }
0x3d: {  	_ =	swait.ge [sflag:s10], $0xC80  }
0x3e: {  	s9 =	rddreg [dreg:$0x4];
	[sflag:s10] =	ssyncset.done $0x0  }
0x3f: {  	[sflag:s10] =	ssyncadd.s32 $0xFFFFF380;
	s7 =	sadd.s32 $0x0, s9  }
0x40: {  	[tilespmem:s11], [sflag:$0x7] =	stream.linear.gather [hbm4b:s7+s3], $0xC80, $0x38;
	[tilespmem:$0x1D800] =	vst v63  }
0x41: {  	_ =	swait.ge [sflag:s10], $0xC80  }
0x42: {  	[sflag:s10] =	ssyncset.done $0x0  }
0x43: {  	[sflag:s10] =	ssyncadd.s32 $0xFFFFF380  }
0x44: {  	[tilespmem:s13], [sflag:$0x1] =	stream.indirect.gather [hbm4b:s4+s12], $0x80, s3, s12, $0xb8;
	[tilespmem:$0x1D800] =	vst v63  }
0x45: {  	s6 =	rddreg [dreg:$0x6]  }
0x46: {  	[tilespmem:s14], [sflag:$0x2] =	stream.indirect.gather [hbm4b:s4+s12], $0x80, s6, s12, $0xb8;
	[tilespmem:$0x1D800] =	vst v63  }
0x47: {  	_ =	swait.ge [sflag:s15], $0x2800  }
0x48: {  	[sflag:s15] =	ssyncset.done $0x0  }
0x49: {  	[sflag:s15] =	ssyncadd.s32 $0xFFFFD800  }
0x4a: {  	[spmem:s2] =	stream.indirect.scatter.add.f32 [tilespmem:s13], [sflag:$0x4], $0x80, s11, s12, $0xb8;
	[tilespmem:$0x1D800] =	vst v63  }
0x4b: {  	s8 =	rddreg [dreg:$0x7]  }
0x4c: {  	[tilespmem:s16], [sflag:$0x3] =	stream.indirect.gather [hbm4b:s4+s12], $0x80, s8, s12, $0xb8;
	[tilespmem:$0x1D800] =	vst v63  }
0x4d: {  	_ =	swait.ge [sflag:s17], $0x2800  }
0x4e: {  	[sflag:s17] =	ssyncset.done $0x0  }
0x4f: {  	s9 =	rddreg [dreg:$0x8];
	[sflag:s17] =	ssyncadd.s32 $0xFFFFD800  }
0x50: {  	[spmem:s2] =	stream.indirect.scatter.add.f32 [tilespmem:s14], [sflag:$0x5], $0x80, s9, s12, $0xb8;
	[tilespmem:$0x1D800] =	vst v63  }
0x51: {  	_ =	swait.ge [sflag:s18], $0x2800  }
0x52: {  	[sflag:s18] =	ssyncset.done $0x0  }
0x53: {  	s6 =	rddreg [dreg:$0x9];
	[sflag:s18] =	ssyncadd.s32 $0xFFFFD800  }
0x54: {  	[tilespmem:s13], [sflag:$0x1] =	stream.indirect.gather [hbm4b:s4+s12], $0x80, s6, s12, $0xb8;
	[tilespmem:$0x1D800] =	vst v63  }
0x55: {  	_ =	swait.ge [sflag:s19], $0x2800  }
0x56: {  	[sflag:s19] =	ssyncset.done $0x0  }
0x57: {  	s8 =	rddreg [dreg:$0xa];
	[sflag:s19] =	ssyncadd.s32 $0xFFFFD800  }
0x58: {  	[spmem:s2] =	stream.indirect.scatter.add.f32 [tilespmem:s16], [sflag:$0x6], $0x80, s8, s12, $0xb8;
	[tilespmem:$0x1D800] =	vst v63  }
0x59: {  	_ =	swait.ge [sflag:s20], $0x2800  }
0x5a: {  	[sflag:s20] =	ssyncset.done $0x0  }
0x5b: {  	s9 =	rddreg [dreg:$0xb];
	[sflag:s20] =	ssyncadd.s32 $0xFFFFD800  }
0x5c: {  	[tilespmem:s14], [sflag:$0x2] =	stream.indirect.gather [hbm4b:s4+s12], $0x80, s9, s12, $0xb8;
	[tilespmem:$0x1D800] =	vst v63  }
0x5d: {  	_ =	swait.ge [sflag:s15], $0x2800  }
0x5e: {  	[sflag:s15] =	ssyncset.done $0x0  }
0x5f: {  	s6 =	rddreg [dreg:$0xc];
	[sflag:s15] =	ssyncadd.s32 $0xFFFFD800  }
0x60: {  	[spmem:s2] =	stream.indirect.scatter.add.f32 [tilespmem:s13], [sflag:$0x4], $0x80, s6, s12, $0xb8;
	[tilespmem:$0x1D800] =	vst v63  }
0x61: {  	_ =	swait.ge [sflag:s21], $0x2800  }
0x62: {  	[sflag:s21] =	ssyncset.done $0x0  }
0x63: {  	s8 =	rddreg [dreg:$0xd];
	[sflag:s21] =	ssyncadd.s32 $0xFFFFD800  }
0x64: {  	[tilespmem:s16], [sflag:$0x3] =	stream.indirect.gather [hbm4b:s4+s12], $0x80, s8, s12, $0xb8;
	[tilespmem:$0x1D800] =	vst v63  }
0x65: {  	_ =	swait.ge [sflag:s17], $0x2800  }
0x66: {  	[sflag:s17] =	ssyncset.done $0x0  }
0x67: {  	s9 =	rddreg [dreg:$0xe];
	[sflag:s17] =	ssyncadd.s32 $0xFFFFD800  }
0x68: {  	[spmem:s2] =	stream.indirect.scatter.add.f32 [tilespmem:s14], [sflag:$0x5], $0x80, s9, s12, $0xb8;
	[tilespmem:$0x1D800] =	vst v63  }
0x69: {  	_ =	swait.ge [sflag:s18], $0x2800  }
0x6a: {  	[sflag:s18] =	ssyncset.done $0x0  }
0x6b: {  	s6 =	rddreg [dreg:$0xf];
	[sflag:s18] =	ssyncadd.s32 $0xFFFFD800  }
0x6c: {  	[tilespmem:s13], [sflag:$0x1] =	stream.indirect.gather [hbm4b:s4+s12], $0x80, s6, s12, $0xb8;
	[tilespmem:$0x1D800] =	vst v63  }
0x6d: {  	_ =	swait.ge [sflag:s19], $0x2800  }
0x6e: {  	[sflag:s19] =	ssyncset.done $0x0  }
0x6f: {  	s8 =	rddreg [dreg:$0x10];
	[sflag:s19] =	ssyncadd.s32 $0xFFFFD800  }
0x70: {  	[spmem:s2] =	stream.indirect.scatter.add.f32 [tilespmem:s16], [sflag:$0x6], $0x80, s8, s12, $0xb8;
	[tilespmem:$0x1D800] =	vst v63  }
0x71: {  	_ =	swait.ge [sflag:s20], $0x2800  }
0x72: {  	[sflag:s20] =	ssyncset.done $0x0  }
0x73: {  	s9 =	rddreg [dreg:$0x11];
	[sflag:s20] =	ssyncadd.s32 $0xFFFFD800  }
0x74: {  	[tilespmem:s14], [sflag:$0x2] =	stream.indirect.gather [hbm4b:s4+s12], $0x80, s9, s12, $0xb8;
	[tilespmem:$0x1D800] =	vst v63  }
0x75: {  	_ =	swait.ge [sflag:s15], $0x2800  }
0x76: {  	[sflag:s15] =	ssyncset.done $0x0  }
0x77: {  	s6 =	rddreg [dreg:$0x12];
	[sflag:s15] =	ssyncadd.s32 $0xFFFFD800  }
0x78: {  	[spmem:s2] =	stream.indirect.scatter.add.f32 [tilespmem:s13], [sflag:$0x4], $0x80, s6, s12, $0xb8;
	[tilespmem:$0x1D800] =	vst v63  }
0x79: {  	_ =	swait.ge [sflag:s21], $0x2800  }
0x7a: {  	[sflag:s21] =	ssyncset.done $0x0  }
0x7b: {  	s8 =	rddreg [dreg:$0x13];
	[sflag:s21] =	ssyncadd.s32 $0xFFFFD800  }
0x7c: {  	[tilespmem:s16], [sflag:$0x3] =	stream.indirect.gather [hbm4b:s4+s12], $0x80, s8, s12, $0xb8;
	[tilespmem:$0x1D800] =	vst v63  }
0x7d: {  	_ =	swait.ge [sflag:s17], $0x2800  }
0x7e: {  	[sflag:s17] =	ssyncset.done $0x0  }
0x7f: {  	s9 =	rddreg [dreg:$0x14];
	[sflag:s17] =	ssyncadd.s32 $0xFFFFD800  }
0x80: {  	[spmem:s2] =	stream.indirect.scatter.add.f32 [tilespmem:s14], [sflag:$0x5], $0x80, s9, s12, $0xb8;
	[tilespmem:$0x1D800] =	vst v63  }
0x81: {  	_ =	swait.ge [sflag:s18], $0x2800  }
0x82: {  	[sflag:s18] =	ssyncset.done $0x0  }
0x83: {  	s6 =	rddreg [dreg:$0x15];
	[sflag:s18] =	ssyncadd.s32 $0xFFFFD800  }
0x84: {  	[tilespmem:s13], [sflag:$0x1] =	stream.indirect.gather [hbm4b:s4+s12], $0x80, s6, s12, $0xb8;
	[tilespmem:$0x1D800] =	vst v63  }
0x85: {  	_ =	swait.ge [sflag:s19], $0x2800  }
0x86: {  	[sflag:s19] =	ssyncset.done $0x0  }
0x87: {  	s8 =	rddreg [dreg:$0x16];
	[sflag:s19] =	ssyncadd.s32 $0xFFFFD800  }
0x88: {  	[spmem:s2] =	stream.indirect.scatter.add.f32 [tilespmem:s16], [sflag:$0x6], $0x80, s8, s12, $0xb8;
	[tilespmem:$0x1D800] =	vst v63  }
0x89: {  	_ =	swait.ge [sflag:s20], $0x2800  }
0x8a: {  	[sflag:s20] =	ssyncset.done $0x0  }
0x8b: {  	s9 =	rddreg [dreg:$0x17];
	[sflag:s20] =	ssyncadd.s32 $0xFFFFD800  }
0x8c: {  	[tilespmem:s14], [sflag:$0x2] =	stream.indirect.gather [hbm4b:s4+s12], $0x80, s9, s12, $0xb8;
	[tilespmem:$0x1D800] =	vst v63  }
0x8d: {  	_ =	swait.ge [sflag:s15], $0x2800  }
0x8e: {  	[sflag:s15] =	ssyncset.done $0x0  }
0x8f: {  	s6 =	rddreg [dreg:$0x18];
	[sflag:s15] =	ssyncadd.s32 $0xFFFFD800  }
0x90: {  	[spmem:s2] =	stream.indirect.scatter.add.f32 [tilespmem:s13], [sflag:$0x4], $0x80, s6, s12, $0xb8;
	[tilespmem:$0x1D800] =	vst v63  }
0x91: {  	_ =	swait.ge [sflag:s21], $0x2800  }
0x92: {  	[sflag:s21] =	ssyncset.done $0x0  }
0x93: {  	s8 =	rddreg [dreg:$0x19];
	[sflag:s21] =	ssyncadd.s32 $0xFFFFD800  }
0x94: {  	[tilespmem:s16], [sflag:$0x3] =	stream.indirect.gather [hbm4b:s4+s12], $0x80, s8, s12, $0xb8;
	[tilespmem:$0x1D800] =	vst v63  }
0x95: {  	_ =	swait.ge [sflag:s17], $0x2800  }
0x96: {  	[sflag:s17] =	ssyncset.done $0x0  }
0x97: {  	s9 =	rddreg [dreg:$0x1a];
	[sflag:s17] =	ssyncadd.s32 $0xFFFFD800  }
0x98: {  	[spmem:s2] =	stream.indirect.scatter.add.f32 [tilespmem:s14], [sflag:$0x5], $0x80, s9, s12, $0xb8;
	[tilespmem:$0x1D800] =	vst v63  }
0x99: {  	_ =	swait.ge [sflag:s18], $0x2800  }
0x9a: {  	[sflag:s18] =	ssyncset.done $0x0  }
0x9b: {  	s6 =	rddreg [dreg:$0x1b];
	[sflag:s18] =	ssyncadd.s32 $0xFFFFD800  }
0x9c: {  	[tilespmem:s13], [sflag:$0x1] =	stream.indirect.gather [hbm4b:s4+s12], $0x80, s6, s12, $0xb8;
	[tilespmem:$0x1D800] =	vst v63  }
0x9d: {  	_ =	swait.ge [sflag:s19], $0x2800  }
0x9e: {  	[sflag:s19] =	ssyncset.done $0x0  }
0x9f: {  	s8 =	rddreg [dreg:$0x1c];
	[sflag:s19] =	ssyncadd.s32 $0xFFFFD800  }
0xa0: {  	[spmem:s2] =	stream.indirect.scatter.add.f32 [tilespmem:s16], [sflag:$0x6], $0x80, s8, s12, $0xb8;
	[tilespmem:$0x1D800] =	vst v63  }
0xa1: {  	_ =	swait.ge [sflag:s20], $0x2800  }
0xa2: {  	[sflag:s20] =	ssyncset.done $0x0  }
0xa3: {  	s9 =	rddreg [dreg:$0x1d];
	[sflag:s20] =	ssyncadd.s32 $0xFFFFD800  }
0xa4: {  	[tilespmem:s14], [sflag:$0x2] =	stream.indirect.gather [hbm4b:s4+s12], $0x80, s9, s12, $0xb8;
	[tilespmem:$0x1D800] =	vst v63  }
0xa5: {  	_ =	swait.ge [sflag:s15], $0x2800  }
0xa6: {  	[sflag:s15] =	ssyncset.done $0x0  }
0xa7: {  	s6 =	rddreg [dreg:$0x1e];
	[sflag:s15] =	ssyncadd.s32 $0xFFFFD800  }
0xa8: {  	[spmem:s2] =	stream.indirect.scatter.add.f32 [tilespmem:s13], [sflag:$0x4], $0x80, s6, s12, $0xb8;
	[tilespmem:$0x1D800] =	vst v63  }
0xa9: {  	_ =	swait.ge [sflag:s21], $0x2800  }
0xaa: {  	[sflag:s21] =	ssyncset.done $0x0  }
0xab: {  	s8 =	rddreg [dreg:$0x1f];
	[sflag:s21] =	ssyncadd.s32 $0xFFFFD800  }
0xac: {  	[tilespmem:s16], [sflag:$0x3] =	stream.indirect.gather [hbm4b:s4+s12], $0x80, s8, s12, $0xb8;
	[tilespmem:$0x1D800] =	vst v63  }
0xad: {  	_ =	swait.ge [sflag:s17], $0x2800  }
0xae: {  	s9 =	sld [smem:$0x7F2]  }
0xaf: {  	[sflag:s17] =	ssyncset.done $0x0  }
0xb0: {  	[sflag:s17] =	ssyncadd.s32 $0xFFFFD800  }
0xb1: {  	[spmem:s2] =	stream.indirect.scatter.add.f32 [tilespmem:s14], [sflag:$0x5], $0x80, s9, s12, $0xb8;
	[tilespmem:$0x1D800] =	vst v63  }
0xb2: {  	_ =	swait.ge [sflag:s18], $0x2800  }
0xb3: {  	s6 =	sld [smem:$0x7F3]  }
0xb4: {  	[sflag:s18] =	ssyncset.done $0x0  }
0xb5: {  	[sflag:s18] =	ssyncadd.s32 $0xFFFFD800  }
0xb6: {  	[tilespmem:s13], [sflag:$0x1] =	stream.indirect.gather [hbm4b:s4+s12], $0x80, s6, s12, $0xb8;
	[tilespmem:$0x1D800] =	vst v63  }
0xb7: {  	_ =	swait.ge [sflag:s19], $0x2800  }
0xb8: {  	s8 =	sld [smem:$0x7F4]  }
0xb9: {  	[sflag:s19] =	ssyncset.done $0x0  }
0xba: {  	[sflag:s19] =	ssyncadd.s32 $0xFFFFD800  }
0xbb: {  	[spmem:s2] =	stream.indirect.scatter.add.f32 [tilespmem:s16], [sflag:$0x6], $0x80, s8, s12, $0xb8;
	[tilespmem:$0x1D800] =	vst v63  }
0xbc: {  	_ =	swait.ge [sflag:s20], $0x2800  }
0xbd: {  	s9 =	sld [smem:$0x7F5]  }
0xbe: {  	[sflag:s20] =	ssyncset.done $0x0  }
0xbf: {  	[sflag:s20] =	ssyncadd.s32 $0xFFFFD800  }
0xc0: {  	[tilespmem:s14], [sflag:$0x2] =	stream.indirect.gather [hbm4b:s4+s12], $0x80, s9, s12, $0xb8;
	[tilespmem:$0x1D800] =	vst v63  }
0xc1: {  	_ =	swait.ge [sflag:s15], $0x2800  }
0xc2: {  	s6 =	sld [smem:$0x7F6]  }
0xc3: {  	[sflag:s15] =	ssyncset.done $0x0  }
0xc4: {  	[sflag:s15] =	ssyncadd.s32 $0xFFFFD800  }
0xc5: {  	[spmem:s2] =	stream.indirect.scatter.add.f32 [tilespmem:s13], [sflag:$0x4], $0x80, s6, s12, $0xb8;
	[tilespmem:$0x1D800] =	vst v63  }
0xc6: {  	_ =	swait.ge [sflag:s21], $0x2800  }
0xc7: {  	s8 =	sld [smem:$0x7F7]  }
0xc8: {  	[sflag:s21] =	ssyncset.done $0x0  }
0xc9: {  	[sflag:s21] =	ssyncadd.s32 $0xFFFFD800  }
0xca: {  	[tilespmem:s16], [sflag:$0x3] =	stream.indirect.gather [hbm4b:s4+s12], $0x80, s8, s12, $0xb8;
	[tilespmem:$0x1D800] =	vst v63  }
0xcb: {  	_ =	swait.ge [sflag:s17], $0x2800  }
0xcc: {  	s9 =	sld [smem:$0x7F8]  }
0xcd: {  	[sflag:s17] =	ssyncset.done $0x0  }
0xce: {  	[sflag:s17] =	ssyncadd.s32 $0xFFFFD800  }
0xcf: {  	[spmem:s2] =	stream.indirect.scatter.add.f32 [tilespmem:s14], [sflag:$0x5], $0x80, s9, s12, $0xb8;
	[tilespmem:$0x1D800] =	vst v63  }
0xd0: {  	_ =	swait.ge [sflag:s18], $0x2800  }
0xd1: {  	s6 =	sld [smem:$0x7F9]  }
0xd2: {  	[sflag:s18] =	ssyncset.done $0x0  }
0xd3: {  	[sflag:s18] =	ssyncadd.s32 $0xFFFFD800  }
0xd4: {  	[tilespmem:s13], [sflag:$0x1] =	stream.indirect.gather [hbm4b:s4+s12], $0x80, s6, s12, $0xb8;
	[tilespmem:$0x1D800] =	vst v63  }
0xd5: {  	_ =	swait.ge [sflag:s19], $0x2800  }
0xd6: {  	s8 =	sld [smem:$0x7FA]  }
0xd7: {  	[sflag:s19] =	ssyncset.done $0x0  }
0xd8: {  	[sflag:s19] =	ssyncadd.s32 $0xFFFFD800  }
0xd9: {  	[spmem:s2] =	stream.indirect.scatter.add.f32 [tilespmem:s16], [sflag:$0x6], $0x80, s8, s12, $0xb8;
	[tilespmem:$0x1D800] =	vst v63  }
0xda: {  	_ =	swait.ge [sflag:s20], $0x2800  }
0xdb: {  	s9 =	sld [smem:$0x7FB]  }
0xdc: {  	[sflag:s20] =	ssyncset.done $0x0  }
0xdd: {  	[sflag:s20] =	ssyncadd.s32 $0xFFFFD800  }
0xde: {  	[tilespmem:s14], [sflag:$0x2] =	stream.indirect.gather [hbm4b:s4+s12], $0x80, s9, s12, $0xb8;
	[tilespmem:$0x1D800] =	vst v63  }
0xdf: {  	_ =	swait.ge [sflag:s15], $0x2800  }
0xe0: {  	[sflag:s15] =	ssyncset.done $0x0  }
0xe1: {  	[sflag:s15] =	ssyncadd.s32 $0xFFFFD800  }
0xe2: {  	[spmem:s2] =	stream.indirect.scatter.add.f32 [tilespmem:s13], [sflag:$0x4], $0x80, s22, s12, $0xb8;
	[tilespmem:$0x1D800] =	vst v63  }
0xe3: {  	_ =	swait.ge [sflag:s21], $0x2800  }
0xe4: {  	[sflag:s21] =	ssyncset.done $0x0  }
0xe5: {  	[sflag:s21] =	ssyncadd.s32 $0xFFFFD800  }
0xe6: {  	[tilespmem:s16], [sflag:$0x3] =	stream.indirect.gather [hbm4b:s4+s12], $0x80, s23, s12, $0xb8;
	[tilespmem:$0x1D800] =	vst v63  }
0xe7: {  	_ =	swait.ge [sflag:s17], $0x2800  }
0xe8: {  	[sflag:s17] =	ssyncset.done $0x0  }
0xe9: {  	[sflag:s17] =	ssyncadd.s32 $0xFFFFD800  }
0xea: {  	[spmem:s2] =	stream.indirect.scatter.add.f32 [tilespmem:s14], [sflag:$0x5], $0x80, s24, s12, $0xb8;
	[tilespmem:$0x1D800] =	vst v63  }
0xeb: {  	_ =	swait.ge [sflag:s18], $0x2800  }
0xec: {  	[sflag:s18] =	ssyncset.done $0x0  }
0xed: {  	[sflag:s18] =	ssyncadd.s32 $0xFFFFD800  }
0xee: {  	[tilespmem:s13], [sflag:$0x1] =	stream.indirect.gather [hbm4b:s4+s12], $0x80, s25, s12, $0xb8;
	[tilespmem:$0x1D800] =	vst v63  }
0xef: {  	_ =	swait.ge [sflag:s19], $0x2800  }
0xf0: {  	[sflag:s19] =	ssyncset.done $0x0  }
0xf1: {  	[sflag:s19] =	ssyncadd.s32 $0xFFFFD800  }
0xf2: {  	[spmem:s2] =	stream.indirect.scatter.add.f32 [tilespmem:s16], [sflag:$0x6], $0x80, s26, s12, $0xb8;
	[tilespmem:$0x1D800] =	vst v63  }
0xf3: {  	_ =	swait.ge [sflag:s20], $0x2800  }
0xf4: {  	[sflag:s20] =	ssyncset.done $0x0  }
0xf5: {  	[sflag:s20] =	ssyncadd.s32 $0xFFFFD800  }
0xf6: {  	[tilespmem:s14], [sflag:$0x2] =	stream.indirect.gather [hbm4b:s4+s12], $0x80, s28, s12, $0xb8;
	[tilespmem:$0x1D800] =	vst v63  }
0xf7: {  	_ =	swait.ge [sflag:s15], $0x2800  }
0xf8: {  	[sflag:s15] =	ssyncset.done $0x0  }
0xf9: {  	[sflag:s15] =	ssyncadd.s32 $0xFFFFD800  }
0xfa: {  	[spmem:s2] =	stream.indirect.scatter.add.f32 [tilespmem:s13], [sflag:$0x4], $0x80, s29, s12, $0xb8;
	[tilespmem:$0x1D800] =	vst v63  }
0xfb: {  	_ =	swait.ge [sflag:s21], $0x2800  }
0xfc: {  	[sflag:s21] =	ssyncset.done $0x0  }
0xfd: {  	[sflag:s21] =	ssyncadd.s32 $0xFFFFD800  }
0xfe: {  	[tilespmem:s16], [sflag:$0x3] =	stream.indirect.gather [hbm4b:s4+s12], $0x80, s30, s12, $0xb8;
	[tilespmem:$0x1D800] =	vst v63  }
0xff: {  	_ =	swait.ge [sflag:s17], $0x2800  }
0x100: {  	[sflag:s17] =	ssyncset.done $0x0  }
0x101: {  	[sflag:s17] =	ssyncadd.s32 $0xFFFFD800  }
0x102: {  	[spmem:s2] =	stream.indirect.scatter.add.f32 [tilespmem:s14], [sflag:$0x5], $0x80, s31, s12, $0xb8;
	[tilespmem:$0x1D800] =	vst v63  }
0x103: {  	_ =	swait.ge [sflag:s18], $0x2800  }
0x104: {  	[sflag:s18] =	ssyncset.done $0x0  }
0x105: {  	[sflag:s18] =	ssyncadd.s32 $0xFFFFD800  }
0x106: {  	[tilespmem:s13], [sflag:$0x1] =	stream.indirect.gather [hbm4b:s4+s12], $0x80, s1, s12, $0xb8;
	[tilespmem:$0x1D800] =	vst v63  }
0x107: {  	_ =	swait.ge [sflag:s19], $0x2800  }
0x108: {  	[sflag:s19] =	ssyncset.done $0x0  }
0x109: {  	[sflag:s19] =	ssyncadd.s32 $0xFFFFD800  }
0x10a: {  	[spmem:s2] =	stream.indirect.scatter.add.f32 [tilespmem:s16], [sflag:$0x6], $0x80, s0, s12, $0xb8;
	[tilespmem:$0x1D800] =	vst v63  }
0x10b: {  	_ =	swait.ge [sflag:s15], $0x2800  }
0x10c: {  	[sflag:s15] =	ssyncset.done $0x0  }
0x10d: {  	[sflag:s15] =	ssyncadd.s32 $0xFFFFD800  }
0x10e: {  	[spmem:s2] =	stream.indirect.scatter.add.f32 [tilespmem:s13], [sflag:$0x4], $0x80, s5, s12, $0xb8;
	[tilespmem:$0x1D800] =	vst v63  }
0x10f: {  	_ =	swait.ge [sflag:s20], $0x2800  }
0x110: {  	[sflag:s20] =	ssyncset.done $0x0  }
0x111: {  	[sflag:s20] =	ssyncadd.s32 $0xFFFFD800  }
0x112: {  	_ =	swait.ge [sflag:s21], $0x2800  }
0x113: {  	[sflag:s21] =	ssyncset.done $0x0  }
0x114: {  	[sflag:s21] =	ssyncadd.s32 $0xFFFFD800  }
0x115: {  	s7 =	simm.s32 $0x200;
	_ =	swait.ge [sflag:s18], $0x2800  }
0x116: {  	s8 =	simm.s32 $0x400;
	s9 =	rddreg [dreg:$0x5];
	[sflag:s18] =	ssyncset.done $0x0  }
.LBB2_2:
0x117: {  	[sflag:s18] =	ssyncadd.s32 $0xFFFFD800;
	s9 =	sadd.s32 s7, s9  }
0x118: {  	[tilespmem:s3], [sflag:$0x7] =	stream.linear.gather [hbm4b:s9+s3], $0xC80, $0x38;
	[tilespmem:$0x1D800] =	vst v63  }
0x119: {  	_ =	swait.ge [sflag:s10], $0xC80  }
0x11a: {  	s9 =	rddreg [dreg:$0x4];
	[sflag:s10] =	ssyncset.done $0x0  }
0x11b: {  	[sflag:s10] =	ssyncadd.s32 $0xFFFFF380;
	s9 =	sadd.s32 s7, s9  }
0x11c: {  	[tilespmem:s11], [sflag:$0x7] =	stream.linear.gather [hbm4b:s9+s3], $0xC80, $0x38;
	[tilespmem:$0x1D800] =	vst v63  }
0x11d: {  	_ =	swait.ge [sflag:s10], $0xC80  }
0x11e: {  	[sflag:s10] =	ssyncset.done $0x0  }
0x11f: {  	[sflag:s10] =	ssyncadd.s32 $0xFFFFF380  }
0x120: {  	[tilespmem:s13], [sflag:$0x1] =	stream.indirect.gather [hbm4b:s4+s12], $0x80, s3, s12, $0xb8;
	[tilespmem:$0x1D800] =	vst v63  }
0x121: {  	s9 =	rddreg [dreg:$0x6]  }
0x122: {  	[tilespmem:s14], [sflag:$0x2] =	stream.indirect.gather [hbm4b:s4+s12], $0x80, s9, s12, $0xb8;
	[tilespmem:$0x1D800] =	vst v63  }
0x123: {  	_ =	swait.ge [sflag:s15], $0x2800  }
0x124: {  	[sflag:s15] =	ssyncset.done $0x0  }
0x125: {  	[sflag:s15] =	ssyncadd.s32 $0xFFFFD800  }
0x126: {  	[spmem:s2] =	stream.indirect.scatter.add.f32 [tilespmem:s13], [sflag:$0x4], $0x80, s11, s12, $0xb8;
	[tilespmem:$0x1D800] =	vst v63  }
0x127: {  	s9 =	rddreg [dreg:$0x7]  }
0x128: {  	[tilespmem:s16], [sflag:$0x3] =	stream.indirect.gather [hbm4b:s4+s12], $0x80, s9, s12, $0xb8;
	[tilespmem:$0x1D800] =	vst v63  }
0x129: {  	_ =	swait.ge [sflag:s17], $0x2800  }
0x12a: {  	[sflag:s17] =	ssyncset.done $0x0  }
0x12b: {  	s9 =	rddreg [dreg:$0x8];
	[sflag:s17] =	ssyncadd.s32 $0xFFFFD800  }
0x12c: {  	[spmem:s2] =	stream.indirect.scatter.add.f32 [tilespmem:s14], [sflag:$0x5], $0x80, s9, s12, $0xb8;
	[tilespmem:$0x1D800] =	vst v63  }
0x12d: {  	_ =	swait.ge [sflag:s18], $0x2800  }
0x12e: {  	[sflag:s18] =	ssyncset.done $0x0  }
0x12f: {  	s9 =	rddreg [dreg:$0x9];
	[sflag:s18] =	ssyncadd.s32 $0xFFFFD800  }
0x130: {  	[tilespmem:s13], [sflag:$0x1] =	stream.indirect.gather [hbm4b:s4+s12], $0x80, s9, s12, $0xb8;
	[tilespmem:$0x1D800] =	vst v63  }
0x131: {  	_ =	swait.ge [sflag:s19], $0x2800  }
0x132: {  	[sflag:s19] =	ssyncset.done $0x0  }
0x133: {  	s9 =	rddreg [dreg:$0xa];
	[sflag:s19] =	ssyncadd.s32 $0xFFFFD800  }
0x134: {  	[spmem:s2] =	stream.indirect.scatter.add.f32 [tilespmem:s16], [sflag:$0x6], $0x80, s9, s12, $0xb8;
	[tilespmem:$0x1D800] =	vst v63  }
0x135: {  	_ =	swait.ge [sflag:s20], $0x2800  }
0x136: {  	[sflag:s20] =	ssyncset.done $0x0  }
0x137: {  	s9 =	rddreg [dreg:$0xb];
	[sflag:s20] =	ssyncadd.s32 $0xFFFFD800  }
0x138: {  	[tilespmem:s14], [sflag:$0x2] =	stream.indirect.gather [hbm4b:s4+s12], $0x80, s9, s12, $0xb8;
	[tilespmem:$0x1D800] =	vst v63  }
0x139: {  	_ =	swait.ge [sflag:s15], $0x2800  }
0x13a: {  	[sflag:s15] =	ssyncset.done $0x0  }
0x13b: {  	s9 =	rddreg [dreg:$0xc];
	[sflag:s15] =	ssyncadd.s32 $0xFFFFD800  }
0x13c: {  	[spmem:s2] =	stream.indirect.scatter.add.f32 [tilespmem:s13], [sflag:$0x4], $0x80, s9, s12, $0xb8;
	[tilespmem:$0x1D800] =	vst v63  }
0x13d: {  	_ =	swait.ge [sflag:s21], $0x2800  }
0x13e: {  	[sflag:s21] =	ssyncset.done $0x0  }
0x13f: {  	s9 =	rddreg [dreg:$0xd];
	[sflag:s21] =	ssyncadd.s32 $0xFFFFD800  }
0x140: {  	[tilespmem:s16], [sflag:$0x3] =	stream.indirect.gather [hbm4b:s4+s12], $0x80, s9, s12, $0xb8;
	[tilespmem:$0x1D800] =	vst v63  }
0x141: {  	_ =	swait.ge [sflag:s17], $0x2800  }
0x142: {  	[sflag:s17] =	ssyncset.done $0x0  }
0x143: {  	s9 =	rddreg [dreg:$0xe];
	[sflag:s17] =	ssyncadd.s32 $0xFFFFD800  }
0x144: {  	[spmem:s2] =	stream.indirect.scatter.add.f32 [tilespmem:s14], [sflag:$0x5], $0x80, s9, s12, $0xb8;
	[tilespmem:$0x1D800] =	vst v63  }
0x145: {  	_ =	swait.ge [sflag:s18], $0x2800  }
0x146: {  	[sflag:s18] =	ssyncset.done $0x0  }
0x147: {  	s9 =	rddreg [dreg:$0xf];
	[sflag:s18] =	ssyncadd.s32 $0xFFFFD800  }
0x148: {  	[tilespmem:s13], [sflag:$0x1] =	stream.indirect.gather [hbm4b:s4+s12], $0x80, s9, s12, $0xb8;
	[tilespmem:$0x1D800] =	vst v63  }
0x149: {  	_ =	swait.ge [sflag:s19], $0x2800  }
0x14a: {  	[sflag:s19] =	ssyncset.done $0x0  }
0x14b: {  	s9 =	rddreg [dreg:$0x10];
	[sflag:s19] =	ssyncadd.s32 $0xFFFFD800  }
0x14c: {  	[spmem:s2] =	stream.indirect.scatter.add.f32 [tilespmem:s16], [sflag:$0x6], $0x80, s9, s12, $0xb8;
	[tilespmem:$0x1D800] =	vst v63  }
0x14d: {  	_ =	swait.ge [sflag:s20], $0x2800  }
0x14e: {  	[sflag:s20] =	ssyncset.done $0x0  }
0x14f: {  	s9 =	rddreg [dreg:$0x11];
	[sflag:s20] =	ssyncadd.s32 $0xFFFFD800  }
0x150: {  	[tilespmem:s14], [sflag:$0x2] =	stream.indirect.gather [hbm4b:s4+s12], $0x80, s9, s12, $0xb8;
	[tilespmem:$0x1D800] =	vst v63  }
0x151: {  	_ =	swait.ge [sflag:s15], $0x2800  }
0x152: {  	[sflag:s15] =	ssyncset.done $0x0  }
0x153: {  	s9 =	rddreg [dreg:$0x12];
	[sflag:s15] =	ssyncadd.s32 $0xFFFFD800  }
0x154: {  	[spmem:s2] =	stream.indirect.scatter.add.f32 [tilespmem:s13], [sflag:$0x4], $0x80, s9, s12, $0xb8;
	[tilespmem:$0x1D800] =	vst v63  }
0x155: {  	_ =	swait.ge [sflag:s21], $0x2800  }
0x156: {  	[sflag:s21] =	ssyncset.done $0x0  }
0x157: {  	s9 =	rddreg [dreg:$0x13];
	[sflag:s21] =	ssyncadd.s32 $0xFFFFD800  }
0x158: {  	[tilespmem:s16], [sflag:$0x3] =	stream.indirect.gather [hbm4b:s4+s12], $0x80, s9, s12, $0xb8;
	[tilespmem:$0x1D800] =	vst v63  }
0x159: {  	_ =	swait.ge [sflag:s17], $0x2800  }
0x15a: {  	[sflag:s17] =	ssyncset.done $0x0  }
0x15b: {  	s9 =	rddreg [dreg:$0x14];
	[sflag:s17] =	ssyncadd.s32 $0xFFFFD800  }
0x15c: {  	[spmem:s2] =	stream.indirect.scatter.add.f32 [tilespmem:s14], [sflag:$0x5], $0x80, s9, s12, $0xb8;
	[tilespmem:$0x1D800] =	vst v63  }
0x15d: {  	_ =	swait.ge [sflag:s18], $0x2800  }
0x15e: {  	[sflag:s18] =	ssyncset.done $0x0  }
0x15f: {  	s9 =	rddreg [dreg:$0x15];
	[sflag:s18] =	ssyncadd.s32 $0xFFFFD800  }
0x160: {  	[tilespmem:s13], [sflag:$0x1] =	stream.indirect.gather [hbm4b:s4+s12], $0x80, s9, s12, $0xb8;
	[tilespmem:$0x1D800] =	vst v63  }
0x161: {  	_ =	swait.ge [sflag:s19], $0x2800  }
0x162: {  	[sflag:s19] =	ssyncset.done $0x0  }
0x163: {  	s9 =	rddreg [dreg:$0x16];
	[sflag:s19] =	ssyncadd.s32 $0xFFFFD800  }
0x164: {  	[spmem:s2] =	stream.indirect.scatter.add.f32 [tilespmem:s16], [sflag:$0x6], $0x80, s9, s12, $0xb8;
	[tilespmem:$0x1D800] =	vst v63  }
0x165: {  	_ =	swait.ge [sflag:s20], $0x2800  }
0x166: {  	[sflag:s20] =	ssyncset.done $0x0  }
0x167: {  	s9 =	rddreg [dreg:$0x17];
	[sflag:s20] =	ssyncadd.s32 $0xFFFFD800  }
0x168: {  	[tilespmem:s14], [sflag:$0x2] =	stream.indirect.gather [hbm4b:s4+s12], $0x80, s9, s12, $0xb8;
	[tilespmem:$0x1D800] =	vst v63  }
0x169: {  	_ =	swait.ge [sflag:s15], $0x2800  }
0x16a: {  	[sflag:s15] =	ssyncset.done $0x0  }
0x16b: {  	s9 =	rddreg [dreg:$0x18];
	[sflag:s15] =	ssyncadd.s32 $0xFFFFD800  }
0x16c: {  	[spmem:s2] =	stream.indirect.scatter.add.f32 [tilespmem:s13], [sflag:$0x4], $0x80, s9, s12, $0xb8;
	[tilespmem:$0x1D800] =	vst v63  }
0x16d: {  	_ =	swait.ge [sflag:s21], $0x2800  }
0x16e: {  	[sflag:s21] =	ssyncset.done $0x0  }
0x16f: {  	s9 =	rddreg [dreg:$0x19];
	[sflag:s21] =	ssyncadd.s32 $0xFFFFD800  }
0x170: {  	[tilespmem:s16], [sflag:$0x3] =	stream.indirect.gather [hbm4b:s4+s12], $0x80, s9, s12, $0xb8;
	[tilespmem:$0x1D800] =	vst v63  }
0x171: {  	_ =	swait.ge [sflag:s17], $0x2800  }
0x172: {  	[sflag:s17] =	ssyncset.done $0x0  }
0x173: {  	s9 =	rddreg [dreg:$0x1a];
	[sflag:s17] =	ssyncadd.s32 $0xFFFFD800  }
0x174: {  	[spmem:s2] =	stream.indirect.scatter.add.f32 [tilespmem:s14], [sflag:$0x5], $0x80, s9, s12, $0xb8;
	[tilespmem:$0x1D800] =	vst v63  }
0x175: {  	_ =	swait.ge [sflag:s18], $0x2800  }
0x176: {  	[sflag:s18] =	ssyncset.done $0x0  }
0x177: {  	s9 =	rddreg [dreg:$0x1b];
	[sflag:s18] =	ssyncadd.s32 $0xFFFFD800  }
0x178: {  	[tilespmem:s13], [sflag:$0x1] =	stream.indirect.gather [hbm4b:s4+s12], $0x80, s9, s12, $0xb8;
	[tilespmem:$0x1D800] =	vst v63  }
0x179: {  	_ =	swait.ge [sflag:s19], $0x2800  }
0x17a: {  	[sflag:s19] =	ssyncset.done $0x0  }
0x17b: {  	s9 =	rddreg [dreg:$0x1c];
	[sflag:s19] =	ssyncadd.s32 $0xFFFFD800  }
0x17c: {  	[spmem:s2] =	stream.indirect.scatter.add.f32 [tilespmem:s16], [sflag:$0x6], $0x80, s9, s12, $0xb8;
	[tilespmem:$0x1D800] =	vst v63  }
0x17d: {  	_ =	swait.ge [sflag:s20], $0x2800  }
0x17e: {  	[sflag:s20] =	ssyncset.done $0x0  }
0x17f: {  	s9 =	rddreg [dreg:$0x1d];
	[sflag:s20] =	ssyncadd.s32 $0xFFFFD800  }
0x180: {  	[tilespmem:s14], [sflag:$0x2] =	stream.indirect.gather [hbm4b:s4+s12], $0x80, s9, s12, $0xb8;
	[tilespmem:$0x1D800] =	vst v63  }
0x181: {  	_ =	swait.ge [sflag:s15], $0x2800  }
0x182: {  	[sflag:s15] =	ssyncset.done $0x0  }
0x183: {  	s9 =	rddreg [dreg:$0x1e];
	[sflag:s15] =	ssyncadd.s32 $0xFFFFD800  }
0x184: {  	[spmem:s2] =	stream.indirect.scatter.add.f32 [tilespmem:s13], [sflag:$0x4], $0x80, s9, s12, $0xb8;
	[tilespmem:$0x1D800] =	vst v63  }
0x185: {  	_ =	swait.ge [sflag:s21], $0x2800  }
0x186: {  	[sflag:s21] =	ssyncset.done $0x0  }
0x187: {  	s9 =	rddreg [dreg:$0x1f];
	[sflag:s21] =	ssyncadd.s32 $0xFFFFD800  }
0x188: {  	[tilespmem:s16], [sflag:$0x3] =	stream.indirect.gather [hbm4b:s4+s12], $0x80, s9, s12, $0xb8;
	[tilespmem:$0x1D800] =	vst v63  }
0x189: {  	_ =	swait.ge [sflag:s17], $0x2800  }
0x18a: {  	s9 =	sld [smem:$0x7F2]  }
0x18b: {  	[sflag:s17] =	ssyncset.done $0x0  }
0x18c: {  	[sflag:s17] =	ssyncadd.s32 $0xFFFFD800  }
0x18d: {  	[spmem:s2] =	stream.indirect.scatter.add.f32 [tilespmem:s14], [sflag:$0x5], $0x80, s9, s12, $0xb8;
	[tilespmem:$0x1D800] =	vst v63  }
0x18e: {  	_ =	swait.ge [sflag:s18], $0x2800  }
0x18f: {  	s9 =	sld [smem:$0x7F3]  }
0x190: {  	[sflag:s18] =	ssyncset.done $0x0  }
0x191: {  	[sflag:s18] =	ssyncadd.s32 $0xFFFFD800  }
0x192: {  	[tilespmem:s13], [sflag:$0x1] =	stream.indirect.gather [hbm4b:s4+s12], $0x80, s9, s12, $0xb8;
	[tilespmem:$0x1D800] =	vst v63  }
0x193: {  	_ =	swait.ge [sflag:s19], $0x2800  }
0x194: {  	s9 =	sld [smem:$0x7F4]  }
0x195: {  	[sflag:s19] =	ssyncset.done $0x0  }
0x196: {  	[sflag:s19] =	ssyncadd.s32 $0xFFFFD800  }
0x197: {  	[spmem:s2] =	stream.indirect.scatter.add.f32 [tilespmem:s16], [sflag:$0x6], $0x80, s9, s12, $0xb8;
	[tilespmem:$0x1D800] =	vst v63  }
0x198: {  	_ =	swait.ge [sflag:s20], $0x2800  }
0x199: {  	s9 =	sld [smem:$0x7F5]  }
0x19a: {  	[sflag:s20] =	ssyncset.done $0x0  }
0x19b: {  	[sflag:s20] =	ssyncadd.s32 $0xFFFFD800  }
0x19c: {  	[tilespmem:s14], [sflag:$0x2] =	stream.indirect.gather [hbm4b:s4+s12], $0x80, s9, s12, $0xb8;
	[tilespmem:$0x1D800] =	vst v63  }
0x19d: {  	_ =	swait.ge [sflag:s15], $0x2800  }
0x19e: {  	s9 =	sld [smem:$0x7F6]  }
0x19f: {  	[sflag:s15] =	ssyncset.done $0x0  }
0x1a0: {  	[sflag:s15] =	ssyncadd.s32 $0xFFFFD800  }
0x1a1: {  	[spmem:s2] =	stream.indirect.scatter.add.f32 [tilespmem:s13], [sflag:$0x4], $0x80, s9, s12, $0xb8;
	[tilespmem:$0x1D800] =	vst v63  }
0x1a2: {  	_ =	swait.ge [sflag:s21], $0x2800  }
0x1a3: {  	s9 =	sld [smem:$0x7F7]  }
0x1a4: {  	[sflag:s21] =	ssyncset.done $0x0  }
0x1a5: {  	[sflag:s21] =	ssyncadd.s32 $0xFFFFD800  }
0x1a6: {  	[tilespmem:s16], [sflag:$0x3] =	stream.indirect.gather [hbm4b:s4+s12], $0x80, s9, s12, $0xb8;
	[tilespmem:$0x1D800] =	vst v63  }
0x1a7: {  	_ =	swait.ge [sflag:s17], $0x2800  }
0x1a8: {  	s9 =	sld [smem:$0x7F8]  }
0x1a9: {  	[sflag:s17] =	ssyncset.done $0x0  }
0x1aa: {  	[sflag:s17] =	ssyncadd.s32 $0xFFFFD800  }
0x1ab: {  	[spmem:s2] =	stream.indirect.scatter.add.f32 [tilespmem:s14], [sflag:$0x5], $0x80, s9, s12, $0xb8;
	[tilespmem:$0x1D800] =	vst v63  }
0x1ac: {  	_ =	swait.ge [sflag:s18], $0x2800  }
0x1ad: {  	s9 =	sld [smem:$0x7F9]  }
0x1ae: {  	[sflag:s18] =	ssyncset.done $0x0  }
0x1af: {  	[sflag:s18] =	ssyncadd.s32 $0xFFFFD800  }
0x1b0: {  	[tilespmem:s13], [sflag:$0x1] =	stream.indirect.gather [hbm4b:s4+s12], $0x80, s9, s12, $0xb8;
	[tilespmem:$0x1D800] =	vst v63  }
0x1b1: {  	_ =	swait.ge [sflag:s19], $0x2800  }
0x1b2: {  	s9 =	sld [smem:$0x7FA]  }
0x1b3: {  	[sflag:s19] =	ssyncset.done $0x0  }
0x1b4: {  	[sflag:s19] =	ssyncadd.s32 $0xFFFFD800  }
0x1b5: {  	[spmem:s2] =	stream.indirect.scatter.add.f32 [tilespmem:s16], [sflag:$0x6], $0x80, s9, s12, $0xb8;
	[tilespmem:$0x1D800] =	vst v63  }
0x1b6: {  	_ =	swait.ge [sflag:s20], $0x2800  }
0x1b7: {  	s9 =	sld [smem:$0x7FB]  }
0x1b8: {  	[sflag:s20] =	ssyncset.done $0x0  }
0x1b9: {  	[sflag:s20] =	ssyncadd.s32 $0xFFFFD800  }
0x1ba: {  	[tilespmem:s14], [sflag:$0x2] =	stream.indirect.gather [hbm4b:s4+s12], $0x80, s9, s12, $0xb8;
	[tilespmem:$0x1D800] =	vst v63  }
0x1bb: {  	_ =	swait.ge [sflag:s15], $0x2800  }
0x1bc: {  	[sflag:s15] =	ssyncset.done $0x0  }
0x1bd: {  	[sflag:s15] =	ssyncadd.s32 $0xFFFFD800  }
0x1be: {  	[spmem:s2] =	stream.indirect.scatter.add.f32 [tilespmem:s13], [sflag:$0x4], $0x80, s22, s12, $0xb8;
	[tilespmem:$0x1D800] =	vst v63  }
0x1bf: {  	_ =	swait.ge [sflag:s21], $0x2800  }
0x1c0: {  	[sflag:s21] =	ssyncset.done $0x0  }
0x1c1: {  	[sflag:s21] =	ssyncadd.s32 $0xFFFFD800  }
0x1c2: {  	[tilespmem:s16], [sflag:$0x3] =	stream.indirect.gather [hbm4b:s4+s12], $0x80, s23, s12, $0xb8;
	[tilespmem:$0x1D800] =	vst v63  }
0x1c3: {  	_ =	swait.ge [sflag:s17], $0x2800  }
0x1c4: {  	[sflag:s17] =	ssyncset.done $0x0  }
0x1c5: {  	[sflag:s17] =	ssyncadd.s32 $0xFFFFD800  }
0x1c6: {  	[spmem:s2] =	stream.indirect.scatter.add.f32 [tilespmem:s14], [sflag:$0x5], $0x80, s24, s12, $0xb8;
	[tilespmem:$0x1D800] =	vst v63  }
0x1c7: {  	_ =	swait.ge [sflag:s18], $0x2800  }
0x1c8: {  	[sflag:s18] =	ssyncset.done $0x0  }
0x1c9: {  	[sflag:s18] =	ssyncadd.s32 $0xFFFFD800  }
0x1ca: {  	[tilespmem:s13], [sflag:$0x1] =	stream.indirect.gather [hbm4b:s4+s12], $0x80, s25, s12, $0xb8;
	[tilespmem:$0x1D800] =	vst v63  }
0x1cb: {  	_ =	swait.ge [sflag:s19], $0x2800  }
0x1cc: {  	[sflag:s19] =	ssyncset.done $0x0  }
0x1cd: {  	[sflag:s19] =	ssyncadd.s32 $0xFFFFD800  }
0x1ce: {  	[spmem:s2] =	stream.indirect.scatter.add.f32 [tilespmem:s16], [sflag:$0x6], $0x80, s26, s12, $0xb8;
	[tilespmem:$0x1D800] =	vst v63  }
0x1cf: {  	_ =	swait.ge [sflag:s20], $0x2800  }
0x1d0: {  	[sflag:s20] =	ssyncset.done $0x0  }
0x1d1: {  	[sflag:s20] =	ssyncadd.s32 $0xFFFFD800  }
0x1d2: {  	[tilespmem:s14], [sflag:$0x2] =	stream.indirect.gather [hbm4b:s4+s12], $0x80, s28, s12, $0xb8;
	[tilespmem:$0x1D800] =	vst v63  }
0x1d3: {  	_ =	swait.ge [sflag:s15], $0x2800  }
0x1d4: {  	[sflag:s15] =	ssyncset.done $0x0  }
0x1d5: {  	[sflag:s15] =	ssyncadd.s32 $0xFFFFD800  }
0x1d6: {  	[spmem:s2] =	stream.indirect.scatter.add.f32 [tilespmem:s13], [sflag:$0x4], $0x80, s29, s12, $0xb8;
	[tilespmem:$0x1D800] =	vst v63  }
0x1d7: {  	_ =	swait.ge [sflag:s21], $0x2800  }
0x1d8: {  	[sflag:s21] =	ssyncset.done $0x0  }
0x1d9: {  	[sflag:s21] =	ssyncadd.s32 $0xFFFFD800  }
0x1da: {  	[tilespmem:s16], [sflag:$0x3] =	stream.indirect.gather [hbm4b:s4+s12], $0x80, s30, s12, $0xb8;
	[tilespmem:$0x1D800] =	vst v63  }
0x1db: {  	_ =	swait.ge [sflag:s17], $0x2800  }
0x1dc: {  	[sflag:s17] =	ssyncset.done $0x0  }
0x1dd: {  	[sflag:s17] =	ssyncadd.s32 $0xFFFFD800  }
0x1de: {  	[spmem:s2] =	stream.indirect.scatter.add.f32 [tilespmem:s14], [sflag:$0x5], $0x80, s31, s12, $0xb8;
	[tilespmem:$0x1D800] =	vst v63  }
0x1df: {  	_ =	swait.ge [sflag:s18], $0x2800  }
0x1e0: {  	[sflag:s18] =	ssyncset.done $0x0  }
0x1e1: {  	[sflag:s18] =	ssyncadd.s32 $0xFFFFD800  }
0x1e2: {  	[tilespmem:s13], [sflag:$0x1] =	stream.indirect.gather [hbm4b:s4+s12], $0x80, s1, s12, $0xb8;
	[tilespmem:$0x1D800] =	vst v63  }
0x1e3: {  	_ =	swait.ge [sflag:s19], $0x2800  }
0x1e4: {  	[sflag:s19] =	ssyncset.done $0x0  }
0x1e5: {  	[sflag:s19] =	ssyncadd.s32 $0xFFFFD800  }
0x1e6: {  	[spmem:s2] =	stream.indirect.scatter.add.f32 [tilespmem:s16], [sflag:$0x6], $0x80, s0, s12, $0xb8;
	[tilespmem:$0x1D800] =	vst v63  }
0x1e7: {  	_ =	swait.ge [sflag:s15], $0x2800  }
0x1e8: {  	[sflag:s15] =	ssyncset.done $0x0  }
0x1e9: {  	[sflag:s15] =	ssyncadd.s32 $0xFFFFD800  }
0x1ea: {  	[spmem:s2] =	stream.indirect.scatter.add.f32 [tilespmem:s13], [sflag:$0x4], $0x80, s5, s12, $0xb8;
	[tilespmem:$0x1D800] =	vst v63  }
0x1eb: {  	_ =	swait.ge [sflag:s20], $0x2800  }
0x1ec: {  	[sflag:s20] =	ssyncset.done $0x0  }
0x1ed: {  	p0 =	sne.s32 s8, $0x800;
	[sflag:s20] =	ssyncadd.s32 $0xFFFFD800  }
.Ltmp0:
0x1ee: {  	_ =	swait.ge [sflag:s21], $0x2800;
	(pc) =	sbr.rel @p0 .LBB2_2-.Ltmp0, $4  }
0x1ef: {  	[sflag:s21] =	ssyncset.done $0x0  }
0x1f0: {  	[sflag:s21] =	ssyncadd.s32 $0xFFFFD800  }
0x1f1: {  	s6 =	smov.u32 s8;
	s8 =	sadd.s32 $0x200, s8;
	_ =	swait.ge [sflag:s18], $0x2800  }
0x1f2: {  	s7 =	smov.u32 s6;
	s9 =	rddreg [dreg:$0x5];
	[sflag:s18] =	ssyncset.done $0x0  }
0x1f3: {  	[sflag:s18] =	ssyncadd.s32 $0xFFFFD800;
	s6 =	sadd.s32 s7, s9  }
0x1f4: {  	[tilespmem:s3], [sflag:$0x7] =	stream.linear.gather [hbm4b:s6+s3], $0xC80, $0x38;
	[tilespmem:$0x1D800] =	vst v63  }
0x1f5: {  	_ =	swait.ge [sflag:s10], $0xC80  }
0x1f6: {  	s8 =	rddreg [dreg:$0x4];
	[sflag:s10] =	ssyncset.done $0x0  }
0x1f7: {  	s6 =	sadd.s32 s7, s8;
	[sflag:s10] =	ssyncadd.s32 $0xFFFFF380  }
0x1f8: {  	[tilespmem:s11], [sflag:$0x7] =	stream.linear.gather [hbm4b:s6+s3], $0xC80, $0x38;
	[tilespmem:$0x1D800] =	vst v63  }
0x1f9: {  	_ =	swait.ge [sflag:s10], $0xC80  }
0x1fa: {  	[sflag:s10] =	ssyncset.done $0x0  }
0x1fb: {  	[sflag:s10] =	ssyncadd.s32 $0xFFFFF380  }
0x1fc: {  	[tilespmem:s13], [sflag:$0x1] =	stream.indirect.gather [hbm4b:s4+s12], $0x80, s3, s12, $0xb8;
	[tilespmem:$0x1D800] =	vst v63  }
0x1fd: {  	s9 =	rddreg [dreg:$0x6]  }
0x1fe: {  	[tilespmem:s14], [sflag:$0x2] =	stream.indirect.gather [hbm4b:s4+s12], $0x80, s9, s12, $0xb8;
	[tilespmem:$0x1D800] =	vst v63  }
0x1ff: {  	_ =	swait.ge [sflag:s15], $0x2800  }
0x200: {  	[sflag:s15] =	ssyncset.done $0x0  }
0x201: {  	[sflag:s15] =	ssyncadd.s32 $0xFFFFD800  }
0x202: {  	[spmem:s2] =	stream.indirect.scatter.add.f32 [tilespmem:s13], [sflag:$0x4], $0x80, s11, s12, $0xb8;
	[tilespmem:$0x1D800] =	vst v63  }
0x203: {  	s7 =	rddreg [dreg:$0x7]  }
0x204: {  	[tilespmem:s16], [sflag:$0x3] =	stream.indirect.gather [hbm4b:s4+s12], $0x80, s7, s12, $0xb8;
	[tilespmem:$0x1D800] =	vst v63  }
0x205: {  	_ =	swait.ge [sflag:s17], $0x2800  }
0x206: {  	[sflag:s17] =	ssyncset.done $0x0  }
0x207: {  	s8 =	rddreg [dreg:$0x8];
	[sflag:s17] =	ssyncadd.s32 $0xFFFFD800  }
0x208: {  	[spmem:s2] =	stream.indirect.scatter.add.f32 [tilespmem:s14], [sflag:$0x5], $0x80, s8, s12, $0xb8;
	[tilespmem:$0x1D800] =	vst v63  }
0x209: {  	_ =	swait.ge [sflag:s18], $0x2800  }
0x20a: {  	[sflag:s18] =	ssyncset.done $0x0  }
0x20b: {  	s9 =	rddreg [dreg:$0x9];
	[sflag:s18] =	ssyncadd.s32 $0xFFFFD800  }
0x20c: {  	[tilespmem:s13], [sflag:$0x1] =	stream.indirect.gather [hbm4b:s4+s12], $0x80, s9, s12, $0xb8;
	[tilespmem:$0x1D800] =	vst v63  }
0x20d: {  	_ =	swait.ge [sflag:s19], $0x2800  }
0x20e: {  	[sflag:s19] =	ssyncset.done $0x0  }
0x20f: {  	s7 =	rddreg [dreg:$0xa];
	[sflag:s19] =	ssyncadd.s32 $0xFFFFD800  }
0x210: {  	[spmem:s2] =	stream.indirect.scatter.add.f32 [tilespmem:s16], [sflag:$0x6], $0x80, s7, s12, $0xb8;
	[tilespmem:$0x1D800] =	vst v63  }
0x211: {  	_ =	swait.ge [sflag:s20], $0x2800  }
0x212: {  	[sflag:s20] =	ssyncset.done $0x0  }
0x213: {  	s8 =	rddreg [dreg:$0xb];
	[sflag:s20] =	ssyncadd.s32 $0xFFFFD800  }
0x214: {  	[tilespmem:s14], [sflag:$0x2] =	stream.indirect.gather [hbm4b:s4+s12], $0x80, s8, s12, $0xb8;
	[tilespmem:$0x1D800] =	vst v63  }
0x215: {  	_ =	swait.ge [sflag:s15], $0x2800  }
0x216: {  	[sflag:s15] =	ssyncset.done $0x0  }
0x217: {  	s9 =	rddreg [dreg:$0xc];
	[sflag:s15] =	ssyncadd.s32 $0xFFFFD800  }
0x218: {  	[spmem:s2] =	stream.indirect.scatter.add.f32 [tilespmem:s13], [sflag:$0x4], $0x80, s9, s12, $0xb8;
	[tilespmem:$0x1D800] =	vst v63  }
0x219: {  	_ =	swait.ge [sflag:s21], $0x2800  }
0x21a: {  	[sflag:s21] =	ssyncset.done $0x0  }
0x21b: {  	s7 =	rddreg [dreg:$0xd];
	[sflag:s21] =	ssyncadd.s32 $0xFFFFD800  }
0x21c: {  	[tilespmem:s16], [sflag:$0x3] =	stream.indirect.gather [hbm4b:s4+s12], $0x80, s7, s12, $0xb8;
	[tilespmem:$0x1D800] =	vst v63  }
0x21d: {  	_ =	swait.ge [sflag:s17], $0x2800  }
0x21e: {  	[sflag:s17] =	ssyncset.done $0x0  }
0x21f: {  	s8 =	rddreg [dreg:$0xe];
	[sflag:s17] =	ssyncadd.s32 $0xFFFFD800  }
0x220: {  	[spmem:s2] =	stream.indirect.scatter.add.f32 [tilespmem:s14], [sflag:$0x5], $0x80, s8, s12, $0xb8;
	[tilespmem:$0x1D800] =	vst v63  }
0x221: {  	_ =	swait.ge [sflag:s18], $0x2800  }
0x222: {  	[sflag:s18] =	ssyncset.done $0x0  }
0x223: {  	s9 =	rddreg [dreg:$0xf];
	[sflag:s18] =	ssyncadd.s32 $0xFFFFD800  }
0x224: {  	[tilespmem:s13], [sflag:$0x1] =	stream.indirect.gather [hbm4b:s4+s12], $0x80, s9, s12, $0xb8;
	[tilespmem:$0x1D800] =	vst v63  }
0x225: {  	_ =	swait.ge [sflag:s19], $0x2800  }
0x226: {  	[sflag:s19] =	ssyncset.done $0x0  }
0x227: {  	s7 =	rddreg [dreg:$0x10];
	[sflag:s19] =	ssyncadd.s32 $0xFFFFD800  }
0x228: {  	[spmem:s2] =	stream.indirect.scatter.add.f32 [tilespmem:s16], [sflag:$0x6], $0x80, s7, s12, $0xb8;
	[tilespmem:$0x1D800] =	vst v63  }
0x229: {  	_ =	swait.ge [sflag:s20], $0x2800  }
0x22a: {  	[sflag:s20] =	ssyncset.done $0x0  }
0x22b: {  	s8 =	rddreg [dreg:$0x11];
	[sflag:s20] =	ssyncadd.s32 $0xFFFFD800  }
0x22c: {  	[tilespmem:s14], [sflag:$0x2] =	stream.indirect.gather [hbm4b:s4+s12], $0x80, s8, s12, $0xb8;
	[tilespmem:$0x1D800] =	vst v63  }
0x22d: {  	_ =	swait.ge [sflag:s15], $0x2800  }
0x22e: {  	[sflag:s15] =	ssyncset.done $0x0  }
0x22f: {  	s9 =	rddreg [dreg:$0x12];
	[sflag:s15] =	ssyncadd.s32 $0xFFFFD800  }
0x230: {  	[spmem:s2] =	stream.indirect.scatter.add.f32 [tilespmem:s13], [sflag:$0x4], $0x80, s9, s12, $0xb8;
	[tilespmem:$0x1D800] =	vst v63  }
0x231: {  	_ =	swait.ge [sflag:s21], $0x2800  }
0x232: {  	[sflag:s21] =	ssyncset.done $0x0  }
0x233: {  	s7 =	rddreg [dreg:$0x13];
	[sflag:s21] =	ssyncadd.s32 $0xFFFFD800  }
0x234: {  	[tilespmem:s16], [sflag:$0x3] =	stream.indirect.gather [hbm4b:s4+s12], $0x80, s7, s12, $0xb8;
	[tilespmem:$0x1D800] =	vst v63  }
0x235: {  	_ =	swait.ge [sflag:s17], $0x2800  }
0x236: {  	[sflag:s17] =	ssyncset.done $0x0  }
0x237: {  	s8 =	rddreg [dreg:$0x14];
	[sflag:s17] =	ssyncadd.s32 $0xFFFFD800  }
0x238: {  	[spmem:s2] =	stream.indirect.scatter.add.f32 [tilespmem:s14], [sflag:$0x5], $0x80, s8, s12, $0xb8;
	[tilespmem:$0x1D800] =	vst v63  }
0x239: {  	_ =	swait.ge [sflag:s18], $0x2800  }
0x23a: {  	[sflag:s18] =	ssyncset.done $0x0  }
0x23b: {  	s9 =	rddreg [dreg:$0x15];
	[sflag:s18] =	ssyncadd.s32 $0xFFFFD800  }
0x23c: {  	[tilespmem:s13], [sflag:$0x1] =	stream.indirect.gather [hbm4b:s4+s12], $0x80, s9, s12, $0xb8;
	[tilespmem:$0x1D800] =	vst v63  }
0x23d: {  	_ =	swait.ge [sflag:s19], $0x2800  }
0x23e: {  	[sflag:s19] =	ssyncset.done $0x0  }
0x23f: {  	s7 =	rddreg [dreg:$0x16];
	[sflag:s19] =	ssyncadd.s32 $0xFFFFD800  }
0x240: {  	[spmem:s2] =	stream.indirect.scatter.add.f32 [tilespmem:s16], [sflag:$0x6], $0x80, s7, s12, $0xb8;
	[tilespmem:$0x1D800] =	vst v63  }
0x241: {  	_ =	swait.ge [sflag:s20], $0x2800  }
0x242: {  	[sflag:s20] =	ssyncset.done $0x0  }
0x243: {  	s8 =	rddreg [dreg:$0x17];
	[sflag:s20] =	ssyncadd.s32 $0xFFFFD800  }
0x244: {  	[tilespmem:s14], [sflag:$0x2] =	stream.indirect.gather [hbm4b:s4+s12], $0x80, s8, s12, $0xb8;
	[tilespmem:$0x1D800] =	vst v63  }
0x245: {  	_ =	swait.ge [sflag:s15], $0x2800  }
0x246: {  	[sflag:s15] =	ssyncset.done $0x0  }
0x247: {  	s9 =	rddreg [dreg:$0x18];
	[sflag:s15] =	ssyncadd.s32 $0xFFFFD800  }
0x248: {  	[spmem:s2] =	stream.indirect.scatter.add.f32 [tilespmem:s13], [sflag:$0x4], $0x80, s9, s12, $0xb8;
	[tilespmem:$0x1D800] =	vst v63  }
0x249: {  	_ =	swait.ge [sflag:s21], $0x2800  }
0x24a: {  	[sflag:s21] =	ssyncset.done $0x0  }
0x24b: {  	s7 =	rddreg [dreg:$0x19];
	[sflag:s21] =	ssyncadd.s32 $0xFFFFD800  }
0x24c: {  	[tilespmem:s16], [sflag:$0x3] =	stream.indirect.gather [hbm4b:s4+s12], $0x80, s7, s12, $0xb8;
	[tilespmem:$0x1D800] =	vst v63  }
0x24d: {  	_ =	swait.ge [sflag:s17], $0x2800  }
0x24e: {  	[sflag:s17] =	ssyncset.done $0x0  }
0x24f: {  	s8 =	rddreg [dreg:$0x1a];
	[sflag:s17] =	ssyncadd.s32 $0xFFFFD800  }
0x250: {  	[spmem:s2] =	stream.indirect.scatter.add.f32 [tilespmem:s14], [sflag:$0x5], $0x80, s8, s12, $0xb8;
	[tilespmem:$0x1D800] =	vst v63  }
0x251: {  	_ =	swait.ge [sflag:s18], $0x2800  }
0x252: {  	[sflag:s18] =	ssyncset.done $0x0  }
0x253: {  	s9 =	rddreg [dreg:$0x1b];
	[sflag:s18] =	ssyncadd.s32 $0xFFFFD800  }
0x254: {  	[tilespmem:s13], [sflag:$0x1] =	stream.indirect.gather [hbm4b:s4+s12], $0x80, s9, s12, $0xb8;
	[tilespmem:$0x1D800] =	vst v63  }
0x255: {  	_ =	swait.ge [sflag:s19], $0x2800  }
0x256: {  	[sflag:s19] =	ssyncset.done $0x0  }
0x257: {  	s7 =	rddreg [dreg:$0x1c];
	[sflag:s19] =	ssyncadd.s32 $0xFFFFD800  }
0x258: {  	[spmem:s2] =	stream.indirect.scatter.add.f32 [tilespmem:s16], [sflag:$0x6], $0x80, s7, s12, $0xb8;
	[tilespmem:$0x1D800] =	vst v63  }
0x259: {  	_ =	swait.ge [sflag:s20], $0x2800  }
0x25a: {  	[sflag:s20] =	ssyncset.done $0x0  }
0x25b: {  	s8 =	rddreg [dreg:$0x1d];
	[sflag:s20] =	ssyncadd.s32 $0xFFFFD800  }
0x25c: {  	[tilespmem:s14], [sflag:$0x2] =	stream.indirect.gather [hbm4b:s4+s12], $0x80, s8, s12, $0xb8;
	[tilespmem:$0x1D800] =	vst v63  }
0x25d: {  	_ =	swait.ge [sflag:s15], $0x2800  }
0x25e: {  	[sflag:s15] =	ssyncset.done $0x0  }
0x25f: {  	s9 =	rddreg [dreg:$0x1e];
	[sflag:s15] =	ssyncadd.s32 $0xFFFFD800  }
0x260: {  	[spmem:s2] =	stream.indirect.scatter.add.f32 [tilespmem:s13], [sflag:$0x4], $0x80, s9, s12, $0xb8;
	[tilespmem:$0x1D800] =	vst v63  }
0x261: {  	_ =	swait.ge [sflag:s21], $0x2800  }
0x262: {  	[sflag:s21] =	ssyncset.done $0x0  }
0x263: {  	s7 =	rddreg [dreg:$0x1f];
	[sflag:s21] =	ssyncadd.s32 $0xFFFFD800  }
0x264: {  	[tilespmem:s16], [sflag:$0x3] =	stream.indirect.gather [hbm4b:s4+s12], $0x80, s7, s12, $0xb8;
	[tilespmem:$0x1D800] =	vst v63  }
0x265: {  	_ =	swait.ge [sflag:s17], $0x2800  }
0x266: {  	s8 =	sld [smem:$0x7F2]  }
0x267: {  	[sflag:s17] =	ssyncset.done $0x0  }
0x268: {  	[sflag:s17] =	ssyncadd.s32 $0xFFFFD800  }
0x269: {  	[spmem:s2] =	stream.indirect.scatter.add.f32 [tilespmem:s14], [sflag:$0x5], $0x80, s8, s12, $0xb8;
	[tilespmem:$0x1D800] =	vst v63  }
0x26a: {  	_ =	swait.ge [sflag:s18], $0x2800  }
0x26b: {  	s9 =	sld [smem:$0x7F3]  }
0x26c: {  	[sflag:s18] =	ssyncset.done $0x0  }
0x26d: {  	[sflag:s18] =	ssyncadd.s32 $0xFFFFD800  }
0x26e: {  	[tilespmem:s13], [sflag:$0x1] =	stream.indirect.gather [hbm4b:s4+s12], $0x80, s9, s12, $0xb8;
	[tilespmem:$0x1D800] =	vst v63  }
0x26f: {  	_ =	swait.ge [sflag:s19], $0x2800  }
0x270: {  	s7 =	sld [smem:$0x7F4]  }
0x271: {  	[sflag:s19] =	ssyncset.done $0x0  }
0x272: {  	[sflag:s19] =	ssyncadd.s32 $0xFFFFD800  }
0x273: {  	[spmem:s2] =	stream.indirect.scatter.add.f32 [tilespmem:s16], [sflag:$0x6], $0x80, s7, s12, $0xb8;
	[tilespmem:$0x1D800] =	vst v63  }
0x274: {  	_ =	swait.ge [sflag:s20], $0x2800  }
0x275: {  	s8 =	sld [smem:$0x7F5]  }
0x276: {  	[sflag:s20] =	ssyncset.done $0x0  }
0x277: {  	[sflag:s20] =	ssyncadd.s32 $0xFFFFD800  }
0x278: {  	[tilespmem:s14], [sflag:$0x2] =	stream.indirect.gather [hbm4b:s4+s12], $0x80, s8, s12, $0xb8;
	[tilespmem:$0x1D800] =	vst v63  }
0x279: {  	_ =	swait.ge [sflag:s15], $0x2800  }
0x27a: {  	s9 =	sld [smem:$0x7F6]  }
0x27b: {  	[sflag:s15] =	ssyncset.done $0x0  }
0x27c: {  	[sflag:s15] =	ssyncadd.s32 $0xFFFFD800  }
0x27d: {  	[spmem:s2] =	stream.indirect.scatter.add.f32 [tilespmem:s13], [sflag:$0x4], $0x80, s9, s12, $0xb8;
	[tilespmem:$0x1D800] =	vst v63  }
0x27e: {  	_ =	swait.ge [sflag:s21], $0x2800  }
0x27f: {  	s7 =	sld [smem:$0x7F7]  }
0x280: {  	[sflag:s21] =	ssyncset.done $0x0  }
0x281: {  	[sflag:s21] =	ssyncadd.s32 $0xFFFFD800  }
0x282: {  	[tilespmem:s16], [sflag:$0x3] =	stream.indirect.gather [hbm4b:s4+s12], $0x80, s7, s12, $0xb8;
	[tilespmem:$0x1D800] =	vst v63  }
0x283: {  	_ =	swait.ge [sflag:s17], $0x2800  }
0x284: {  	s8 =	sld [smem:$0x7F8]  }
0x285: {  	[sflag:s17] =	ssyncset.done $0x0  }
0x286: {  	[sflag:s17] =	ssyncadd.s32 $0xFFFFD800  }
0x287: {  	[spmem:s2] =	stream.indirect.scatter.add.f32 [tilespmem:s14], [sflag:$0x5], $0x80, s8, s12, $0xb8;
	[tilespmem:$0x1D800] =	vst v63  }
0x288: {  	_ =	swait.ge [sflag:s18], $0x2800  }
0x289: {  	s9 =	sld [smem:$0x7F9]  }
0x28a: {  	[sflag:s18] =	ssyncset.done $0x0  }
0x28b: {  	[sflag:s18] =	ssyncadd.s32 $0xFFFFD800  }
0x28c: {  	[tilespmem:s13], [sflag:$0x1] =	stream.indirect.gather [hbm4b:s4+s12], $0x80, s9, s12, $0xb8;
	[tilespmem:$0x1D800] =	vst v63  }
0x28d: {  	_ =	swait.ge [sflag:s19], $0x2800  }
0x28e: {  	s7 =	sld [smem:$0x7FA]  }
0x28f: {  	[sflag:s19] =	ssyncset.done $0x0  }
0x290: {  	[sflag:s19] =	ssyncadd.s32 $0xFFFFD800  }
0x291: {  	[spmem:s2] =	stream.indirect.scatter.add.f32 [tilespmem:s16], [sflag:$0x6], $0x80, s7, s12, $0xb8;
	[tilespmem:$0x1D800] =	vst v63  }
0x292: {  	_ =	swait.ge [sflag:s20], $0x2800  }
0x293: {  	s8 =	sld [smem:$0x7FB]  }
0x294: {  	[sflag:s20] =	ssyncset.done $0x0  }
0x295: {  	[sflag:s20] =	ssyncadd.s32 $0xFFFFD800  }
0x296: {  	[tilespmem:s14], [sflag:$0x2] =	stream.indirect.gather [hbm4b:s4+s12], $0x80, s8, s12, $0xb8;
	[tilespmem:$0x1D800] =	vst v63  }
0x297: {  	_ =	swait.ge [sflag:s15], $0x2800  }
0x298: {  	[sflag:s15] =	ssyncset.done $0x0  }
0x299: {  	[sflag:s15] =	ssyncadd.s32 $0xFFFFD800  }
0x29a: {  	[spmem:s2] =	stream.indirect.scatter.add.f32 [tilespmem:s13], [sflag:$0x4], $0x80, s22, s12, $0xb8;
	[tilespmem:$0x1D800] =	vst v63  }
0x29b: {  	_ =	swait.ge [sflag:s21], $0x2800  }
0x29c: {  	[sflag:s21] =	ssyncset.done $0x0  }
0x29d: {  	[sflag:s21] =	ssyncadd.s32 $0xFFFFD800  }
0x29e: {  	[tilespmem:s16], [sflag:$0x3] =	stream.indirect.gather [hbm4b:s4+s12], $0x80, s23, s12, $0xb8;
	[tilespmem:$0x1D800] =	vst v63  }
0x29f: {  	_ =	swait.ge [sflag:s17], $0x2800  }
0x2a0: {  	[sflag:s17] =	ssyncset.done $0x0  }
0x2a1: {  	[sflag:s17] =	ssyncadd.s32 $0xFFFFD800  }
0x2a2: {  	[spmem:s2] =	stream.indirect.scatter.add.f32 [tilespmem:s14], [sflag:$0x5], $0x80, s24, s12, $0xb8;
	[tilespmem:$0x1D800] =	vst v63  }
0x2a3: {  	_ =	swait.ge [sflag:s18], $0x2800  }
0x2a4: {  	[sflag:s18] =	ssyncset.done $0x0  }
0x2a5: {  	[sflag:s18] =	ssyncadd.s32 $0xFFFFD800  }
0x2a6: {  	[tilespmem:s13], [sflag:$0x1] =	stream.indirect.gather [hbm4b:s4+s12], $0x80, s25, s12, $0xb8;
	[tilespmem:$0x1D800] =	vst v63  }
0x2a7: {  	_ =	swait.ge [sflag:s19], $0x2800  }
0x2a8: {  	[sflag:s19] =	ssyncset.done $0x0  }
0x2a9: {  	[sflag:s19] =	ssyncadd.s32 $0xFFFFD800  }
0x2aa: {  	[spmem:s2] =	stream.indirect.scatter.add.f32 [tilespmem:s16], [sflag:$0x6], $0x80, s26, s12, $0xb8;
	[tilespmem:$0x1D800] =	vst v63  }
0x2ab: {  	_ =	swait.ge [sflag:s20], $0x2800  }
0x2ac: {  	[sflag:s20] =	ssyncset.done $0x0  }
0x2ad: {  	[sflag:s20] =	ssyncadd.s32 $0xFFFFD800  }
0x2ae: {  	[tilespmem:s14], [sflag:$0x2] =	stream.indirect.gather [hbm4b:s4+s12], $0x80, s28, s12, $0xb8;
	[tilespmem:$0x1D800] =	vst v63  }
0x2af: {  	_ =	swait.ge [sflag:s15], $0x2800  }
0x2b0: {  	[sflag:s15] =	ssyncset.done $0x0  }
0x2b1: {  	[sflag:s15] =	ssyncadd.s32 $0xFFFFD800  }
0x2b2: {  	[spmem:s2] =	stream.indirect.scatter.add.f32 [tilespmem:s13], [sflag:$0x4], $0x80, s29, s12, $0xb8;
	[tilespmem:$0x1D800] =	vst v63  }
0x2b3: {  	_ =	swait.ge [sflag:s21], $0x2800  }
0x2b4: {  	[sflag:s21] =	ssyncset.done $0x0  }
0x2b5: {  	[sflag:s21] =	ssyncadd.s32 $0xFFFFD800  }
0x2b6: {  	[tilespmem:s16], [sflag:$0x3] =	stream.indirect.gather [hbm4b:s4+s12], $0x80, s30, s12, $0xb8;
	[tilespmem:$0x1D800] =	vst v63  }
0x2b7: {  	_ =	swait.ge [sflag:s17], $0x2800  }
0x2b8: {  	[sflag:s17] =	ssyncset.done $0x0  }
0x2b9: {  	[sflag:s17] =	ssyncadd.s32 $0xFFFFD800  }
0x2ba: {  	[spmem:s2] =	stream.indirect.scatter.add.f32 [tilespmem:s14], [sflag:$0x5], $0x80, s31, s12, $0xb8;
	[tilespmem:$0x1D800] =	vst v63  }
0x2bb: {  	_ =	swait.ge [sflag:s18], $0x2800  }
0x2bc: {  	[sflag:s18] =	ssyncset.done $0x0  }
0x2bd: {  	[sflag:s18] =	ssyncadd.s32 $0xFFFFD800  }
0x2be: {  	[tilespmem:s13], [sflag:$0x1] =	stream.indirect.gather [hbm4b:s4+s12], $0x80, s1, s12, $0xb8;
	[tilespmem:$0x1D800] =	vst v63  }
0x2bf: {  	_ =	swait.ge [sflag:s19], $0x2800  }
0x2c0: {  	[sflag:s19] =	ssyncset.done $0x0  }
0x2c1: {  	[sflag:s19] =	ssyncadd.s32 $0xFFFFD800  }
0x2c2: {  	[spmem:s2] =	stream.indirect.scatter.add.f32 [tilespmem:s16], [sflag:$0x6], $0x80, s0, s12, $0xb8;
	[tilespmem:$0x1D800] =	vst v63  }
0x2c3: {  	_ =	swait.ge [sflag:s15], $0x2800  }
0x2c4: {  	[sflag:s15] =	ssyncset.done $0x0  }
0x2c5: {  	[sflag:s15] =	ssyncadd.s32 $0xFFFFD800  }
0x2c6: {  	[spmem:s2] =	stream.indirect.scatter.add.f32 [tilespmem:s13], [sflag:$0x4], $0x80, s5, s12, $0xb8;
	[tilespmem:$0x1D800] =	vst v63  }
0x2c7: {  	_ =	swait.ge [sflag:s20], $0x2800  }
0x2c8: {  	[sflag:s20] =	ssyncset.done $0x0  }
0x2c9: {  	[sflag:s20] =	ssyncadd.s32 $0xFFFFD800  }
0x2ca: {  	_ =	swait.ge [sflag:s21], $0x2800  }
0x2cb: {  	[sflag:s21] =	ssyncset.done $0x0  }
0x2cc: {  	[sflag:s21] =	ssyncadd.s32 $0xFFFFD800  }
0x2cd: {  	_ =	swait.ge [sflag:s18], $0x2800  }
0x2ce: {  	[sflag:s18] =	ssyncset.done $0x0  }
0x2cf: {  	[sflag:s18] =	ssyncadd.s32 $0xFFFFD800  }
0x2d0: {  	[bflag:$0x0] =	sbarrier.arrive $0xFFFF  }
0x2d1: {  	s9 =	sld [smem:$0x7EF]  }
0x2d2: {  	s7 =	sld [smem:$0x7FC]  }
0x2d3: {  	s8 =	sld [smem:$0x7FD];
	_ =	sdelay $0x2  }
0x2d4: {  	[hbm:s9], [sflag:s7] =	dma.local [spmem:s8], $0x2800  }
0x2d5: {  	_ =	swait.ge [sflag:s10], $0x2800  }
0x2d6: {  	s6 =	sld [smem:$0x7EE];
	_ =	sdelay $0x2  }
0x2d7: {  	s9 =	sadd.s32 $0x1, s6;
	s6 =	sld [smem:$0x7F0];
	_ =	sdelay $0x2  }
0x2d8: {  	p0 =	sne.s32 s9, s6  }
.Ltmp1:
0x2d9: {  	_ = 	snop;
	(pc) =	sbr.rel @p0 .LBB2_1-.Ltmp1, $3  }
0x2da: {  	_ =	sdelay $0x1  }
0x2db: {  	[sflag:s10] =	ssyncset.done $0x0  }
0x2dc: {  	[sflag:s10] =	ssyncadd.s32 $0xFFFFD800  }
0x2dd: {  	_ =	sfence.sel $0x180000  }
0x2de: {  	[bflag:$0x0] =	sbarrier.arrive $0xFFFF  }
0x2df: {  	_ =	strace $0x9000004A  }
0x2e0: {  	s0 =	stileid.u32;
	[bflag:$0x2] =	sbarrier.arrive $0xFFFF  }
0x2e1: {  	p0 =	sne.s32 s0, $0x0;
	s0 =	rddreg [dreg:$0x3]  }
0x2e2: {  	s0 =	sadd.s32 @!p0 $0x100000, s0  }
0x2e3: {  	[sflag:s0] =	ssyncadd.tile.s32 @!p0 $0x1;
	_ =	shalt  }
.Lfunc_end2:
_tile_overlayer_lowered:
.L_overlay_start_2:
0x2e4: {  	(tag) =	ssettag $0x2  }
0x2e5: {  	s0 =	rddreg [dreg:$0x0];
	s2 =	stileid.u32  }
0x2e6: {  	s1 =	rddreg [dreg:$0x1];
	p0 =	sne.s32 s2, $0x0  }
0x2e7: {  	s3 =	rddreg [dreg:$0x2];
	[bflag:$0x3] =	sbarrier.arrive $0xFFFF;
	s2 =	simm.s32 @!p0 $0x1C07  }
0x2e8: {  	[timem:s3], [sflag:s2] =	dma.local @!p0 [hbm:s0], s1  }
0x2e9: {  	s0 =	simm.s32 @!p0 $0x7  }
0x2ea: {  	_ =	swait.ge @!p0 [sflag:s0], s1  }
0x2eb: {  	s1 =	ssub.s32 @!p0 $0x0, s1;
	[sflag:s0] =	ssyncset.done @!p0 $0x0  }
0x2ec: {  	[sflag:s0] =	ssyncadd.s32 @!p0 s1  }
0x2ed: {  	[bflag:$0x3] =	sbarrier.arrive $0xFFFF  }
0x2ee: {  	_ =	shalt  }

</sc_bundles>
